<compile_context>
chip_gen: v7x
topology: tpu7x:2x2x1
jax: 0.10.2.dev20260603
libtpu: 0.0.44.dev20260713+nightly
codegen_flags: <defaults>
</compile_context>

<pallas_src>
import functools

import jax
import jax.numpy as jnp
from jax import lax
from jax.experimental import pallas as pl
from jax.experimental.pallas import tpu as pltpu
from jax.experimental.pallas import tpu_sc as plsc

N = 10000
E = 320000
D = 128
D_FM = 512

NC = 2
NS = 16
NW = NC * NS
FPW = D // NW
CH = 6400
NCHUNK = E // CH
UNROLL = 8



def _make_segsum(with_counts: bool):
    mesh = plsc.VectorSubcoreMesh(
        core_axis_name="c", subcore_axis_name="s",
        num_cores=NC, num_subcores=NS)

    out_type = [jax.ShapeDtypeStruct((D * N,), jnp.float32)]
    scratch = [
        pltpu.VMEM((FPW * N,), jnp.float32),
        pltpu.VMEM((FPW * N,), jnp.float32),
        pltpu.VMEM((CH,), jnp.int32),
        pltpu.VMEM((CH,), jnp.int32),
        pltpu.VMEM((CH,), jnp.int32),
        pltpu.VMEM((CH,), jnp.int32),
        pltpu.SemaphoreType.DMA,
        pltpu.SemaphoreType.DMA,
        pltpu.SemaphoreType.DMA,
        pltpu.SemaphoreType.DMA,
    ]
    if with_counts:
        out_type.append(jax.ShapeDtypeStruct((N,), jnp.float32))
        scratch.append(pltpu.VMEM((N,), jnp.float32))

    def body(xT, src, dst, *rest):
        if with_counts:
            (outT, cnt_out, table_v, acc_v, sb0, sb1, db0, db1,
             ss0, ss1, ds0, ds1, cnt_v) = rest
        else:
            (outT, table_v, acc_v, sb0, sb1, db0, db1,
             ss0, ss1, ds0, ds1) = rest
            cnt_v = None
        slots = ((sb0, db0, ss0, ds0), (sb1, db1, ss1, ds1))

        def fill(c, slot):
            sb, db, ssem, dsem = slots[slot]
            off = pl.multiple_of(c * CH, 8)
            pltpu.async_copy(src.at[pl.ds(off, CH)], sb, ssem)
            pltpu.async_copy(dst.at[pl.ds(off, CH)], db, dsem)

        def drain(c, slot):
            sb, db, ssem, dsem = slots[slot]
            off = pl.multiple_of(c * CH, 8)
            pltpu.make_async_copy(src.at[pl.ds(off, CH)], sb, ssem).wait()
            pltpu.make_async_copy(dst.at[pl.ds(off, CH)], db, dsem).wait()

        fill(0, 0)
        fill(1, 1)

        wid = lax.axis_index("s") * NC + lax.axis_index("c")
        r0 = pl.multiple_of(wid * (FPW * N), 8)
        pltpu.sync_copy(xT.at[pl.ds(r0, FPW * N)], table_v)

        zeros = jnp.zeros((16,), jnp.float32)

        def zbody(j, carry):
            o = pl.multiple_of(j * 80, 16)
            for u in range(5):
                for f in range(FPW):
                    acc_v[pl.ds(o + u * 16 + f * N, 16)] = zeros
                if with_counts:
                    cnt_v[pl.ds(o + u * 16, 16)] = zeros
            return carry
        lax.fori_loop(0, N // 80, zbody, 0)

        ones = jnp.ones((16,), jnp.float32)

        def process(sb, db):
            @plsc.parallel_loop(0, CH // 16, unroll=UNROLL)
            def _(j):
                o = pl.multiple_of(j * 16, 16)
                s16 = sb[pl.ds(o, 16)]
                d16 = db[pl.ds(o, 16)]
                for f in range(FPW):
                    v = plsc.load_gather(table_v, [s16 + (f * N)])
                    plsc.addupdate_scatter(acc_v, [d16 + (f * N)], v)
                if with_counts:
                    plsc.addupdate_scatter(cnt_v, [d16], ones)

        def pair(p, carry):
            for slot in range(2):
                c = p * 2 + slot
                drain(c, slot)
                process(*slots[slot][:2])

                @pl.when(c + 2 < NCHUNK)
                def _():
                    fill(c + 2, slot)
            return carry
        lax.fori_loop(0, NCHUNK // 2, pair, 0)

        pltpu.sync_copy(acc_v, outT.at[pl.ds(r0, FPW * N)])
        if with_counts:
            @pl.when(wid == 0)
            def _():
                pltpu.sync_copy(cnt_v, cnt_out)

    return pl.kernel(body, out_type=out_type, mesh=mesh,
                     scratch_types=scratch,
                     compiler_params=pltpu.CompilerParams(
                         needs_layout_passes=False))


@functools.lru_cache(maxsize=None)
def _get_segsum(with_counts: bool):
    return _make_segsum(with_counts)



_DN00 = (((0,), (0,)), ((), ()))
_DN01 = (((0,), (1,)), ((), ()))


def _elu(z):
    return jnp.where(z > 0, z, jnp.exp(jnp.minimum(z, 0.0)) - 1.0)


def _ln0(z, g, b):
    m = jnp.mean(z, axis=0, keepdims=True)
    v = jnp.mean((z - m) * (z - m), axis=0, keepdims=True)
    return (z - m) * lax.rsqrt(v + 1e-5) * g + b


def _tc_found_body(xf_ref, Wf_ref, bf_ref, g_ref, be_ref, out_ref):
    z = lax.dot_general(Wf_ref[...], xf_ref[...], _DN01,
                        preferred_element_type=jnp.float32)
    z = z + bf_ref[...]
    z = _ln0(z, g_ref[...], be_ref[...])
    out_ref[...] = 0.5 * z * (1.0 + lax.erf(z * 0.7071067811865476))


def _tc_sage_body(s_ref, x_ref, cnt_ref, Wl_ref, bl_ref, Wr_ref, out_ref):
    inv = 1.0 / jnp.maximum(cnt_ref[...], 1.0)
    mean = s_ref[...] * inv
    z = lax.dot_general(Wl_ref[...], mean, _DN00,
                        preferred_element_type=jnp.float32)
    z = z + lax.dot_general(Wr_ref[...], x_ref[...], _DN00,
                            preferred_element_type=jnp.float32)
    z = z + bl_ref[...]
    out_ref[...] = _elu(z)


def _tc_mid_body(s_ref, h_ref, f_ref, cnt_ref, Wl_ref, bl_ref, Wr_ref,
                 Wfu_ref, bfu_ref, g_ref, be_ref, out_ref):
    inv = 1.0 / jnp.maximum(cnt_ref[...], 1.0)
    mean = s_ref[...] * inv
    z = lax.dot_general(Wl_ref[...], mean, _DN00,
                        preferred_element_type=jnp.float32)
    z = z + lax.dot_general(Wr_ref[...], h_ref[...], _DN00,
                            preferred_element_type=jnp.float32)
    z = z + bl_ref[...]
    fused = _elu(z) + f_ref[...]
    z2 = lax.dot_general(Wfu_ref[...], fused, _DN00,
                         preferred_element_type=jnp.float32)
    z2 = z2 + bfu_ref[...]
    z2 = _ln0(z2, g_ref[...], be_ref[...])
    out_ref[...] = z2 * jax.nn.sigmoid(z2)


def _tc_final_body(s_ref, x_ref, cnt_ref, Wfl_ref, bfl_ref, Wfr_ref, out_ref):
    inv = 1.0 / jnp.maximum(cnt_ref[...], 1.0)
    mean = s_ref[...] * inv
    z = lax.dot_general(mean, Wfl_ref[...], _DN00,
                        preferred_element_type=jnp.float32)
    z = z + lax.dot_general(x_ref[...], Wfr_ref[...], _DN00,
                            preferred_element_type=jnp.float32)
    z = z + bfl_ref[...]
    out_ref[...] = _elu(z)


def _tc_call(body, n_in, out_shape):
    return pl.pallas_call(body, out_shape=out_shape)


_tc_found = pl.pallas_call(
    _tc_found_body, out_shape=jax.ShapeDtypeStruct((D, N), jnp.float32))
_tc_sage = pl.pallas_call(
    _tc_sage_body, out_shape=jax.ShapeDtypeStruct((D, N), jnp.float32))
_tc_mid = pl.pallas_call(
    _tc_mid_body, out_shape=jax.ShapeDtypeStruct((D, N), jnp.float32))
_tc_final = pl.pallas_call(
    _tc_final_body, out_shape=jax.ShapeDtypeStruct((N, D), jnp.float32))



def kernel(x_foundation, x_expression, Wl0, bl0, Wr0, Wl1, bl1, Wr1,
           Wf, bf, g1, be1, Wfu, bfu, g2, be2, Wfl, bfl, Wfr,
           ppi_edge_index):
    src = ppi_edge_index[0]
    dst = ppi_edge_index[1]
    xeT = x_expression.T

    s0f, cnt = _get_segsum(True)(xeT.reshape(-1), src, dst)
    s0T = s0f.reshape(D, N)
    cnt_r = cnt.reshape(1, N)

    fT = _tc_found(x_foundation, Wf, bf.reshape(D, 1), g1.reshape(D, 1),
                   be1.reshape(D, 1))
    h1T = _tc_sage(s0T, xeT, cnt_r, Wl0, bl0.reshape(D, 1), Wr0)

    (s1f,) = _get_segsum(False)(h1T.reshape(-1), src, dst)
    s1T = s1f.reshape(D, N)
    preT = _tc_mid(s1T, h1T, fT, cnt_r, Wl1, bl1.reshape(D, 1), Wr1,
                   Wfu, bfu.reshape(D, 1), g2.reshape(D, 1), be2.reshape(D, 1))

    (s2f,) = _get_segsum(False)(preT.reshape(-1), src, dst)
    s2T = s2f.reshape(D, N)
    out = _tc_final(s2T, preT, cnt_r, Wfl, bfl.reshape(1, D), Wfr)
    return out

# --- scband reference (transcript-rebuilt; emitter-appended) ---
"""Pipeline reference for scband-gene-encoder-81157702025559 (READ-ONLY COPY).

The authoritative reference and input builder live on the scoring server;
editing this copy changes nothing except your own understanding.
"""

import jax, jax.numpy as jnp
import numpy as np

N = 10000
E = 320000
D_EXPR = 128
D_FM = 512
D = 128


def _ln(x, g, b, eps=1e-5):
    m = jnp.mean(x, axis=-1, keepdims=True)
    v = jnp.var(x, axis=-1, keepdims=True)
    return (x - m) / jnp.sqrt(v + eps) * g + b


def _sage(x, src, dst, W_l, b_l, W_r, n):
    # PyG SAGEConv (mean aggr): out = lin_l(mean_{j in N(i)} x_j) + lin_r(x_i)
    msgs = jnp.take(x, src, axis=0)
    s = jax.ops.segment_sum(msgs, dst, num_segments=n)
    c = jax.ops.segment_sum(jnp.ones((dst.shape[0], 1), x.dtype), dst, num_segments=n)
    mean = s / jnp.clip(c, 1.0, None)
    return mean @ W_l + b_l + x @ W_r


def setup_inputs(seed: int = 0):
    key = jax.random.key(seed)
    ks = jax.random.split(key, 12)
    def w(k, shape):
        return jax.random.normal(k, shape, jnp.float32) * 0.02
    z = lambda d: jnp.zeros((d,), jnp.float32)
    o = lambda d: jnp.ones((d,), jnp.float32)
    return {
        "x_foundation": jax.random.normal(ks[0], (N, D_FM), jnp.float32),
        "x_expression": jax.random.normal(ks[1], (N, D_EXPR), jnp.float32),
        "Wl0": w(ks[2], (D_EXPR, D)), "bl0": z(D), "Wr0": w(ks[3], (D_EXPR, D)),
        "Wl1": w(ks[4], (D, D)), "bl1": z(D), "Wr1": w(ks[5], (D, D)),
        "Wf": w(ks[6], (D_FM, D)), "bf": z(D), "g1": o(D), "be1": z(D),
        "Wfu": w(ks[7], (D, D)), "bfu": z(D), "g2": o(D), "be2": z(D),
        "Wfl": w(ks[8], (D, D)), "bfl": z(D), "Wfr": w(ks[9], (D, D)),
        "ppi_edge_index": jax.random.randint(ks[10], (2, E), 0, N, jnp.int32),
    }


def reference(x_foundation, x_expression, Wl0, bl0, Wr0, Wl1, bl1, Wr1,
              Wf, bf, g1, be1, Wfu, bfu, g2, be2, Wfl, bfl, Wfr,
              ppi_edge_index):
    # Dropout layers are identity in eval mode.
    src = ppi_edge_index[0]
    dst = ppi_edge_index[1]
    # expression_layers: 2x (SAGEConv -> ELU -> Dropout)
    h = x_expression
    h = jax.nn.elu(_sage(h, src, dst, Wl0, bl0, Wr0, N))
    h = jax.nn.elu(_sage(h, src, dst, Wl1, bl1, Wr1, N))
    # foundation_proj: Linear -> LayerNorm -> GELU -> Dropout
    f = jax.nn.gelu(_ln(x_foundation @ Wf + bf, g1, be1), approximate=False)
    # addition fusion
    fused = h + f
    # fusion_layer: Linear -> LayerNorm -> SiLU -> Dropout
    out = jax.nn.silu(_ln(fused @ Wfu + bfu, g2, be2))
    # final_layers: 1x (SAGEConv -> ELU -> Dropout)
    out = jax.nn.elu(_sage(out, src, dst, Wfl, bfl, Wfr, N))
    return out

if __name__ == "__main__":
    import jax
    _d = setup_inputs()
    print(jax.jit(kernel)(*tuple(_d.values())))

</pallas_src>

<mosaic_0001>
#map = affine_map<(d0, d1) -> (0)>
module attributes {stable_mosaic.version = 14 : i64} {
  func.func @body(%arg0: i32, %arg1: i32, %arg2: memref<1280000xf32, #tpu.memory_space<hbm>>, %arg3: memref<320000xi32, #tpu.memory_space<hbm>>, %arg4: memref<320000xi32, #tpu.memory_space<hbm>>, %arg5: memref<1280000xf32, #tpu.memory_space<hbm>>, %arg6: memref<40000xf32, #tpu.memory_space<vmem>>, %arg7: memref<40000xf32, #tpu.memory_space<vmem>>, %arg8: memref<6400xi32, #tpu.memory_space<vmem>>, %arg9: memref<6400xi32, #tpu.memory_space<vmem>>, %arg10: memref<6400xi32, #tpu.memory_space<vmem>>, %arg11: memref<6400xi32, #tpu.memory_space<vmem>>, %arg12: memref<!tpu.dma_semaphore, #tpu.memory_space<semaphore_mem>>, %arg13: memref<!tpu.dma_semaphore, #tpu.memory_space<semaphore_mem>>, %arg14: memref<!tpu.dma_semaphore, #tpu.memory_space<semaphore_mem>>, %arg15: memref<!tpu.dma_semaphore, #tpu.memory_space<semaphore_mem>>) attributes {dimension_semantics = [#tpu.dimension_semantics<core_parallel>, #tpu.dimension_semantics<subcore_parallel>], iteration_bounds = array<i64: 2, 16>, scalar_prefetch = 0 : i64, scratch_operands = 10 : i64, tpu.core_type = #tpu.core_type<sc_vector_subcore>, window_params = [{transform_indices = #map}, {transform_indices = #map}, {transform_indices = #map}, {transform_indices = #map}]} {
    %multiple_of3A = arith.constant 0 : i32
    %multiple_of3A_0 = tpu.assume_multiple %multiple_of3A, 8 : i32
    %dma_start3A = tpu.memref_slice %arg3[%multiple_of3A_0] : memref<320000xi32, #tpu.memory_space<hbm>> -> memref<6400xi32, #tpu.memory_space<hbm>>
    %dma_start3A_1 = tpu.memref_slice %arg3[%multiple_of3A_0] : memref<320000xi32, #tpu.memory_space<hbm>> -> memref<6400xi32, #tpu.memory_space<hbm>>
    tpu.enqueue_dma source(%dma_start3A_1 : memref<6400xi32, #tpu.memory_space<hbm>>) target(%arg8 : memref<6400xi32, #tpu.memory_space<vmem>>) target_semaphore(%arg12 : memref<!tpu.dma_semaphore, #tpu.memory_space<semaphore_mem>>)
    %dma_start3A_2 = tpu.memref_slice %arg4[%multiple_of3A_0] : memref<320000xi32, #tpu.memory_space<hbm>> -> memref<6400xi32, #tpu.memory_space<hbm>>
    %dma_start3A_3 = tpu.memref_slice %arg4[%multiple_of3A_0] : memref<320000xi32, #tpu.memory_space<hbm>> -> memref<6400xi32, #tpu.memory_space<hbm>>
    tpu.enqueue_dma source(%dma_start3A_3 : memref<6400xi32, #tpu.memory_space<hbm>>) target(%arg10 : memref<6400xi32, #tpu.memory_space<vmem>>) target_semaphore(%arg14 : memref<!tpu.dma_semaphore, #tpu.memory_space<semaphore_mem>>)
    %multiple_of3A_4 = arith.constant 6400 : i32
    %multiple_of3A_5 = tpu.assume_multiple %multiple_of3A_4, 8 : i32
    %dma_start3A_6 = tpu.memref_slice %arg3[%multiple_of3A_5] : memref<320000xi32, #tpu.memory_space<hbm>> -> memref<6400xi32, #tpu.memory_space<hbm>>
    %dma_start3A_7 = tpu.memref_slice %arg3[%multiple_of3A_5] : memref<320000xi32, #tpu.memory_space<hbm>> -> memref<6400xi32, #tpu.memory_space<hbm>>
    tpu.enqueue_dma source(%dma_start3A_7 : memref<6400xi32, #tpu.memory_space<hbm>>) target(%arg9 : memref<6400xi32, #tpu.memory_space<vmem>>) target_semaphore(%arg13 : memref<!tpu.dma_semaphore, #tpu.memory_space<semaphore_mem>>)
    %dma_start3A_8 = tpu.memref_slice %arg4[%multiple_of3A_5] : memref<320000xi32, #tpu.memory_space<hbm>> -> memref<6400xi32, #tpu.memory_space<hbm>>
    %dma_start3A_9 = tpu.memref_slice %arg4[%multiple_of3A_5] : memref<320000xi32, #tpu.memory_space<hbm>> -> memref<6400xi32, #tpu.memory_space<hbm>>
    tpu.enqueue_dma source(%dma_start3A_9 : memref<6400xi32, #tpu.memory_space<hbm>>) target(%arg11 : memref<6400xi32, #tpu.memory_space<vmem>>) target_semaphore(%arg15 : memref<!tpu.dma_semaphore, #tpu.memory_space<semaphore_mem>>)
    %mul3A = arith.constant 2 : i32
    %mul3A_10 = arith.muli %arg1, %mul3A : i32
    %add3A = arith.addi %mul3A_10, %arg0 : i32
    %mul3A_11 = arith.constant 40000 : i32
    %mul3A_12 = arith.muli %add3A, %mul3A_11 : i32
    %multiple_of3A_13 = tpu.assume_multiple %mul3A_12, 8 : i32
    "tpu.region"() ({
      %run_scoped3A = tpu.sem_alloc : memref<!tpu.dma_semaphore, #tpu.memory_space<semaphore_mem>>
      %dma_start3A_28 = tpu.memref_slice %arg2[%multiple_of3A_13] : memref<1280000xf32, #tpu.memory_space<hbm>> -> memref<40000xf32, #tpu.memory_space<hbm>>
      %dma_start3A_29 = tpu.memref_slice %arg2[%multiple_of3A_13] : memref<1280000xf32, #tpu.memory_space<hbm>> -> memref<40000xf32, #tpu.memory_space<hbm>>
      tpu.enqueue_dma source(%dma_start3A_29 : memref<40000xf32, #tpu.memory_space<hbm>>) target(%arg6 : memref<40000xf32, #tpu.memory_space<vmem>>) target_semaphore(%run_scoped3A : memref<!tpu.dma_semaphore, #tpu.memory_space<semaphore_mem>>)
      %dma_wait3A = tpu.memref_slice %arg2[%multiple_of3A_13] : memref<1280000xf32, #tpu.memory_space<hbm>> -> memref<40000xf32, #tpu.memory_space<hbm>>
      %dma_wait3A_30 = tpu.memref_slice %arg2[%multiple_of3A_13] : memref<1280000xf32, #tpu.memory_space<hbm>> -> memref<40000xf32, #tpu.memory_space<hbm>>
      tpu.wait_dma2 semaphore(%run_scoped3A : memref<!tpu.dma_semaphore, #tpu.memory_space<semaphore_mem>>) src(%dma_wait3A_30 : memref<40000xf32, #tpu.memory_space<hbm>>) dst(%arg6 : memref<40000xf32, #tpu.memory_space<vmem>>)
      tpu.yield
    }) : () -> ()
    %broadcast_in_dim3A = arith.constant 0.000000e+00 : f32
    %broadcast_in_dim3A_14 = vector.broadcast %broadcast_in_dim3A : f32 to vector<16xf32>
    %scan3A = arith.constant 0 : i32
    %scan3A_15 = arith.constant 0 : i32
    %scan3A_16 = arith.constant 125 : i32
    %scan3A_17 = arith.addi %scan3A_15, %scan3A_16 : i32
    %scan3A_18 = arith.constant 1 : i32
    scf.for %scan3A_28 = %scan3A_15 to %scan3A_17 step %scan3A_18  : i32 {
      %mul3A_29 = arith.constant 80 : i32
      %mul3A_30 = arith.muli %scan3A_28, %mul3A_29 : i32
      %multiple_of3A_31 = tpu.assume_multiple %mul3A_30, 16 : i32
      %add3A_32 = arith.constant 0 : i32
      %add3A_33 = arith.addi %multiple_of3A_31, %add3A_32 : i32
      %add3A_34 = arith.constant 0 : i32
      %add3A_35 = arith.addi %add3A_33, %add3A_34 : i32
      %swap3A = arith.index_cast %add3A_35 : i32 to index
      %swap3A_36 = tpu.vector_load %arg7[%swap3A] {strides = array<i32>} : memref<40000xf32, #tpu.memory_space<vmem>>, vector<16xf32>,
      tpu.vector_store %arg7[%swap3A], %broadcast_in_dim3A_14 {strides = array<i32>} : memref<40000xf32, #tpu.memory_space<vmem>>, vector<16xf32>,
      %add3A_37 = arith.constant 0 : i32
      %add3A_38 = arith.addi %multiple_of3A_31, %add3A_37 : i32
      %add3A_39 = arith.constant 10000 : i32
      %add3A_40 = arith.addi %add3A_38, %add3A_39 : i32
      %swap3A_41 = arith.index_cast %add3A_40 : i32 to index
      %swap3A_42 = tpu.vector_load %arg7[%swap3A_41] {strides = array<i32>} : memref<40000xf32, #tpu.memory_space<vmem>>, vector<16xf32>,
      tpu.vector_store %arg7[%swap3A_41], %broadcast_in_dim3A_14 {strides = array<i32>} : memref<40000xf32, #tpu.memory_space<vmem>>, vector<16xf32>,
      %add3A_43 = arith.constant 0 : i32
      %add3A_44 = arith.addi %multiple_of3A_31, %add3A_43 : i32
      %add3A_45 = arith.constant 20000 : i32
      %add3A_46 = arith.addi %add3A_44, %add3A_45 : i32
      %swap3A_47 = arith.index_cast %add3A_46 : i32 to index
      %swap3A_48 = tpu.vector_load %arg7[%swap3A_47] {strides = array<i32>} : memref<40000xf32, #tpu.memory_space<vmem>>, vector<16xf32>,
      tpu.vector_store %arg7[%swap3A_47], %broadcast_in_dim3A_14 {strides = array<i32>} : memref<40000xf32, #tpu.memory_space<vmem>>, vector<16xf32>,
      %add3A_49 = arith.constant 0 : i32
      %add3A_50 = arith.addi %multiple_of3A_31, %add3A_49 : i32
      %add3A_51 = arith.constant 30000 : i32
      %add3A_52 = arith.addi %add3A_50, %add3A_51 : i32
      %swap3A_53 = arith.index_cast %add3A_52 : i32 to index
      %swap3A_54 = tpu.vector_load %arg7[%swap3A_53] {strides = array<i32>} : memref<40000xf32, #tpu.memory_space<vmem>>, vector<16xf32>,
      tpu.vector_store %arg7[%swap3A_53], %broadcast_in_dim3A_14 {strides = array<i32>} : memref<40000xf32, #tpu.memory_space<vmem>>, vector<16xf32>,
      %add3A_55 = arith.constant 16 : i32
      %add3A_56 = arith.addi %multiple_of3A_31, %add3A_55 : i32
      %add3A_57 = arith.constant 0 : i32
      %add3A_58 = arith.addi %add3A_56, %add3A_57 : i32
      %swap3A_59 = arith.index_cast %add3A_58 : i32 to index
      %swap3A_60 = tpu.vector_load %arg7[%swap3A_59] {strides = array<i32>} : memref<40000xf32, #tpu.memory_space<vmem>>, vector<16xf32>,
      tpu.vector_store %arg7[%swap3A_59], %broadcast_in_dim3A_14 {strides = array<i32>} : memref<40000xf32, #tpu.memory_space<vmem>>, vector<16xf32>,
      %add3A_61 = arith.constant 16 : i32
      %add3A_62 = arith.addi %multiple_of3A_31, %add3A_61 : i32
      %add3A_63 = arith.constant 10000 : i32
      %add3A_64 = arith.addi %add3A_62, %add3A_63 : i32
      %swap3A_65 = arith.index_cast %add3A_64 : i32 to index
      %swap3A_66 = tpu.vector_load %arg7[%swap3A_65] {strides = array<i32>} : memref<40000xf32, #tpu.memory_space<vmem>>, vector<16xf32>,
      tpu.vector_store %arg7[%swap3A_65], %broadcast_in_dim3A_14 {strides = array<i32>} : memref<40000xf32, #tpu.memory_space<vmem>>, vector<16xf32>,
      %add3A_67 = arith.constant 16 : i32
      %add3A_68 = arith.addi %multiple_of3A_31, %add3A_67 : i32
      %add3A_69 = arith.constant 20000 : i32
      %add3A_70 = arith.addi %add3A_68, %add3A_69 : i32
      %swap3A_71 = arith.index_cast %add3A_70 : i32 to index
      %swap3A_72 = tpu.vector_load %arg7[%swap3A_71] {strides = array<i32>} : memref<40000xf32, #tpu.memory_space<vmem>>, vector<16xf32>,
      tpu.vector_store %arg7[%swap3A_71], %broadcast_in_dim3A_14 {strides = array<i32>} : memref<40000xf32, #tpu.memory_space<vmem>>, vector<16xf32>,
      %add3A_73 = arith.constant 16 : i32
      %add3A_74 = arith.addi %multiple_of3A_31, %add3A_73 : i32
      %add3A_75 = arith.constant 30000 : i32
      %add3A_76 = arith.addi %add3A_74, %add3A_75 : i32
      %swap3A_77 = arith.index_cast %add3A_76 : i32 to index
      %swap3A_78 = tpu.vector_load %arg7[%swap3A_77] {strides = array<i32>} : memref<40000xf32, #tpu.memory_space<vmem>>, vector<16xf32>,
      tpu.vector_store %arg7[%swap3A_77], %broadcast_in_dim3A_14 {strides = array<i32>} : memref<40000xf32, #tpu.memory_space<vmem>>, vector<16xf32>,
      %add3A_79 = arith.constant 32 : i32
      %add3A_80 = arith.addi %multiple_of3A_31, %add3A_79 : i32
      %add3A_81 = arith.constant 0 : i32
      %add3A_82 = arith.addi %add3A_80, %add3A_81 : i32
      %swap3A_83 = arith.index_cast %add3A_82 : i32 to index
      %swap3A_84 = tpu.vector_load %arg7[%swap3A_83] {strides = array<i32>} : memref<40000xf32, #tpu.memory_space<vmem>>, vector<16xf32>,
      tpu.vector_store %arg7[%swap3A_83], %broadcast_in_dim3A_14 {strides = array<i32>} : memref<40000xf32, #tpu.memory_space<vmem>>, vector<16xf32>,
      %add3A_85 = arith.constant 32 : i32
      %add3A_86 = arith.addi %multiple_of3A_31, %add3A_85 : i32
      %add3A_87 = arith.constant 10000 : i32
      %add3A_88 = arith.addi %add3A_86, %add3A_87 : i32
      %swap3A_89 = arith.index_cast %add3A_88 : i32 to index
      %swap3A_90 = tpu.vector_load %arg7[%swap3A_89] {strides = array<i32>} : memref<40000xf32, #tpu.memory_space<vmem>>, vector<16xf32>,
      tpu.vector_store %arg7[%swap3A_89], %broadcast_in_dim3A_14 {strides = array<i32>} : memref<40000xf32, #tpu.memory_space<vmem>>, vector<16xf32>,
      %add3A_91 = arith.constant 32 : i32
      %add3A_92 = arith.addi %multiple_of3A_31, %add3A_91 : i32
      %add3A_93 = arith.constant 20000 : i32
      %add3A_94 = arith.addi %add3A_92, %add3A_93 : i32
      %swap3A_95 = arith.index_cast %add3A_94 : i32 to index
      %swap3A_96 = tpu.vector_load %arg7[%swap3A_95] {strides = array<i32>} : memref<40000xf32, #tpu.memory_space<vmem>>, vector<16xf32>,
      tpu.vector_store %arg7[%swap3A_95], %broadcast_in_dim3A_14 {strides = array<i32>} : memref<40000xf32, #tpu.memory_space<vmem>>, vector<16xf32>,
      %add3A_97 = arith.constant 32 : i32
      %add3A_98 = arith.addi %multiple_of3A_31, %add3A_97 : i32
      %add3A_99 = arith.constant 30000 : i32
      %add3A_100 = arith.addi %add3A_98, %add3A_99 : i32
      %swap3A_101 = arith.index_cast %add3A_100 : i32 to index
      %swap3A_102 = tpu.vector_load %arg7[%swap3A_101] {strides = array<i32>} : memref<40000xf32, #tpu.memory_space<vmem>>, vector<16xf32>,
      tpu.vector_store %arg7[%swap3A_101], %broadcast_in_dim3A_14 {strides = array<i32>} : memref<40000xf32, #tpu.memory_space<vmem>>, vector<16xf32>,
      %add3A_103 = arith.constant 48 : i32
      %add3A_104 = arith.addi %multiple_of3A_31, %add3A_103 : i32
      %add3A_105 = arith.constant 0 : i32
      %add3A_106 = arith.addi %add3A_104, %add3A_105 : i32
      %swap3A_107 = arith.index_cast %add3A_106 : i32 to index
      %swap3A_108 = tpu.vector_load %arg7[%swap3A_107] {strides = array<i32>} : memref<40000xf32, #tpu.memory_space<vmem>>, vector<16xf32>,
      tpu.vector_store %arg7[%swap3A_107], %broadcast_in_dim3A_14 {strides = array<i32>} : memref<40000xf32, #tpu.memory_space<vmem>>, vector<16xf32>,
      %add3A_109 = arith.constant 48 : i32
      %add3A_110 = arith.addi %multiple_of3A_31, %add3A_109 : i32
      %add3A_111 = arith.constant 10000 : i32
      %add3A_112 = arith.addi %add3A_110, %add3A_111 : i32
      %swap3A_113 = arith.index_cast %add3A_112 : i32 to index
      %swap3A_114 = tpu.vector_load %arg7[%swap3A_113] {strides = array<i32>} : memref<40000xf32, #tpu.memory_space<vmem>>, vector<16xf32>,
      tpu.vector_store %arg7[%swap3A_113], %broadcast_in_dim3A_14 {strides = array<i32>} : memref<40000xf32, #tpu.memory_space<vmem>>, vector<16xf32>,
      %add3A_115 = arith.constant 48 : i32
      %add3A_116 = arith.addi %multiple_of3A_31, %add3A_115 : i32
      %add3A_117 = arith.constant 20000 : i32
      %add3A_118 = arith.addi %add3A_116, %add3A_117 : i32
      %swap3A_119 = arith.index_cast %add3A_118 : i32 to index
      %swap3A_120 = tpu.vector_load %arg7[%swap3A_119] {strides = array<i32>} : memref<40000xf32, #tpu.memory_space<vmem>>, vector<16xf32>,
      tpu.vector_store %arg7[%swap3A_119], %broadcast_in_dim3A_14 {strides = array<i32>} : memref<40000xf32, #tpu.memory_space<vmem>>, vector<16xf32>,
      %add3A_121 = arith.constant 48 : i32
      %add3A_122 = arith.addi %multiple_of3A_31, %add3A_121 : i32
      %add3A_123 = arith.constant 30000 : i32
      %add3A_124 = arith.addi %add3A_122, %add3A_123 : i32
      %swap3A_125 = arith.index_cast %add3A_124 : i32 to index
      %swap3A_126 = tpu.vector_load %arg7[%swap3A_125] {strides = array<i32>} : memref<40000xf32, #tpu.memory_space<vmem>>, vector<16xf32>,
      tpu.vector_store %arg7[%swap3A_125], %broadcast_in_dim3A_14 {strides = array<i32>} : memref<40000xf32, #tpu.memory_space<vmem>>, vector<16xf32>,
      %add3A_127 = arith.constant 64 : i32
      %add3A_128 = arith.addi %multiple_of3A_31, %add3A_127 : i32
      %add3A_129 = arith.constant 0 : i32
      %add3A_130 = arith.addi %add3A_128, %add3A_129 : i32
      %swap3A_131 = arith.index_cast %add3A_130 : i32 to index
      %swap3A_132 = tpu.vector_load %arg7[%swap3A_131] {strides = array<i32>} : memref<40000xf32, #tpu.memory_space<vmem>>, vector<16xf32>,
      tpu.vector_store %arg7[%swap3A_131], %broadcast_in_dim3A_14 {strides = array<i32>} : memref<40000xf32, #tpu.memory_space<vmem>>, vector<16xf32>,
      %add3A_133 = arith.constant 64 : i32
      %add3A_134 = arith.addi %multiple_of3A_31, %add3A_133 : i32
      %add3A_135 = arith.constant 10000 : i32
      %add3A_136 = arith.addi %add3A_134, %add3A_135 : i32
      %swap3A_137 = arith.index_cast %add3A_136 : i32 to index
      %swap3A_138 = tpu.vector_load %arg7[%swap3A_137] {strides = array<i32>} : memref<40000xf32, #tpu.memory_space<vmem>>, vector<16xf32>,
      tpu.vector_store %arg7[%swap3A_137], %broadcast_in_dim3A_14 {strides = array<i32>} : memref<40000xf32, #tpu.memory_space<vmem>>, vector<16xf32>,
      %add3A_139 = arith.constant 64 : i32
      %add3A_140 = arith.addi %multiple_of3A_31, %add3A_139 : i32
      %add3A_141 = arith.constant 20000 : i32
      %add3A_142 = arith.addi %add3A_140, %add3A_141 : i32
      %swap3A_143 = arith.index_cast %add3A_142 : i32 to index
      %swap3A_144 = tpu.vector_load %arg7[%swap3A_143] {strides = array<i32>} : memref<40000xf32, #tpu.memory_space<vmem>>, vector<16xf32>,
      tpu.vector_store %arg7[%swap3A_143], %broadcast_in_dim3A_14 {strides = array<i32>} : memref<40000xf32, #tpu.memory_space<vmem>>, vector<16xf32>,
      %add3A_145 = arith.constant 64 : i32
      %add3A_146 = arith.addi %multiple_of3A_31, %add3A_145 : i32
      %add3A_147 = arith.constant 30000 : i32
      %add3A_148 = arith.addi %add3A_146, %add3A_147 : i32
      %swap3A_149 = arith.index_cast %add3A_148 : i32 to index
      %swap3A_150 = tpu.vector_load %arg7[%swap3A_149] {strides = array<i32>} : memref<40000xf32, #tpu.memory_space<vmem>>, vector<16xf32>,
      tpu.vector_store %arg7[%swap3A_149], %broadcast_in_dim3A_14 {strides = array<i32>} : memref<40000xf32, #tpu.memory_space<vmem>>, vector<16xf32>,
    }
    %scan3A_19 = arith.constant 125 : i32
    %broadcast_in_dim3A_20 = arith.constant 1.000000e+00 : f32
    %broadcast_in_dim3A_21 = vector.broadcast %broadcast_in_dim3A_20 : f32 to vector<16xf32>
    %scan3A_22 = arith.constant 0 : i32
    %scan3A_23 = arith.constant 0 : i32
    %scan3A_24 = arith.constant 25 : i32
    %scan3A_25 = arith.addi %scan3A_23, %scan3A_24 : i32
    %scan3A_26 = arith.constant 1 : i32
    scf.for %scan3A_28 = %scan3A_23 to %scan3A_25 step %scan3A_26  : i32 {
      %mul3A_29 = arith.constant 2 : i32
      %mul3A_30 = arith.muli %scan3A_28, %mul3A_29 : i32
      %add3A_31 = arith.constant 0 : i32
      %add3A_32 = arith.addi %mul3A_30, %add3A_31 : i32
      %mul3A_33 = arith.constant 6400 : i32
      %mul3A_34 = arith.muli %add3A_32, %mul3A_33 : i32
      %multiple_of3A_35 = tpu.assume_multiple %mul3A_34, 8 : i32
      %dma_wait3A = tpu.memref_slice %arg3[%multiple_of3A_35] : memref<320000xi32, #tpu.memory_space<hbm>> -> memref<6400xi32, #tpu.memory_space<hbm>>
      %dma_wait3A_36 = tpu.memref_slice %arg3[%multiple_of3A_35] : memref<320000xi32, #tpu.memory_space<hbm>> -> memref<6400xi32, #tpu.memory_space<hbm>>
      tpu.wait_dma2 semaphore(%arg12 : memref<!tpu.dma_semaphore, #tpu.memory_space<semaphore_mem>>) src(%dma_wait3A_36 : memref<6400xi32, #tpu.memory_space<hbm>>) dst(%arg8 : memref<6400xi32, #tpu.memory_space<vmem>>)
      %dma_wait3A_37 = tpu.memref_slice %arg4[%multiple_of3A_35] : memref<320000xi32, #tpu.memory_space<hbm>> -> memref<6400xi32, #tpu.memory_space<hbm>>
      %dma_wait3A_38 = tpu.memref_slice %arg4[%multiple_of3A_35] : memref<320000xi32, #tpu.memory_space<hbm>> -> memref<6400xi32, #tpu.memory_space<hbm>>
      tpu.wait_dma2 semaphore(%arg14 : memref<!tpu.dma_semaphore, #tpu.memory_space<semaphore_mem>>) src(%dma_wait3A_38 : memref<6400xi32, #tpu.memory_space<hbm>>) dst(%arg10 : memref<6400xi32, #tpu.memory_space<vmem>>)
      %parallel_loop3A = arith.constant 0 : i32
      %parallel_loop3A_39 = arith.constant 400 : i32
      %parallel_loop3A_40 = arith.constant 1 : i32
      scf.for %parallel_loop3A_66 = %parallel_loop3A to %parallel_loop3A_39 step %parallel_loop3A_40  : i32 {
        %parallel_loop3A_67 = arith.constant 16 : i32
        %parallel_loop3A_68 = arith.muli %parallel_loop3A_66, %parallel_loop3A_67 : i32
        %parallel_loop3A_69 = tpu.assume_multiple %parallel_loop3A_68, 16 : i32
        %parallel_loop3A_70 = arith.index_cast %parallel_loop3A_69 : i32 to index
        %parallel_loop3A_71 = tpu.vector_load %arg8[%parallel_loop3A_70] {strides = array<i32>} : memref<6400xi32, #tpu.memory_space<vmem>>, vector<16xi32>,
        %parallel_loop3A_72 = arith.index_cast %parallel_loop3A_69 : i32 to index
        %parallel_loop3A_73 = tpu.vector_load %arg10[%parallel_loop3A_72] {strides = array<i32>} : memref<6400xi32, #tpu.memory_space<vmem>>, vector<16xi32>,
        %parallel_loop3A_74 = arith.constant 0 : i32
        %parallel_loop3A_75 = vector.broadcast %parallel_loop3A_74 : i32 to vector<16xi32>
        %parallel_loop3A_76 = arith.addi %parallel_loop3A_71, %parallel_loop3A_75 : vector<16xi32>
        %parallel_loop3A_77 = tpu.vector_load_idx %arg6[%parallel_loop3A_76] : memref<40000xf32, #tpu.memory_space<vmem>>[vector<16xi32>], vector<16xf32>,
        %parallel_loop3A_78 = arith.constant 0 : i32
        %parallel_loop3A_79 = vector.broadcast %parallel_loop3A_78 : i32 to vector<16xi32>
        %parallel_loop3A_80 = arith.addi %parallel_loop3A_73, %parallel_loop3A_79 : vector<16xi32>
        tpu.vector_store_idx %arg7[%parallel_loop3A_80], %parallel_loop3A_77 {add = true} : memref<40000xf32, #tpu.memory_space<vmem>>[vector<16xi32>], vector<16xf32>,
        %parallel_loop3A_81 = arith.constant 10000 : i32
        %parallel_loop3A_82 = vector.broadcast %parallel_loop3A_81 : i32 to vector<16xi32>
        %parallel_loop3A_83 = arith.addi %parallel_loop3A_71, %parallel_loop3A_82 : vector<16xi32>
        %parallel_loop3A_84 = tpu.vector_load_idx %arg6[%parallel_loop3A_83] : memref<40000xf32, #tpu.memory_space<vmem>>[vector<16xi32>], vector<16xf32>,
        %parallel_loop3A_85 = arith.constant 10000 : i32
        %parallel_loop3A_86 = vector.broadcast %parallel_loop3A_85 : i32 to vector<16xi32>
        %parallel_loop3A_87 = arith.addi %parallel_loop3A_73, %parallel_loop3A_86 : vector<16xi32>
        tpu.vector_store_idx %arg7[%parallel_loop3A_87], %parallel_loop3A_84 {add = true} : memref<40000xf32, #tpu.memory_space<vmem>>[vector<16xi32>], vector<16xf32>,
        %parallel_loop3A_88 = arith.constant 20000 : i32
        %parallel_loop3A_89 = vector.broadcast %parallel_loop3A_88 : i32 to vector<16xi32>
        %parallel_loop3A_90 = arith.addi %parallel_loop3A_71, %parallel_loop3A_89 : vector<16xi32>
        %parallel_loop3A_91 = tpu.vector_load_idx %arg6[%parallel_loop3A_90] : memref<40000xf32, #tpu.memory_space<vmem>>[vector<16xi32>], vector<16xf32>,
        %parallel_loop3A_92 = arith.constant 20000 : i32
        %parallel_loop3A_93 = vector.broadcast %parallel_loop3A_92 : i32 to vector<16xi32>
        %parallel_loop3A_94 = arith.addi %parallel_loop3A_73, %parallel_loop3A_93 : vector<16xi32>
        tpu.vector_store_idx %arg7[%parallel_loop3A_94], %parallel_loop3A_91 {add = true} : memref<40000xf32, #tpu.memory_space<vmem>>[vector<16xi32>], vector<16xf32>,
        %parallel_loop3A_95 = arith.constant 30000 : i32
        %parallel_loop3A_96 = vector.broadcast %parallel_loop3A_95 : i32 to vector<16xi32>
        %parallel_loop3A_97 = arith.addi %parallel_loop3A_71, %parallel_loop3A_96 : vector<16xi32>
        %parallel_loop3A_98 = tpu.vector_load_idx %arg6[%parallel_loop3A_97] : memref<40000xf32, #tpu.memory_space<vmem>>[vector<16xi32>], vector<16xf32>,
        %parallel_loop3A_99 = arith.constant 30000 : i32
        %parallel_loop3A_100 = vector.broadcast %parallel_loop3A_99 : i32 to vector<16xi32>
        %parallel_loop3A_101 = arith.addi %parallel_loop3A_73, %parallel_loop3A_100 : vector<16xi32>
        tpu.vector_store_idx %arg7[%parallel_loop3A_101], %parallel_loop3A_98 {add = true} : memref<40000xf32, #tpu.memory_space<vmem>>[vector<16xi32>], vector<16xf32>,
      } {sc.loop_unroll_factor = 8 : i64, sc.parallel_access}
      %add3A_41 = arith.constant 2 : i32
      %add3A_42 = arith.addi %add3A_32, %add3A_41 : i32
      %lt3A = arith.constant 50 : i32
      %lt3A_43 = arith.cmpi slt, %add3A_42, %lt3A : i32
      %convert_element_type3A = arith.extui %lt3A_43 : i1 to i32
      %cond3A = arith.constant 0 : i32
      %cond3A_44 = arith.cmpi ne, %convert_element_type3A, %cond3A : i32
      scf.if %cond3A_44 {
        %add3A_66 = arith.constant 2 : i32
        %add3A_67 = arith.addi %add3A_32, %add3A_66 : i32
        %mul3A_68 = arith.constant 6400 : i32
        %mul3A_69 = arith.muli %add3A_67, %mul3A_68 : i32
        %multiple_of3A_70 = tpu.assume_multiple %mul3A_69, 8 : i32
        %dma_start3A_71 = tpu.memref_slice %arg3[%multiple_of3A_70] : memref<320000xi32, #tpu.memory_space<hbm>> -> memref<6400xi32, #tpu.memory_space<hbm>>
        %dma_start3A_72 = tpu.memref_slice %arg3[%multiple_of3A_70] : memref<320000xi32, #tpu.memory_space<hbm>> -> memref<6400xi32, #tpu.memory_space<hbm>>
        tpu.enqueue_dma source(%dma_start3A_72 : memref<6400xi32, #tpu.memory_space<hbm>>) target(%arg8 : memref<6400xi32, #tpu.memory_space<vmem>>) target_semaphore(%arg12 : memref<!tpu.dma_semaphore, #tpu.memory_space<semaphore_mem>>)
        %dma_start3A_73 = tpu.memref_slice %arg4[%multiple_of3A_70] : memref<320000xi32, #tpu.memory_space<hbm>> -> memref<6400xi32, #tpu.memory_space<hbm>>
        %dma_start3A_74 = tpu.memref_slice %arg4[%multiple_of3A_70] : memref<320000xi32, #tpu.memory_space<hbm>> -> memref<6400xi32, #tpu.memory_space<hbm>>
        tpu.enqueue_dma source(%dma_start3A_74 : memref<6400xi32, #tpu.memory_space<hbm>>) target(%arg10 : memref<6400xi32, #tpu.memory_space<vmem>>) target_semaphore(%arg14 : memref<!tpu.dma_semaphore, #tpu.memory_space<semaphore_mem>>)
      } else {
      }
      %mul3A_45 = arith.constant 2 : i32
      %mul3A_46 = arith.muli %scan3A_28, %mul3A_45 : i32
      %add3A_47 = arith.constant 1 : i32
      %add3A_48 = arith.addi %mul3A_46, %add3A_47 : i32
      %mul3A_49 = arith.constant 6400 : i32
      %mul3A_50 = arith.muli %add3A_48, %mul3A_49 : i32
      %multiple_of3A_51 = tpu.assume_multiple %mul3A_50, 8 : i32
      %dma_wait3A_52 = tpu.memref_slice %arg3[%multiple_of3A_51] : memref<320000xi32, #tpu.memory_space<hbm>> -> memref<6400xi32, #tpu.memory_space<hbm>>
      %dma_wait3A_53 = tpu.memref_slice %arg3[%multiple_of3A_51] : memref<320000xi32, #tpu.memory_space<hbm>> -> memref<6400xi32, #tpu.memory_space<hbm>>
      tpu.wait_dma2 semaphore(%arg13 : memref<!tpu.dma_semaphore, #tpu.memory_space<semaphore_mem>>) src(%dma_wait3A_53 : memref<6400xi32, #tpu.memory_space<hbm>>) dst(%arg9 : memref<6400xi32, #tpu.memory_space<vmem>>)
      %dma_wait3A_54 = tpu.memref_slice %arg4[%multiple_of3A_51] : memref<320000xi32, #tpu.memory_space<hbm>> -> memref<6400xi32, #tpu.memory_space<hbm>>
      %dma_wait3A_55 = tpu.memref_slice %arg4[%multiple_of3A_51] : memref<320000xi32, #tpu.memory_space<hbm>> -> memref<6400xi32, #tpu.memory_space<hbm>>
      tpu.wait_dma2 semaphore(%arg15 : memref<!tpu.dma_semaphore, #tpu.memory_space<semaphore_mem>>) src(%dma_wait3A_55 : memref<6400xi32, #tpu.memory_space<hbm>>) dst(%arg11 : memref<6400xi32, #tpu.memory_space<vmem>>)
      %parallel_loop3A_56 = arith.constant 0 : i32
      %parallel_loop3A_57 = arith.constant 400 : i32
      %parallel_loop3A_58 = arith.constant 1 : i32
      scf.for %parallel_loop3A_66 = %parallel_loop3A_56 to %parallel_loop3A_57 step %parallel_loop3A_58  : i32 {
        %parallel_loop3A_67 = arith.constant 16 : i32
        %parallel_loop3A_68 = arith.muli %parallel_loop3A_66, %parallel_loop3A_67 : i32
        %parallel_loop3A_69 = tpu.assume_multiple %parallel_loop3A_68, 16 : i32
        %parallel_loop3A_70 = arith.index_cast %parallel_loop3A_69 : i32 to index
        %parallel_loop3A_71 = tpu.vector_load %arg9[%parallel_loop3A_70] {strides = array<i32>} : memref<6400xi32, #tpu.memory_space<vmem>>, vector<16xi32>,
        %parallel_loop3A_72 = arith.index_cast %parallel_loop3A_69 : i32 to index
        %parallel_loop3A_73 = tpu.vector_load %arg11[%parallel_loop3A_72] {strides = array<i32>} : memref<6400xi32, #tpu.memory_space<vmem>>, vector<16xi32>,
        %parallel_loop3A_74 = arith.constant 0 : i32
        %parallel_loop3A_75 = vector.broadcast %parallel_loop3A_74 : i32 to vector<16xi32>
        %parallel_loop3A_76 = arith.addi %parallel_loop3A_71, %parallel_loop3A_75 : vector<16xi32>
        %parallel_loop3A_77 = tpu.vector_load_idx %arg6[%parallel_loop3A_76] : memref<40000xf32, #tpu.memory_space<vmem>>[vector<16xi32>], vector<16xf32>,
        %parallel_loop3A_78 = arith.constant 0 : i32
        %parallel_loop3A_79 = vector.broadcast %parallel_loop3A_78 : i32 to vector<16xi32>
        %parallel_loop3A_80 = arith.addi %parallel_loop3A_73, %parallel_loop3A_79 : vector<16xi32>
        tpu.vector_store_idx %arg7[%parallel_loop3A_80], %parallel_loop3A_77 {add = true} : memref<40000xf32, #tpu.memory_space<vmem>>[vector<16xi32>], vector<16xf32>,
        %parallel_loop3A_81 = arith.constant 10000 : i32
        %parallel_loop3A_82 = vector.broadcast %parallel_loop3A_81 : i32 to vector<16xi32>
        %parallel_loop3A_83 = arith.addi %parallel_loop3A_71, %parallel_loop3A_82 : vector<16xi32>
        %parallel_loop3A_84 = tpu.vector_load_idx %arg6[%parallel_loop3A_83] : memref<40000xf32, #tpu.memory_space<vmem>>[vector<16xi32>], vector<16xf32>,
        %parallel_loop3A_85 = arith.constant 10000 : i32
        %parallel_loop3A_86 = vector.broadcast %parallel_loop3A_85 : i32 to vector<16xi32>
        %parallel_loop3A_87 = arith.addi %parallel_loop3A_73, %parallel_loop3A_86 : vector<16xi32>
        tpu.vector_store_idx %arg7[%parallel_loop3A_87], %parallel_loop3A_84 {add = true} : memref<40000xf32, #tpu.memory_space<vmem>>[vector<16xi32>], vector<16xf32>,
        %parallel_loop3A_88 = arith.constant 20000 : i32
        %parallel_loop3A_89 = vector.broadcast %parallel_loop3A_88 : i32 to vector<16xi32>
        %parallel_loop3A_90 = arith.addi %parallel_loop3A_71, %parallel_loop3A_89 : vector<16xi32>
        %parallel_loop3A_91 = tpu.vector_load_idx %arg6[%parallel_loop3A_90] : memref<40000xf32, #tpu.memory_space<vmem>>[vector<16xi32>], vector<16xf32>,
        %parallel_loop3A_92 = arith.constant 20000 : i32
        %parallel_loop3A_93 = vector.broadcast %parallel_loop3A_92 : i32 to vector<16xi32>
        %parallel_loop3A_94 = arith.addi %parallel_loop3A_73, %parallel_loop3A_93 : vector<16xi32>
        tpu.vector_store_idx %arg7[%parallel_loop3A_94], %parallel_loop3A_91 {add = true} : memref<40000xf32, #tpu.memory_space<vmem>>[vector<16xi32>], vector<16xf32>,
        %parallel_loop3A_95 = arith.constant 30000 : i32
        %parallel_loop3A_96 = vector.broadcast %parallel_loop3A_95 : i32 to vector<16xi32>
        %parallel_loop3A_97 = arith.addi %parallel_loop3A_71, %parallel_loop3A_96 : vector<16xi32>
        %parallel_loop3A_98 = tpu.vector_load_idx %arg6[%parallel_loop3A_97] : memref<40000xf32, #tpu.memory_space<vmem>>[vector<16xi32>], vector<16xf32>,
        %parallel_loop3A_99 = arith.constant 30000 : i32
        %parallel_loop3A_100 = vector.broadcast %parallel_loop3A_99 : i32 to vector<16xi32>
        %parallel_loop3A_101 = arith.addi %parallel_loop3A_73, %parallel_loop3A_100 : vector<16xi32>
        tpu.vector_store_idx %arg7[%parallel_loop3A_101], %parallel_loop3A_98 {add = true} : memref<40000xf32, #tpu.memory_space<vmem>>[vector<16xi32>], vector<16xf32>,
      } {sc.loop_unroll_factor = 8 : i64, sc.parallel_access}
      %add3A_59 = arith.constant 2 : i32
      %add3A_60 = arith.addi %add3A_48, %add3A_59 : i32
      %lt3A_61 = arith.constant 50 : i32
      %lt3A_62 = arith.cmpi slt, %add3A_60, %lt3A_61 : i32
      %convert_element_type3A_63 = arith.extui %lt3A_62 : i1 to i32
      %cond3A_64 = arith.constant 0 : i32
      %cond3A_65 = arith.cmpi ne, %convert_element_type3A_63, %cond3A_64 : i32
      scf.if %cond3A_65 {
        %add3A_66 = arith.constant 2 : i32
        %add3A_67 = arith.addi %add3A_48, %add3A_66 : i32
        %mul3A_68 = arith.constant 6400 : i32
        %mul3A_69 = arith.muli %add3A_67, %mul3A_68 : i32
        %multiple_of3A_70 = tpu.assume_multiple %mul3A_69, 8 : i32
        %dma_start3A_71 = tpu.memref_slice %arg3[%multiple_of3A_70] : memref<320000xi32, #tpu.memory_space<hbm>> -> memref<6400xi32, #tpu.memory_space<hbm>>
        %dma_start3A_72 = tpu.memref_slice %arg3[%multiple_of3A_70] : memref<320000xi32, #tpu.memory_space<hbm>> -> memref<6400xi32, #tpu.memory_space<hbm>>
        tpu.enqueue_dma source(%dma_start3A_72 : memref<6400xi32, #tpu.memory_space<hbm>>) target(%arg9 : memref<6400xi32, #tpu.memory_space<vmem>>) target_semaphore(%arg13 : memref<!tpu.dma_semaphore, #tpu.memory_space<semaphore_mem>>)
        %dma_start3A_73 = tpu.memref_slice %arg4[%multiple_of3A_70] : memref<320000xi32, #tpu.memory_space<hbm>> -> memref<6400xi32, #tpu.memory_space<hbm>>
        %dma_start3A_74 = tpu.memref_slice %arg4[%multiple_of3A_70] : memref<320000xi32, #tpu.memory_space<hbm>> -> memref<6400xi32, #tpu.memory_space<hbm>>
        tpu.enqueue_dma source(%dma_start3A_74 : memref<6400xi32, #tpu.memory_space<hbm>>) target(%arg11 : memref<6400xi32, #tpu.memory_space<vmem>>) target_semaphore(%arg15 : memref<!tpu.dma_semaphore, #tpu.memory_space<semaphore_mem>>)
      } else {
      }
    }
    %scan3A_27 = arith.constant 25 : i32
    "tpu.region"() ({
      %run_scoped3A = tpu.sem_alloc : memref<!tpu.dma_semaphore, #tpu.memory_space<semaphore_mem>>
      %dma_start3A_28 = tpu.memref_slice %arg5[%multiple_of3A_13] : memref<1280000xf32, #tpu.memory_space<hbm>> -> memref<40000xf32, #tpu.memory_space<hbm>>
      %dma_start3A_29 = tpu.memref_slice %arg5[%multiple_of3A_13] : memref<1280000xf32, #tpu.memory_space<hbm>> -> memref<40000xf32, #tpu.memory_space<hbm>>
      tpu.enqueue_dma source(%arg7 : memref<40000xf32, #tpu.memory_space<vmem>>) target(%dma_start3A_29 : memref<40000xf32, #tpu.memory_space<hbm>>) target_semaphore(%run_scoped3A : memref<!tpu.dma_semaphore, #tpu.memory_space<semaphore_mem>>)
      %dma_wait3A = tpu.memref_slice %arg5[%multiple_of3A_13] : memref<1280000xf32, #tpu.memory_space<hbm>> -> memref<40000xf32, #tpu.memory_space<hbm>>
      %dma_wait3A_30 = tpu.memref_slice %arg5[%multiple_of3A_13] : memref<1280000xf32, #tpu.memory_space<hbm>> -> memref<40000xf32, #tpu.memory_space<hbm>>
      tpu.wait_dma2 semaphore(%run_scoped3A : memref<!tpu.dma_semaphore, #tpu.memory_space<semaphore_mem>>) src(%arg7 : memref<40000xf32, #tpu.memory_space<vmem>>) dst(%dma_wait3A_30 : memref<40000xf32, #tpu.memory_space<hbm>>)
      tpu.yield
    }) : () -> ()
    return
  }
}

#map = affine_map<(d0, d1) -> (0)>
module attributes {stable_mosaic.version = 14 : i64} {
  func.func @body(%arg0: i32, %arg1: i32, %arg2: memref<1280000xf32, #tpu.memory_space<hbm>>, %arg3: memref<320000xi32, #tpu.memory_space<hbm>>, %arg4: memref<320000xi32, #tpu.memory_space<hbm>>, %arg5: memref<1280000xf32, #tpu.memory_space<hbm>>, %arg6: memref<40000xf32, #tpu.memory_space<vmem>>, %arg7: memref<40000xf32, #tpu.memory_space<vmem>>, %arg8: memref<6400xi32, #tpu.memory_space<vmem>>, %arg9: memref<6400xi32, #tpu.memory_space<vmem>>, %arg10: memref<6400xi32, #tpu.memory_space<vmem>>, %arg11: memref<6400xi32, #tpu.memory_space<vmem>>, %arg12: memref<!tpu.dma_semaphore, #tpu.memory_space<semaphore_mem>>, %arg13: memref<!tpu.dma_semaphore, #tpu.memory_space<semaphore_mem>>, %arg14: memref<!tpu.dma_semaphore, #tpu.memory_space<semaphore_mem>>, %arg15: memref<!tpu.dma_semaphore, #tpu.memory_space<semaphore_mem>>) attributes {dimension_semantics = [#tpu.dimension_semantics<core_parallel>, #tpu.dimension_semantics<subcore_parallel>], iteration_bounds = array<i64: 2, 16>, scalar_prefetch = 0 : i64, scratch_operands = 10 : i64, tpu.core_type = #tpu.core_type<sc_vector_subcore>, window_params = [{transform_indices = #map}, {transform_indices = #map}, {transform_indices = #map}, {transform_indices = #map}]} {
    %multiple_of3A = arith.constant 0 : i32
    %multiple_of3A_0 = tpu.assume_multiple %multiple_of3A, 8 : i32
    %dma_start3A = tpu.memref_slice %arg3[%multiple_of3A_0] : memref<320000xi32, #tpu.memory_space<hbm>> -> memref<6400xi32, #tpu.memory_space<hbm>>
    %dma_start3A_1 = tpu.memref_slice %arg3[%multiple_of3A_0] : memref<320000xi32, #tpu.memory_space<hbm>> -> memref<6400xi32, #tpu.memory_space<hbm>>
    tpu.enqueue_dma source(%dma_start3A_1 : memref<6400xi32, #tpu.memory_space<hbm>>) target(%arg8 : memref<6400xi32, #tpu.memory_space<vmem>>) target_semaphore(%arg12 : memref<!tpu.dma_semaphore, #tpu.memory_space<semaphore_mem>>)
    %dma_start3A_2 = tpu.memref_slice %arg4[%multiple_of3A_0] : memref<320000xi32, #tpu.memory_space<hbm>> -> memref<6400xi32, #tpu.memory_space<hbm>>
    %dma_start3A_3 = tpu.memref_slice %arg4[%multiple_of3A_0] : memref<320000xi32, #tpu.memory_space<hbm>> -> memref<6400xi32, #tpu.memory_space<hbm>>
    tpu.enqueue_dma source(%dma_start3A_3 : memref<6400xi32, #tpu.memory_space<hbm>>) target(%arg10 : memref<6400xi32, #tpu.memory_space<vmem>>) target_semaphore(%arg14 : memref<!tpu.dma_semaphore, #tpu.memory_space<semaphore_mem>>)
    %multiple_of3A_4 = arith.constant 6400 : i32
    %multiple_of3A_5 = tpu.assume_multiple %multiple_of3A_4, 8 : i32
    %dma_start3A_6 = tpu.memref_slice %arg3[%multiple_of3A_5] : memref<320000xi32, #tpu.memory_space<hbm>> -> memref<6400xi32, #tpu.memory_space<hbm>>
    %dma_start3A_7 = tpu.memref_slice %arg3[%multiple_of3A_5] : memref<320000xi32, #tpu.memory_space<hbm>> -> memref<6400xi32, #tpu.memory_space<hbm>>
    tpu.enqueue_dma source(%dma_start3A_7 : memref<6400xi32, #tpu.memory_space<hbm>>) target(%arg9 : memref<6400xi32, #tpu.memory_space<vmem>>) target_semaphore(%arg13 : memref<!tpu.dma_semaphore, #tpu.memory_space<semaphore_mem>>)
    %dma_start3A_8 = tpu.memref_slice %arg4[%multiple_of3A_5] : memref<320000xi32, #tpu.memory_space<hbm>> -> memref<6400xi32, #tpu.memory_space<hbm>>
    %dma_start3A_9 = tpu.memref_slice %arg4[%multiple_of3A_5] : memref<320000xi32, #tpu.memory_space<hbm>> -> memref<6400xi32, #tpu.memory_space<hbm>>
    tpu.enqueue_dma source(%dma_start3A_9 : memref<6400xi32, #tpu.memory_space<hbm>>) target(%arg11 : memref<6400xi32, #tpu.memory_space<vmem>>) target_semaphore(%arg15 : memref<!tpu.dma_semaphore, #tpu.memory_space<semaphore_mem>>)
    %mul3A = arith.constant 2 : i32
    %mul3A_10 = arith.muli %arg1, %mul3A : i32
    %add3A = arith.addi %mul3A_10, %arg0 : i32
    %mul3A_11 = arith.constant 40000 : i32
    %mul3A_12 = arith.muli %add3A, %mul3A_11 : i32
    %multiple_of3A_13 = tpu.assume_multiple %mul3A_12, 8 : i32
    "tpu.region"() ({
      %run_scoped3A = tpu.sem_alloc : memref<!tpu.dma_semaphore, #tpu.memory_space<semaphore_mem>>
      %dma_start3A_28 = tpu.memref_slice %arg2[%multiple_of3A_13] : memref<1280000xf32, #tpu.memory_space<hbm>> -> memref<40000xf32, #tpu.memory_space<hbm>>
      %dma_start3A_29 = tpu.memref_slice %arg2[%multiple_of3A_13] : memref<1280000xf32, #tpu.memory_space<hbm>> -> memref<40000xf32, #tpu.memory_space<hbm>>
      tpu.enqueue_dma source(%dma_start3A_29 : memref<40000xf32, #tpu.memory_space<hbm>>) target(%arg6 : memref<40000xf32, #tpu.memory_space<vmem>>) target_semaphore(%run_scoped3A : memref<!tpu.dma_semaphore, #tpu.memory_space<semaphore_mem>>)
      %dma_wait3A = tpu.memref_slice %arg2[%multiple_of3A_13] : memref<1280000xf32, #tpu.memory_space<hbm>> -> memref<40000xf32, #tpu.memory_space<hbm>>
      %dma_wait3A_30 = tpu.memref_slice %arg2[%multiple_of3A_13] : memref<1280000xf32, #tpu.memory_space<hbm>> -> memref<40000xf32, #tpu.memory_space<hbm>>
      tpu.wait_dma2 semaphore(%run_scoped3A : memref<!tpu.dma_semaphore, #tpu.memory_space<semaphore_mem>>) src(%dma_wait3A_30 : memref<40000xf32, #tpu.memory_space<hbm>>) dst(%arg6 : memref<40000xf32, #tpu.memory_space<vmem>>)
      tpu.yield
    }) : () -> ()
    %broadcast_in_dim3A = arith.constant 0.000000e+00 : f32
    %broadcast_in_dim3A_14 = vector.broadcast %broadcast_in_dim3A : f32 to vector<16xf32>
    %scan3A = arith.constant 0 : i32
    %scan3A_15 = arith.constant 0 : i32
    %scan3A_16 = arith.constant 125 : i32
    %scan3A_17 = arith.addi %scan3A_15, %scan3A_16 : i32
    %scan3A_18 = arith.constant 1 : i32
    scf.for %scan3A_28 = %scan3A_15 to %scan3A_17 step %scan3A_18  : i32 {
      %mul3A_29 = arith.constant 80 : i32
      %mul3A_30 = arith.muli %scan3A_28, %mul3A_29 : i32
      %multiple_of3A_31 = tpu.assume_multiple %mul3A_30, 16 : i32
      %add3A_32 = arith.constant 0 : i32
      %add3A_33 = arith.addi %multiple_of3A_31, %add3A_32 : i32
      %add3A_34 = arith.constant 0 : i32
      %add3A_35 = arith.addi %add3A_33, %add3A_34 : i32
      %swap3A = arith.index_cast %add3A_35 : i32 to index
      %swap3A_36 = tpu.vector_load %arg7[%swap3A] {strides = array<i32>} : memref<40000xf32, #tpu.memory_space<vmem>>, vector<16xf32>,
      tpu.vector_store %arg7[%swap3A], %broadcast_in_dim3A_14 {strides = array<i32>} : memref<40000xf32, #tpu.memory_space<vmem>>, vector<16xf32>,
      %add3A_37 = arith.constant 0 : i32
      %add3A_38 = arith.addi %multiple_of3A_31, %add3A_37 : i32
      %add3A_39 = arith.constant 10000 : i32
      %add3A_40 = arith.addi %add3A_38, %add3A_39 : i32
      %swap3A_41 = arith.index_cast %add3A_40 : i32 to index
      %swap3A_42 = tpu.vector_load %arg7[%swap3A_41] {strides = array<i32>} : memref<40000xf32, #tpu.memory_space<vmem>>, vector<16xf32>,
      tpu.vector_store %arg7[%swap3A_41], %broadcast_in_dim3A_14 {strides = array<i32>} : memref<40000xf32, #tpu.memory_space<vmem>>, vector<16xf32>,
      %add3A_43 = arith.constant 0 : i32
      %add3A_44 = arith.addi %multiple_of3A_31, %add3A_43 : i32
      %add3A_45 = arith.constant 20000 : i32
      %add3A_46 = arith.addi %add3A_44, %add3A_45 : i32
      %swap3A_47 = arith.index_cast %add3A_46 : i32 to index
      %swap3A_48 = tpu.vector_load %arg7[%swap3A_47] {strides = array<i32>} : memref<40000xf32, #tpu.memory_space<vmem>>, vector<16xf32>,
      tpu.vector_store %arg7[%swap3A_47], %broadcast_in_dim3A_14 {strides = array<i32>} : memref<40000xf32, #tpu.memory_space<vmem>>, vector<16xf32>,
      %add3A_49 = arith.constant 0 : i32
      %add3A_50 = arith.addi %multiple_of3A_31, %add3A_49 : i32
      %add3A_51 = arith.constant 30000 : i32
      %add3A_52 = arith.addi %add3A_50, %add3A_51 : i32
      %swap3A_53 = arith.index_cast %add3A_52 : i32 to index
      %swap3A_54 = tpu.vector_load %arg7[%swap3A_53] {strides = array<i32>} : memref<40000xf32, #tpu.memory_space<vmem>>, vector<16xf32>,
      tpu.vector_store %arg7[%swap3A_53], %broadcast_in_dim3A_14 {strides = array<i32>} : memref<40000xf32, #tpu.memory_space<vmem>>, vector<16xf32>,
      %add3A_55 = arith.constant 16 : i32
      %add3A_56 = arith.addi %multiple_of3A_31, %add3A_55 : i32
      %add3A_57 = arith.constant 0 : i32
      %add3A_58 = arith.addi %add3A_56, %add3A_57 : i32
      %swap3A_59 = arith.index_cast %add3A_58 : i32 to index
      %swap3A_60 = tpu.vector_load %arg7[%swap3A_59] {strides = array<i32>} : memref<40000xf32, #tpu.memory_space<vmem>>, vector<16xf32>,
      tpu.vector_store %arg7[%swap3A_59], %broadcast_in_dim3A_14 {strides = array<i32>} : memref<40000xf32, #tpu.memory_space<vmem>>, vector<16xf32>,
      %add3A_61 = arith.constant 16 : i32
      %add3A_62 = arith.addi %multiple_of3A_31, %add3A_61 : i32
      %add3A_63 = arith.constant 10000 : i32
      %add3A_64 = arith.addi %add3A_62, %add3A_63 : i32
      %swap3A_65 = arith.index_cast %add3A_64 : i32 to index
      %swap3A_66 = tpu.vector_load %arg7[%swap3A_65] {strides = array<i32>} : memref<40000xf32, #tpu.memory_space<vmem>>, vector<16xf32>,
      tpu.vector_store %arg7[%swap3A_65], %broadcast_in_dim3A_14 {strides = array<i32>} : memref<40000xf32, #tpu.memory_space<vmem>>, vector<16xf32>,
      %add3A_67 = arith.constant 16 : i32
      %add3A_68 = arith.addi %multiple_of3A_31, %add3A_67 : i32
      %add3A_69 = arith.constant 20000 : i32
      %add3A_70 = arith.addi %add3A_68, %add3A_69 : i32
      %swap3A_71 = arith.index_cast %add3A_70 : i32 to index
      %swap3A_72 = tpu.vector_load %arg7[%swap3A_71] {strides = array<i32>} : memref<40000xf32, #tpu.memory_space<vmem>>, vector<16xf32>,
      tpu.vector_store %arg7[%swap3A_71], %broadcast_in_dim3A_14 {strides = array<i32>} : memref<40000xf32, #tpu.memory_space<vmem>>, vector<16xf32>,
      %add3A_73 = arith.constant 16 : i32
      %add3A_74 = arith.addi %multiple_of3A_31, %add3A_73 : i32
      %add3A_75 = arith.constant 30000 : i32
      %add3A_76 = arith.addi %add3A_74, %add3A_75 : i32
      %swap3A_77 = arith.index_cast %add3A_76 : i32 to index
      %swap3A_78 = tpu.vector_load %arg7[%swap3A_77] {strides = array<i32>} : memref<40000xf32, #tpu.memory_space<vmem>>, vector<16xf32>,
      tpu.vector_store %arg7[%swap3A_77], %broadcast_in_dim3A_14 {strides = array<i32>} : memref<40000xf32, #tpu.memory_space<vmem>>, vector<16xf32>,
      %add3A_79 = arith.constant 32 : i32
      %add3A_80 = arith.addi %multiple_of3A_31, %add3A_79 : i32
      %add3A_81 = arith.constant 0 : i32
      %add3A_82 = arith.addi %add3A_80, %add3A_81 : i32
      %swap3A_83 = arith.index_cast %add3A_82 : i32 to index
      %swap3A_84 = tpu.vector_load %arg7[%swap3A_83] {strides = array<i32>} : memref<40000xf32, #tpu.memory_space<vmem>>, vector<16xf32>,
      tpu.vector_store %arg7[%swap3A_83], %broadcast_in_dim3A_14 {strides = array<i32>} : memref<40000xf32, #tpu.memory_space<vmem>>, vector<16xf32>,
      %add3A_85 = arith.constant 32 : i32
      %add3A_86 = arith.addi %multiple_of3A_31, %add3A_85 : i32
      %add3A_87 = arith.constant 10000 : i32
      %add3A_88 = arith.addi %add3A_86, %add3A_87 : i32
      %swap3A_89 = arith.index_cast %add3A_88 : i32 to index
      %swap3A_90 = tpu.vector_load %arg7[%swap3A_89] {strides = array<i32>} : memref<40000xf32, #tpu.memory_space<vmem>>, vector<16xf32>,
      tpu.vector_store %arg7[%swap3A_89], %broadcast_in_dim3A_14 {strides = array<i32>} : memref<40000xf32, #tpu.memory_space<vmem>>, vector<16xf32>,
      %add3A_91 = arith.constant 32 : i32
      %add3A_92 = arith.addi %multiple_of3A_31, %add3A_91 : i32
      %add3A_93 = arith.constant 20000 : i32
      %add3A_94 = arith.addi %add3A_92, %add3A_93 : i32
      %swap3A_95 = arith.index_cast %add3A_94 : i32 to index
      %swap3A_96 = tpu.vector_load %arg7[%swap3A_95] {strides = array<i32>} : memref<40000xf32, #tpu.memory_space<vmem>>, vector<16xf32>,
      tpu.vector_store %arg7[%swap3A_95], %broadcast_in_dim3A_14 {strides = array<i32>} : memref<40000xf32, #tpu.memory_space<vmem>>, vector<16xf32>,
      %add3A_97 = arith.constant 32 : i32
      %add3A_98 = arith.addi %multiple_of3A_31, %add3A_97 : i32
      %add3A_99 = arith.constant 30000 : i32
      %add3A_100 = arith.addi %add3A_98, %add3A_99 : i32
      %swap3A_101 = arith.index_cast %add3A_100 : i32 to index
      %swap3A_102 = tpu.vector_load %arg7[%swap3A_101] {strides = array<i32>} : memref<40000xf32, #tpu.memory_space<vmem>>, vector<16xf32>,
      tpu.vector_store %arg7[%swap3A_101], %broadcast_in_dim3A_14 {strides = array<i32>} : memref<40000xf32, #tpu.memory_space<vmem>>, vector<16xf32>,
      %add3A_103 = arith.constant 48 : i32
      %add3A_104 = arith.addi %multiple_of3A_31, %add3A_103 : i32
      %add3A_105 = arith.constant 0 : i32
      %add3A_106 = arith.addi %add3A_104, %add3A_105 : i32
      %swap3A_107 = arith.index_cast %add3A_106 : i32 to index
      %swap3A_108 = tpu.vector_load %arg7[%swap3A_107] {strides = array<i32>} : memref<40000xf32, #tpu.memory_space<vmem>>, vector<16xf32>,
      tpu.vector_store %arg7[%swap3A_107], %broadcast_in_dim3A_14 {strides = array<i32>} : memref<40000xf32, #tpu.memory_space<vmem>>, vector<16xf32>,
      %add3A_109 = arith.constant 48 : i32
      %add3A_110 = arith.addi %multiple_of3A_31, %add3A_109 : i32
      %add3A_111 = arith.constant 10000 : i32
      %add3A_112 = arith.addi %add3A_110, %add3A_111 : i32
      %swap3A_113 = arith.index_cast %add3A_112 : i32 to index
      %swap3A_114 = tpu.vector_load %arg7[%swap3A_113] {strides = array<i32>} : memref<40000xf32, #tpu.memory_space<vmem>>, vector<16xf32>,
      tpu.vector_store %arg7[%swap3A_113], %broadcast_in_dim3A_14 {strides = array<i32>} : memref<40000xf32, #tpu.memory_space<vmem>>, vector<16xf32>,
      %add3A_115 = arith.constant 48 : i32
      %add3A_116 = arith.addi %multiple_of3A_31, %add3A_115 : i32
      %add3A_117 = arith.constant 20000 : i32
      %add3A_118 = arith.addi %add3A_116, %add3A_117 : i32
      %swap3A_119 = arith.index_cast %add3A_118 : i32 to index
      %swap3A_120 = tpu.vector_load %arg7[%swap3A_119] {strides = array<i32>} : memref<40000xf32, #tpu.memory_space<vmem>>, vector<16xf32>,
      tpu.vector_store %arg7[%swap3A_119], %broadcast_in_dim3A_14 {strides = array<i32>} : memref<40000xf32, #tpu.memory_space<vmem>>, vector<16xf32>,
      %add3A_121 = arith.constant 48 : i32
      %add3A_122 = arith.addi %multiple_of3A_31, %add3A_121 : i32
      %add3A_123 = arith.constant 30000 : i32
      %add3A_124 = arith.addi %add3A_122, %add3A_123 : i32
      %swap3A_125 = arith.index_cast %add3A_124 : i32 to index
      %swap3A_126 = tpu.vector_load %arg7[%swap3A_125] {strides = array<i32>} : memref<40000xf32, #tpu.memory_space<vmem>>, vector<16xf32>,
      tpu.vector_store %arg7[%swap3A_125], %broadcast_in_dim3A_14 {strides = array<i32>} : memref<40000xf32, #tpu.memory_space<vmem>>, vector<16xf32>,
      %add3A_127 = arith.constant 64 : i32
      %add3A_128 = arith.addi %multiple_of3A_31, %add3A_127 : i32
      %add3A_129 = arith.constant 0 : i32
      %add3A_130 = arith.addi %add3A_128, %add3A_129 : i32
      %swap3A_131 = arith.index_cast %add3A_130 : i32 to index
      %swap3A_132 = tpu.vector_load %arg7[%swap3A_131] {strides = array<i32>} : memref<40000xf32, #tpu.memory_space<vmem>>, vector<16xf32>,
      tpu.vector_store %arg7[%swap3A_131], %broadcast_in_dim3A_14 {strides = array<i32>} : memref<40000xf32, #tpu.memory_space<vmem>>, vector<16xf32>,
      %add3A_133 = arith.constant 64 : i32
      %add3A_134 = arith.addi %multiple_of3A_31, %add3A_133 : i32
      %add3A_135 = arith.constant 10000 : i32
      %add3A_136 = arith.addi %add3A_134, %add3A_135 : i32
      %swap3A_137 = arith.index_cast %add3A_136 : i32 to index
      %swap3A_138 = tpu.vector_load %arg7[%swap3A_137] {strides = array<i32>} : memref<40000xf32, #tpu.memory_space<vmem>>, vector<16xf32>,
      tpu.vector_store %arg7[%swap3A_137], %broadcast_in_dim3A_14 {strides = array<i32>} : memref<40000xf32, #tpu.memory_space<vmem>>, vector<16xf32>,
      %add3A_139 = arith.constant 64 : i32
      %add3A_140 = arith.addi %multiple_of3A_31, %add3A_139 : i32
      %add3A_141 = arith.constant 20000 : i32
      %add3A_142 = arith.addi %add3A_140, %add3A_141 : i32
      %swap3A_143 = arith.index_cast %add3A_142 : i32 to index
      %swap3A_144 = tpu.vector_load %arg7[%swap3A_143] {strides = array<i32>} : memref<40000xf32, #tpu.memory_space<vmem>>, vector<16xf32>,
      tpu.vector_store %arg7[%swap3A_143], %broadcast_in_dim3A_14 {strides = array<i32>} : memref<40000xf32, #tpu.memory_space<vmem>>, vector<16xf32>,
      %add3A_145 = arith.constant 64 : i32
      %add3A_146 = arith.addi %multiple_of3A_31, %add3A_145 : i32
      %add3A_147 = arith.constant 30000 : i32
      %add3A_148 = arith.addi %add3A_146, %add3A_147 : i32
      %swap3A_149 = arith.index_cast %add3A_148 : i32 to index
      %swap3A_150 = tpu.vector_load %arg7[%swap3A_149] {strides = array<i32>} : memref<40000xf32, #tpu.memory_space<vmem>>, vector<16xf32>,
      tpu.vector_store %arg7[%swap3A_149], %broadcast_in_dim3A_14 {strides = array<i32>} : memref<40000xf32, #tpu.memory_space<vmem>>, vector<16xf32>,
    }
    %scan3A_19 = arith.constant 125 : i32
    %broadcast_in_dim3A_20 = arith.constant 1.000000e+00 : f32
    %broadcast_in_dim3A_21 = vector.broadcast %broadcast_in_dim3A_20 : f32 to vector<16xf32>
    %scan3A_22 = arith.constant 0 : i32
    %scan3A_23 = arith.constant 0 : i32
    %scan3A_24 = arith.constant 25 : i32
    %scan3A_25 = arith.addi %scan3A_23, %scan3A_24 : i32
    %scan3A_26 = arith.constant 1 : i32
    scf.for %scan3A_28 = %scan3A_23 to %scan3A_25 step %scan3A_26  : i32 {
      %mul3A_29 = arith.constant 2 : i32
      %mul3A_30 = arith.muli %scan3A_28, %mul3A_29 : i32
      %add3A_31 = arith.constant 0 : i32
      %add3A_32 = arith.addi %mul3A_30, %add3A_31 : i32
      %mul3A_33 = arith.constant 6400 : i32
      %mul3A_34 = arith.muli %add3A_32, %mul3A_33 : i32
      %multiple_of3A_35 = tpu.assume_multiple %mul3A_34, 8 : i32
      %dma_wait3A = tpu.memref_slice %arg3[%multiple_of3A_35] : memref<320000xi32, #tpu.memory_space<hbm>> -> memref<6400xi32, #tpu.memory_space<hbm>>
      %dma_wait3A_36 = tpu.memref_slice %arg3[%multiple_of3A_35] : memref<320000xi32, #tpu.memory_space<hbm>> -> memref<6400xi32, #tpu.memory_space<hbm>>
      tpu.wait_dma2 semaphore(%arg12 : memref<!tpu.dma_semaphore, #tpu.memory_space<semaphore_mem>>) src(%dma_wait3A_36 : memref<6400xi32, #tpu.memory_space<hbm>>) dst(%arg8 : memref<6400xi32, #tpu.memory_space<vmem>>)
      %dma_wait3A_37 = tpu.memref_slice %arg4[%multiple_of3A_35] : memref<320000xi32, #tpu.memory_space<hbm>> -> memref<6400xi32, #tpu.memory_space<hbm>>
      %dma_wait3A_38 = tpu.memref_slice %arg4[%multiple_of3A_35] : memref<320000xi32, #tpu.memory_space<hbm>> -> memref<6400xi32, #tpu.memory_space<hbm>>
      tpu.wait_dma2 semaphore(%arg14 : memref<!tpu.dma_semaphore, #tpu.memory_space<semaphore_mem>>) src(%dma_wait3A_38 : memref<6400xi32, #tpu.memory_space<hbm>>) dst(%arg10 : memref<6400xi32, #tpu.memory_space<vmem>>)
      %parallel_loop3A = arith.constant 0 : i32
      %parallel_loop3A_39 = arith.constant 400 : i32
      %parallel_loop3A_40 = arith.constant 1 : i32
      scf.for %parallel_loop3A_66 = %parallel_loop3A to %parallel_loop3A_39 step %parallel_loop3A_40  : i32 {
        %parallel_loop3A_67 = arith.constant 16 : i32
        %parallel_loop3A_68 = arith.muli %parallel_loop3A_66, %parallel_loop3A_67 : i32
        %parallel_loop3A_69 = tpu.assume_multiple %parallel_loop3A_68, 16 : i32
        %parallel_loop3A_70 = arith.index_cast %parallel_loop3A_69 : i32 to index
        %parallel_loop3A_71 = tpu.vector_load %arg8[%parallel_loop3A_70] {strides = array<i32>} : memref<6400xi32, #tpu.memory_space<vmem>>, vector<16xi32>,
        %parallel_loop3A_72 = arith.index_cast %parallel_loop3A_69 : i32 to index
        %parallel_loop3A_73 = tpu.vector_load %arg10[%parallel_loop3A_72] {strides = array<i32>} : memref<6400xi32, #tpu.memory_space<vmem>>, vector<16xi32>,
        %parallel_loop3A_74 = arith.constant 0 : i32
        %parallel_loop3A_75 = vector.broadcast %parallel_loop3A_74 : i32 to vector<16xi32>
        %parallel_loop3A_76 = arith.addi %parallel_loop3A_71, %parallel_loop3A_75 : vector<16xi32>
        %parallel_loop3A_77 = tpu.vector_load_idx %arg6[%parallel_loop3A_76] : memref<40000xf32, #tpu.memory_space<vmem>>[vector<16xi32>], vector<16xf32>,
        %parallel_loop3A_78 = arith.constant 0 : i32
        %parallel_loop3A_79 = vector.broadcast %parallel_loop3A_78 : i32 to vector<16xi32>
        %parallel_loop3A_80 = arith.addi %parallel_loop3A_73, %parallel_loop3A_79 : vector<16xi32>
        tpu.vector_store_idx %arg7[%parallel_loop3A_80], %parallel_loop3A_77 {add = true} : memref<40000xf32, #tpu.memory_space<vmem>>[vector<16xi32>], vector<16xf32>,
        %parallel_loop3A_81 = arith.constant 10000 : i32
        %parallel_loop3A_82 = vector.broadcast %parallel_loop3A_81 : i32 to vector<16xi32>
        %parallel_loop3A_83 = arith.addi %parallel_loop3A_71, %parallel_loop3A_82 : vector<16xi32>
        %parallel_loop3A_84 = tpu.vector_load_idx %arg6[%parallel_loop3A_83] : memref<40000xf32, #tpu.memory_space<vmem>>[vector<16xi32>], vector<16xf32>,
        %parallel_loop3A_85 = arith.constant 10000 : i32
        %parallel_loop3A_86 = vector.broadcast %parallel_loop3A_85 : i32 to vector<16xi32>
        %parallel_loop3A_87 = arith.addi %parallel_loop3A_73, %parallel_loop3A_86 : vector<16xi32>
        tpu.vector_store_idx %arg7[%parallel_loop3A_87], %parallel_loop3A_84 {add = true} : memref<40000xf32, #tpu.memory_space<vmem>>[vector<16xi32>], vector<16xf32>,
        %parallel_loop3A_88 = arith.constant 20000 : i32
        %parallel_loop3A_89 = vector.broadcast %parallel_loop3A_88 : i32 to vector<16xi32>
        %parallel_loop3A_90 = arith.addi %parallel_loop3A_71, %parallel_loop3A_89 : vector<16xi32>
        %parallel_loop3A_91 = tpu.vector_load_idx %arg6[%parallel_loop3A_90] : memref<40000xf32, #tpu.memory_space<vmem>>[vector<16xi32>], vector<16xf32>,
        %parallel_loop3A_92 = arith.constant 20000 : i32
        %parallel_loop3A_93 = vector.broadcast %parallel_loop3A_92 : i32 to vector<16xi32>
        %parallel_loop3A_94 = arith.addi %parallel_loop3A_73, %parallel_loop3A_93 : vector<16xi32>
        tpu.vector_store_idx %arg7[%parallel_loop3A_94], %parallel_loop3A_91 {add = true} : memref<40000xf32, #tpu.memory_space<vmem>>[vector<16xi32>], vector<16xf32>,
        %parallel_loop3A_95 = arith.constant 30000 : i32
        %parallel_loop3A_96 = vector.broadcast %parallel_loop3A_95 : i32 to vector<16xi32>
        %parallel_loop3A_97 = arith.addi %parallel_loop3A_71, %parallel_loop3A_96 : vector<16xi32>
        %parallel_loop3A_98 = tpu.vector_load_idx %arg6[%parallel_loop3A_97] : memref<40000xf32, #tpu.memory_space<vmem>>[vector<16xi32>], vector<16xf32>,
        %parallel_loop3A_99 = arith.constant 30000 : i32
        %parallel_loop3A_100 = vector.broadcast %parallel_loop3A_99 : i32 to vector<16xi32>
        %parallel_loop3A_101 = arith.addi %parallel_loop3A_73, %parallel_loop3A_100 : vector<16xi32>
        tpu.vector_store_idx %arg7[%parallel_loop3A_101], %parallel_loop3A_98 {add = true} : memref<40000xf32, #tpu.memory_space<vmem>>[vector<16xi32>], vector<16xf32>,
      } {sc.loop_unroll_factor = 8 : i64, sc.parallel_access}
      %add3A_41 = arith.constant 2 : i32
      %add3A_42 = arith.addi %add3A_32, %add3A_41 : i32
      %lt3A = arith.constant 50 : i32
      %lt3A_43 = arith.cmpi slt, %add3A_42, %lt3A : i32
      %convert_element_type3A = arith.extui %lt3A_43 : i1 to i32
      %cond3A = arith.constant 0 : i32
      %cond3A_44 = arith.cmpi ne, %convert_element_type3A, %cond3A : i32
      scf.if %cond3A_44 {
        %add3A_66 = arith.constant 2 : i32
        %add3A_67 = arith.addi %add3A_32, %add3A_66 : i32
        %mul3A_68 = arith.constant 6400 : i32
        %mul3A_69 = arith.muli %add3A_67, %mul3A_68 : i32
        %multiple_of3A_70 = tpu.assume_multiple %mul3A_69, 8 : i32
        %dma_start3A_71 = tpu.memref_slice %arg3[%multiple_of3A_70] : memref<320000xi32, #tpu.memory_space<hbm>> -> memref<6400xi32, #tpu.memory_space<hbm>>
        %dma_start3A_72 = tpu.memref_slice %arg3[%multiple_of3A_70] : memref<320000xi32, #tpu.memory_space<hbm>> -> memref<6400xi32, #tpu.memory_space<hbm>>
        tpu.enqueue_dma source(%dma_start3A_72 : memref<6400xi32, #tpu.memory_space<hbm>>) target(%arg8 : memref<6400xi32, #tpu.memory_space<vmem>>) target_semaphore(%arg12 : memref<!tpu.dma_semaphore, #tpu.memory_space<semaphore_mem>>)
        %dma_start3A_73 = tpu.memref_slice %arg4[%multiple_of3A_70] : memref<320000xi32, #tpu.memory_space<hbm>> -> memref<6400xi32, #tpu.memory_space<hbm>>
        %dma_start3A_74 = tpu.memref_slice %arg4[%multiple_of3A_70] : memref<320000xi32, #tpu.memory_space<hbm>> -> memref<6400xi32, #tpu.memory_space<hbm>>
        tpu.enqueue_dma source(%dma_start3A_74 : memref<6400xi32, #tpu.memory_space<hbm>>) target(%arg10 : memref<6400xi32, #tpu.memory_space<vmem>>) target_semaphore(%arg14 : memref<!tpu.dma_semaphore, #tpu.memory_space<semaphore_mem>>)
      } else {
      }
      %mul3A_45 = arith.constant 2 : i32
      %mul3A_46 = arith.muli %scan3A_28, %mul3A_45 : i32
      %add3A_47 = arith.constant 1 : i32
      %add3A_48 = arith.addi %mul3A_46, %add3A_47 : i32
      %mul3A_49 = arith.constant 6400 : i32
      %mul3A_50 = arith.muli %add3A_48, %mul3A_49 : i32
      %multiple_of3A_51 = tpu.assume_multiple %mul3A_50, 8 : i32
      %dma_wait3A_52 = tpu.memref_slice %arg3[%multiple_of3A_51] : memref<320000xi32, #tpu.memory_space<hbm>> -> memref<6400xi32, #tpu.memory_space<hbm>>
      %dma_wait3A_53 = tpu.memref_slice %arg3[%multiple_of3A_51] : memref<320000xi32, #tpu.memory_space<hbm>> -> memref<6400xi32, #tpu.memory_space<hbm>>
      tpu.wait_dma2 semaphore(%arg13 : memref<!tpu.dma_semaphore, #tpu.memory_space<semaphore_mem>>) src(%dma_wait3A_53 : memref<6400xi32, #tpu.memory_space<hbm>>) dst(%arg9 : memref<6400xi32, #tpu.memory_space<vmem>>)
      %dma_wait3A_54 = tpu.memref_slice %arg4[%multiple_of3A_51] : memref<320000xi32, #tpu.memory_space<hbm>> -> memref<6400xi32, #tpu.memory_space<hbm>>
      %dma_wait3A_55 = tpu.memref_slice %arg4[%multiple_of3A_51] : memref<320000xi32, #tpu.memory_space<hbm>> -> memref<6400xi32, #tpu.memory_space<hbm>>
      tpu.wait_dma2 semaphore(%arg15 : memref<!tpu.dma_semaphore, #tpu.memory_space<semaphore_mem>>) src(%dma_wait3A_55 : memref<6400xi32, #tpu.memory_space<hbm>>) dst(%arg11 : memref<6400xi32, #tpu.memory_space<vmem>>)
      %parallel_loop3A_56 = arith.constant 0 : i32
      %parallel_loop3A_57 = arith.constant 400 : i32
      %parallel_loop3A_58 = arith.constant 1 : i32
      scf.for %parallel_loop3A_66 = %parallel_loop3A_56 to %parallel_loop3A_57 step %parallel_loop3A_58  : i32 {
        %parallel_loop3A_67 = arith.constant 16 : i32
        %parallel_loop3A_68 = arith.muli %parallel_loop3A_66, %parallel_loop3A_67 : i32
        %parallel_loop3A_69 = tpu.assume_multiple %parallel_loop3A_68, 16 : i32
        %parallel_loop3A_70 = arith.index_cast %parallel_loop3A_69 : i32 to index
        %parallel_loop3A_71 = tpu.vector_load %arg9[%parallel_loop3A_70] {strides = array<i32>} : memref<6400xi32, #tpu.memory_space<vmem>>, vector<16xi32>,
        %parallel_loop3A_72 = arith.index_cast %parallel_loop3A_69 : i32 to index
        %parallel_loop3A_73 = tpu.vector_load %arg11[%parallel_loop3A_72] {strides = array<i32>} : memref<6400xi32, #tpu.memory_space<vmem>>, vector<16xi32>,
        %parallel_loop3A_74 = arith.constant 0 : i32
        %parallel_loop3A_75 = vector.broadcast %parallel_loop3A_74 : i32 to vector<16xi32>
        %parallel_loop3A_76 = arith.addi %parallel_loop3A_71, %parallel_loop3A_75 : vector<16xi32>
        %parallel_loop3A_77 = tpu.vector_load_idx %arg6[%parallel_loop3A_76] : memref<40000xf32, #tpu.memory_space<vmem>>[vector<16xi32>], vector<16xf32>,
        %parallel_loop3A_78 = arith.constant 0 : i32
        %parallel_loop3A_79 = vector.broadcast %parallel_loop3A_78 : i32 to vector<16xi32>
        %parallel_loop3A_80 = arith.addi %parallel_loop3A_73, %parallel_loop3A_79 : vector<16xi32>
        tpu.vector_store_idx %arg7[%parallel_loop3A_80], %parallel_loop3A_77 {add = true} : memref<40000xf32, #tpu.memory_space<vmem>>[vector<16xi32>], vector<16xf32>,
        %parallel_loop3A_81 = arith.constant 10000 : i32
        %parallel_loop3A_82 = vector.broadcast %parallel_loop3A_81 : i32 to vector<16xi32>
        %parallel_loop3A_83 = arith.addi %parallel_loop3A_71, %parallel_loop3A_82 : vector<16xi32>
        %parallel_loop3A_84 = tpu.vector_load_idx %arg6[%parallel_loop3A_83] : memref<40000xf32, #tpu.memory_space<vmem>>[vector<16xi32>], vector<16xf32>,
        %parallel_loop3A_85 = arith.constant 10000 : i32
        %parallel_loop3A_86 = vector.broadcast %parallel_loop3A_85 : i32 to vector<16xi32>
        %parallel_loop3A_87 = arith.addi %parallel_loop3A_73, %parallel_loop3A_86 : vector<16xi32>
        tpu.vector_store_idx %arg7[%parallel_loop3A_87], %parallel_loop3A_84 {add = true} : memref<40000xf32, #tpu.memory_space<vmem>>[vector<16xi32>], vector<16xf32>,
        %parallel_loop3A_88 = arith.constant 20000 : i32
        %parallel_loop3A_89 = vector.broadcast %parallel_loop3A_88 : i32 to vector<16xi32>
        %parallel_loop3A_90 = arith.addi %parallel_loop3A_71, %parallel_loop3A_89 : vector<16xi32>
        %parallel_loop3A_91 = tpu.vector_load_idx %arg6[%parallel_loop3A_90] : memref<40000xf32, #tpu.memory_space<vmem>>[vector<16xi32>], vector<16xf32>,
        %parallel_loop3A_92 = arith.constant 20000 : i32
        %parallel_loop3A_93 = vector.broadcast %parallel_loop3A_92 : i32 to vector<16xi32>
        %parallel_loop3A_94 = arith.addi %parallel_loop3A_73, %parallel_loop3A_93 : vector<16xi32>
        tpu.vector_store_idx %arg7[%parallel_loop3A_94], %parallel_loop3A_91 {add = true} : memref<40000xf32, #tpu.memory_space<vmem>>[vector<16xi32>], vector<16xf32>,
        %parallel_loop3A_95 = arith.constant 30000 : i32
        %parallel_loop3A_96 = vector.broadcast %parallel_loop3A_95 : i32 to vector<16xi32>
        %parallel_loop3A_97 = arith.addi %parallel_loop3A_71, %parallel_loop3A_96 : vector<16xi32>
        %parallel_loop3A_98 = tpu.vector_load_idx %arg6[%parallel_loop3A_97] : memref<40000xf32, #tpu.memory_space<vmem>>[vector<16xi32>], vector<16xf32>,
        %parallel_loop3A_99 = arith.constant 30000 : i32
        %parallel_loop3A_100 = vector.broadcast %parallel_loop3A_99 : i32 to vector<16xi32>
        %parallel_loop3A_101 = arith.addi %parallel_loop3A_73, %parallel_loop3A_100 : vector<16xi32>
        tpu.vector_store_idx %arg7[%parallel_loop3A_101], %parallel_loop3A_98 {add = true} : memref<40000xf32, #tpu.memory_space<vmem>>[vector<16xi32>], vector<16xf32>,
      } {sc.loop_unroll_factor = 8 : i64, sc.parallel_access}
      %add3A_59 = arith.constant 2 : i32
      %add3A_60 = arith.addi %add3A_48, %add3A_59 : i32
      %lt3A_61 = arith.constant 50 : i32
      %lt3A_62 = arith.cmpi slt, %add3A_60, %lt3A_61 : i32
      %convert_element_type3A_63 = arith.extui %lt3A_62 : i1 to i32
      %cond3A_64 = arith.constant 0 : i32
      %cond3A_65 = arith.cmpi ne, %convert_element_type3A_63, %cond3A_64 : i32
      scf.if %cond3A_65 {
        %add3A_66 = arith.constant 2 : i32
        %add3A_67 = arith.addi %add3A_48, %add3A_66 : i32
        %mul3A_68 = arith.constant 6400 : i32
        %mul3A_69 = arith.muli %add3A_67, %mul3A_68 : i32
        %multiple_of3A_70 = tpu.assume_multiple %mul3A_69, 8 : i32
        %dma_start3A_71 = tpu.memref_slice %arg3[%multiple_of3A_70] : memref<320000xi32, #tpu.memory_space<hbm>> -> memref<6400xi32, #tpu.memory_space<hbm>>
        %dma_start3A_72 = tpu.memref_slice %arg3[%multiple_of3A_70] : memref<320000xi32, #tpu.memory_space<hbm>> -> memref<6400xi32, #tpu.memory_space<hbm>>
        tpu.enqueue_dma source(%dma_start3A_72 : memref<6400xi32, #tpu.memory_space<hbm>>) target(%arg9 : memref<6400xi32, #tpu.memory_space<vmem>>) target_semaphore(%arg13 : memref<!tpu.dma_semaphore, #tpu.memory_space<semaphore_mem>>)
        %dma_start3A_73 = tpu.memref_slice %arg4[%multiple_of3A_70] : memref<320000xi32, #tpu.memory_space<hbm>> -> memref<6400xi32, #tpu.memory_space<hbm>>
        %dma_start3A_74 = tpu.memref_slice %arg4[%multiple_of3A_70] : memref<320000xi32, #tpu.memory_space<hbm>> -> memref<6400xi32, #tpu.memory_space<hbm>>
        tpu.enqueue_dma source(%dma_start3A_74 : memref<6400xi32, #tpu.memory_space<hbm>>) target(%arg11 : memref<6400xi32, #tpu.memory_space<vmem>>) target_semaphore(%arg15 : memref<!tpu.dma_semaphore, #tpu.memory_space<semaphore_mem>>)
      } else {
      }
    }
    %scan3A_27 = arith.constant 25 : i32
    "tpu.region"() ({
      %run_scoped3A = tpu.sem_alloc : memref<!tpu.dma_semaphore, #tpu.memory_space<semaphore_mem>>
      %dma_start3A_28 = tpu.memref_slice %arg5[%multiple_of3A_13] : memref<1280000xf32, #tpu.memory_space<hbm>> -> memref<40000xf32, #tpu.memory_space<hbm>>
      %dma_start3A_29 = tpu.memref_slice %arg5[%multiple_of3A_13] : memref<1280000xf32, #tpu.memory_space<hbm>> -> memref<40000xf32, #tpu.memory_space<hbm>>
      tpu.enqueue_dma source(%arg7 : memref<40000xf32, #tpu.memory_space<vmem>>) target(%dma_start3A_29 : memref<40000xf32, #tpu.memory_space<hbm>>) target_semaphore(%run_scoped3A : memref<!tpu.dma_semaphore, #tpu.memory_space<semaphore_mem>>)
      %dma_wait3A = tpu.memref_slice %arg5[%multiple_of3A_13] : memref<1280000xf32, #tpu.memory_space<hbm>> -> memref<40000xf32, #tpu.memory_space<hbm>>
      %dma_wait3A_30 = tpu.memref_slice %arg5[%multiple_of3A_13] : memref<1280000xf32, #tpu.memory_space<hbm>> -> memref<40000xf32, #tpu.memory_space<hbm>>
      tpu.wait_dma2 semaphore(%run_scoped3A : memref<!tpu.dma_semaphore, #tpu.memory_space<semaphore_mem>>) src(%arg7 : memref<40000xf32, #tpu.memory_space<vmem>>) dst(%dma_wait3A_30 : memref<40000xf32, #tpu.memory_space<hbm>>)
      tpu.yield
    }) : () -> ()
    return
  }
}

#map = affine_map<(d0, d1) -> (0)>
module attributes {stable_mosaic.version = 14 : i64} {
  func.func @body(%arg0: i32, %arg1: i32, %arg2: memref<1280000xf32, #tpu.memory_space<hbm>>, %arg3: memref<320000xi32, #tpu.memory_space<hbm>>, %arg4: memref<320000xi32, #tpu.memory_space<hbm>>, %arg5: memref<1280000xf32, #tpu.memory_space<hbm>>, %arg6: memref<10000xf32, #tpu.memory_space<hbm>>, %arg7: memref<40000xf32, #tpu.memory_space<vmem>>, %arg8: memref<40000xf32, #tpu.memory_space<vmem>>, %arg9: memref<6400xi32, #tpu.memory_space<vmem>>, %arg10: memref<6400xi32, #tpu.memory_space<vmem>>, %arg11: memref<6400xi32, #tpu.memory_space<vmem>>, %arg12: memref<6400xi32, #tpu.memory_space<vmem>>, %arg13: memref<!tpu.dma_semaphore, #tpu.memory_space<semaphore_mem>>, %arg14: memref<!tpu.dma_semaphore, #tpu.memory_space<semaphore_mem>>, %arg15: memref<!tpu.dma_semaphore, #tpu.memory_space<semaphore_mem>>, %arg16: memref<!tpu.dma_semaphore, #tpu.memory_space<semaphore_mem>>, %arg17: memref<10000xf32, #tpu.memory_space<vmem>>) attributes {dimension_semantics = [#tpu.dimension_semantics<core_parallel>, #tpu.dimension_semantics<subcore_parallel>], iteration_bounds = array<i64: 2, 16>, scalar_prefetch = 0 : i64, scratch_operands = 11 : i64, tpu.core_type = #tpu.core_type<sc_vector_subcore>, window_params = [{transform_indices = #map}, {transform_indices = #map}, {transform_indices = #map}, {transform_indices = #map}, {transform_indices = #map}]} {
    %multiple_of3A = arith.constant 0 : i32
    %multiple_of3A_0 = tpu.assume_multiple %multiple_of3A, 8 : i32
    %dma_start3A = tpu.memref_slice %arg3[%multiple_of3A_0] : memref<320000xi32, #tpu.memory_space<hbm>> -> memref<6400xi32, #tpu.memory_space<hbm>>
    %dma_start3A_1 = tpu.memref_slice %arg3[%multiple_of3A_0] : memref<320000xi32, #tpu.memory_space<hbm>> -> memref<6400xi32, #tpu.memory_space<hbm>>
    tpu.enqueue_dma source(%dma_start3A_1 : memref<6400xi32, #tpu.memory_space<hbm>>) target(%arg9 : memref<6400xi32, #tpu.memory_space<vmem>>) target_semaphore(%arg13 : memref<!tpu.dma_semaphore, #tpu.memory_space<semaphore_mem>>)
    %dma_start3A_2 = tpu.memref_slice %arg4[%multiple_of3A_0] : memref<320000xi32, #tpu.memory_space<hbm>> -> memref<6400xi32, #tpu.memory_space<hbm>>
    %dma_start3A_3 = tpu.memref_slice %arg4[%multiple_of3A_0] : memref<320000xi32, #tpu.memory_space<hbm>> -> memref<6400xi32, #tpu.memory_space<hbm>>
    tpu.enqueue_dma source(%dma_start3A_3 : memref<6400xi32, #tpu.memory_space<hbm>>) target(%arg11 : memref<6400xi32, #tpu.memory_space<vmem>>) target_semaphore(%arg15 : memref<!tpu.dma_semaphore, #tpu.memory_space<semaphore_mem>>)
    %multiple_of3A_4 = arith.constant 6400 : i32
    %multiple_of3A_5 = tpu.assume_multiple %multiple_of3A_4, 8 : i32
    %dma_start3A_6 = tpu.memref_slice %arg3[%multiple_of3A_5] : memref<320000xi32, #tpu.memory_space<hbm>> -> memref<6400xi32, #tpu.memory_space<hbm>>
    %dma_start3A_7 = tpu.memref_slice %arg3[%multiple_of3A_5] : memref<320000xi32, #tpu.memory_space<hbm>> -> memref<6400xi32, #tpu.memory_space<hbm>>
    tpu.enqueue_dma source(%dma_start3A_7 : memref<6400xi32, #tpu.memory_space<hbm>>) target(%arg10 : memref<6400xi32, #tpu.memory_space<vmem>>) target_semaphore(%arg14 : memref<!tpu.dma_semaphore, #tpu.memory_space<semaphore_mem>>)
    %dma_start3A_8 = tpu.memref_slice %arg4[%multiple_of3A_5] : memref<320000xi32, #tpu.memory_space<hbm>> -> memref<6400xi32, #tpu.memory_space<hbm>>
    %dma_start3A_9 = tpu.memref_slice %arg4[%multiple_of3A_5] : memref<320000xi32, #tpu.memory_space<hbm>> -> memref<6400xi32, #tpu.memory_space<hbm>>
    tpu.enqueue_dma source(%dma_start3A_9 : memref<6400xi32, #tpu.memory_space<hbm>>) target(%arg12 : memref<6400xi32, #tpu.memory_space<vmem>>) target_semaphore(%arg16 : memref<!tpu.dma_semaphore, #tpu.memory_space<semaphore_mem>>)
    %mul3A = arith.constant 2 : i32
    %mul3A_10 = arith.muli %arg1, %mul3A : i32
    %add3A = arith.addi %mul3A_10, %arg0 : i32
    %mul3A_11 = arith.constant 40000 : i32
    %mul3A_12 = arith.muli %add3A, %mul3A_11 : i32
    %multiple_of3A_13 = tpu.assume_multiple %mul3A_12, 8 : i32
    "tpu.region"() ({
      %run_scoped3A = tpu.sem_alloc : memref<!tpu.dma_semaphore, #tpu.memory_space<semaphore_mem>>
      %dma_start3A_30 = tpu.memref_slice %arg2[%multiple_of3A_13] : memref<1280000xf32, #tpu.memory_space<hbm>> -> memref<40000xf32, #tpu.memory_space<hbm>>
      %dma_start3A_31 = tpu.memref_slice %arg2[%multiple_of3A_13] : memref<1280000xf32, #tpu.memory_space<hbm>> -> memref<40000xf32, #tpu.memory_space<hbm>>
      tpu.enqueue_dma source(%dma_start3A_31 : memref<40000xf32, #tpu.memory_space<hbm>>) target(%arg7 : memref<40000xf32, #tpu.memory_space<vmem>>) target_semaphore(%run_scoped3A : memref<!tpu.dma_semaphore, #tpu.memory_space<semaphore_mem>>)
      %dma_wait3A = tpu.memref_slice %arg2[%multiple_of3A_13] : memref<1280000xf32, #tpu.memory_space<hbm>> -> memref<40000xf32, #tpu.memory_space<hbm>>
      %dma_wait3A_32 = tpu.memref_slice %arg2[%multiple_of3A_13] : memref<1280000xf32, #tpu.memory_space<hbm>> -> memref<40000xf32, #tpu.memory_space<hbm>>
      tpu.wait_dma2 semaphore(%run_scoped3A : memref<!tpu.dma_semaphore, #tpu.memory_space<semaphore_mem>>) src(%dma_wait3A_32 : memref<40000xf32, #tpu.memory_space<hbm>>) dst(%arg7 : memref<40000xf32, #tpu.memory_space<vmem>>)
      tpu.yield
    }) : () -> ()
    %broadcast_in_dim3A = arith.constant 0.000000e+00 : f32
    %broadcast_in_dim3A_14 = vector.broadcast %broadcast_in_dim3A : f32 to vector<16xf32>
    %scan3A = arith.constant 0 : i32
    %scan3A_15 = arith.constant 0 : i32
    %scan3A_16 = arith.constant 125 : i32
    %scan3A_17 = arith.addi %scan3A_15, %scan3A_16 : i32
    %scan3A_18 = arith.constant 1 : i32
    scf.for %scan3A_30 = %scan3A_15 to %scan3A_17 step %scan3A_18  : i32 {
      %mul3A_31 = arith.constant 80 : i32
      %mul3A_32 = arith.muli %scan3A_30, %mul3A_31 : i32
      %multiple_of3A_33 = tpu.assume_multiple %mul3A_32, 16 : i32
      %add3A_34 = arith.constant 0 : i32
      %add3A_35 = arith.addi %multiple_of3A_33, %add3A_34 : i32
      %add3A_36 = arith.constant 0 : i32
      %add3A_37 = arith.addi %add3A_35, %add3A_36 : i32
      %swap3A = arith.index_cast %add3A_37 : i32 to index
      %swap3A_38 = tpu.vector_load %arg8[%swap3A] {strides = array<i32>} : memref<40000xf32, #tpu.memory_space<vmem>>, vector<16xf32>,
      tpu.vector_store %arg8[%swap3A], %broadcast_in_dim3A_14 {strides = array<i32>} : memref<40000xf32, #tpu.memory_space<vmem>>, vector<16xf32>,
      %add3A_39 = arith.constant 0 : i32
      %add3A_40 = arith.addi %multiple_of3A_33, %add3A_39 : i32
      %add3A_41 = arith.constant 10000 : i32
      %add3A_42 = arith.addi %add3A_40, %add3A_41 : i32
      %swap3A_43 = arith.index_cast %add3A_42 : i32 to index
      %swap3A_44 = tpu.vector_load %arg8[%swap3A_43] {strides = array<i32>} : memref<40000xf32, #tpu.memory_space<vmem>>, vector<16xf32>,
      tpu.vector_store %arg8[%swap3A_43], %broadcast_in_dim3A_14 {strides = array<i32>} : memref<40000xf32, #tpu.memory_space<vmem>>, vector<16xf32>,
      %add3A_45 = arith.constant 0 : i32
      %add3A_46 = arith.addi %multiple_of3A_33, %add3A_45 : i32
      %add3A_47 = arith.constant 20000 : i32
      %add3A_48 = arith.addi %add3A_46, %add3A_47 : i32
      %swap3A_49 = arith.index_cast %add3A_48 : i32 to index
      %swap3A_50 = tpu.vector_load %arg8[%swap3A_49] {strides = array<i32>} : memref<40000xf32, #tpu.memory_space<vmem>>, vector<16xf32>,
      tpu.vector_store %arg8[%swap3A_49], %broadcast_in_dim3A_14 {strides = array<i32>} : memref<40000xf32, #tpu.memory_space<vmem>>, vector<16xf32>,
      %add3A_51 = arith.constant 0 : i32
      %add3A_52 = arith.addi %multiple_of3A_33, %add3A_51 : i32
      %add3A_53 = arith.constant 30000 : i32
      %add3A_54 = arith.addi %add3A_52, %add3A_53 : i32
      %swap3A_55 = arith.index_cast %add3A_54 : i32 to index
      %swap3A_56 = tpu.vector_load %arg8[%swap3A_55] {strides = array<i32>} : memref<40000xf32, #tpu.memory_space<vmem>>, vector<16xf32>,
      tpu.vector_store %arg8[%swap3A_55], %broadcast_in_dim3A_14 {strides = array<i32>} : memref<40000xf32, #tpu.memory_space<vmem>>, vector<16xf32>,
      %add3A_57 = arith.constant 0 : i32
      %add3A_58 = arith.addi %multiple_of3A_33, %add3A_57 : i32
      %swap3A_59 = arith.index_cast %add3A_58 : i32 to index
      %swap3A_60 = tpu.vector_load %arg17[%swap3A_59] {strides = array<i32>} : memref<10000xf32, #tpu.memory_space<vmem>>, vector<16xf32>,
      tpu.vector_store %arg17[%swap3A_59], %broadcast_in_dim3A_14 {strides = array<i32>} : memref<10000xf32, #tpu.memory_space<vmem>>, vector<16xf32>,
      %add3A_61 = arith.constant 16 : i32
      %add3A_62 = arith.addi %multiple_of3A_33, %add3A_61 : i32
      %add3A_63 = arith.constant 0 : i32
      %add3A_64 = arith.addi %add3A_62, %add3A_63 : i32
      %swap3A_65 = arith.index_cast %add3A_64 : i32 to index
      %swap3A_66 = tpu.vector_load %arg8[%swap3A_65] {strides = array<i32>} : memref<40000xf32, #tpu.memory_space<vmem>>, vector<16xf32>,
      tpu.vector_store %arg8[%swap3A_65], %broadcast_in_dim3A_14 {strides = array<i32>} : memref<40000xf32, #tpu.memory_space<vmem>>, vector<16xf32>,
      %add3A_67 = arith.constant 16 : i32
      %add3A_68 = arith.addi %multiple_of3A_33, %add3A_67 : i32
      %add3A_69 = arith.constant 10000 : i32
      %add3A_70 = arith.addi %add3A_68, %add3A_69 : i32
      %swap3A_71 = arith.index_cast %add3A_70 : i32 to index
      %swap3A_72 = tpu.vector_load %arg8[%swap3A_71] {strides = array<i32>} : memref<40000xf32, #tpu.memory_space<vmem>>, vector<16xf32>,
      tpu.vector_store %arg8[%swap3A_71], %broadcast_in_dim3A_14 {strides = array<i32>} : memref<40000xf32, #tpu.memory_space<vmem>>, vector<16xf32>,
      %add3A_73 = arith.constant 16 : i32
      %add3A_74 = arith.addi %multiple_of3A_33, %add3A_73 : i32
      %add3A_75 = arith.constant 20000 : i32
      %add3A_76 = arith.addi %add3A_74, %add3A_75 : i32
      %swap3A_77 = arith.index_cast %add3A_76 : i32 to index
      %swap3A_78 = tpu.vector_load %arg8[%swap3A_77] {strides = array<i32>} : memref<40000xf32, #tpu.memory_space<vmem>>, vector<16xf32>,
      tpu.vector_store %arg8[%swap3A_77], %broadcast_in_dim3A_14 {strides = array<i32>} : memref<40000xf32, #tpu.memory_space<vmem>>, vector<16xf32>,
      %add3A_79 = arith.constant 16 : i32
      %add3A_80 = arith.addi %multiple_of3A_33, %add3A_79 : i32
      %add3A_81 = arith.constant 30000 : i32
      %add3A_82 = arith.addi %add3A_80, %add3A_81 : i32
      %swap3A_83 = arith.index_cast %add3A_82 : i32 to index
      %swap3A_84 = tpu.vector_load %arg8[%swap3A_83] {strides = array<i32>} : memref<40000xf32, #tpu.memory_space<vmem>>, vector<16xf32>,
      tpu.vector_store %arg8[%swap3A_83], %broadcast_in_dim3A_14 {strides = array<i32>} : memref<40000xf32, #tpu.memory_space<vmem>>, vector<16xf32>,
      %add3A_85 = arith.constant 16 : i32
      %add3A_86 = arith.addi %multiple_of3A_33, %add3A_85 : i32
      %swap3A_87 = arith.index_cast %add3A_86 : i32 to index
      %swap3A_88 = tpu.vector_load %arg17[%swap3A_87] {strides = array<i32>} : memref<10000xf32, #tpu.memory_space<vmem>>, vector<16xf32>,
      tpu.vector_store %arg17[%swap3A_87], %broadcast_in_dim3A_14 {strides = array<i32>} : memref<10000xf32, #tpu.memory_space<vmem>>, vector<16xf32>,
      %add3A_89 = arith.constant 32 : i32
      %add3A_90 = arith.addi %multiple_of3A_33, %add3A_89 : i32
      %add3A_91 = arith.constant 0 : i32
      %add3A_92 = arith.addi %add3A_90, %add3A_91 : i32
      %swap3A_93 = arith.index_cast %add3A_92 : i32 to index
      %swap3A_94 = tpu.vector_load %arg8[%swap3A_93] {strides = array<i32>} : memref<40000xf32, #tpu.memory_space<vmem>>, vector<16xf32>,
      tpu.vector_store %arg8[%swap3A_93], %broadcast_in_dim3A_14 {strides = array<i32>} : memref<40000xf32, #tpu.memory_space<vmem>>, vector<16xf32>,
      %add3A_95 = arith.constant 32 : i32
      %add3A_96 = arith.addi %multiple_of3A_33, %add3A_95 : i32
      %add3A_97 = arith.constant 10000 : i32
      %add3A_98 = arith.addi %add3A_96, %add3A_97 : i32
      %swap3A_99 = arith.index_cast %add3A_98 : i32 to index
      %swap3A_100 = tpu.vector_load %arg8[%swap3A_99] {strides = array<i32>} : memref<40000xf32, #tpu.memory_space<vmem>>, vector<16xf32>,
      tpu.vector_store %arg8[%swap3A_99], %broadcast_in_dim3A_14 {strides = array<i32>} : memref<40000xf32, #tpu.memory_space<vmem>>, vector<16xf32>,
      %add3A_101 = arith.constant 32 : i32
      %add3A_102 = arith.addi %multiple_of3A_33, %add3A_101 : i32
      %add3A_103 = arith.constant 20000 : i32
      %add3A_104 = arith.addi %add3A_102, %add3A_103 : i32
      %swap3A_105 = arith.index_cast %add3A_104 : i32 to index
      %swap3A_106 = tpu.vector_load %arg8[%swap3A_105] {strides = array<i32>} : memref<40000xf32, #tpu.memory_space<vmem>>, vector<16xf32>,
      tpu.vector_store %arg8[%swap3A_105], %broadcast_in_dim3A_14 {strides = array<i32>} : memref<40000xf32, #tpu.memory_space<vmem>>, vector<16xf32>,
      %add3A_107 = arith.constant 32 : i32
      %add3A_108 = arith.addi %multiple_of3A_33, %add3A_107 : i32
      %add3A_109 = arith.constant 30000 : i32
      %add3A_110 = arith.addi %add3A_108, %add3A_109 : i32
      %swap3A_111 = arith.index_cast %add3A_110 : i32 to index
      %swap3A_112 = tpu.vector_load %arg8[%swap3A_111] {strides = array<i32>} : memref<40000xf32, #tpu.memory_space<vmem>>, vector<16xf32>,
      tpu.vector_store %arg8[%swap3A_111], %broadcast_in_dim3A_14 {strides = array<i32>} : memref<40000xf32, #tpu.memory_space<vmem>>, vector<16xf32>,
      %add3A_113 = arith.constant 32 : i32
      %add3A_114 = arith.addi %multiple_of3A_33, %add3A_113 : i32
      %swap3A_115 = arith.index_cast %add3A_114 : i32 to index
      %swap3A_116 = tpu.vector_load %arg17[%swap3A_115] {strides = array<i32>} : memref<10000xf32, #tpu.memory_space<vmem>>, vector<16xf32>,
      tpu.vector_store %arg17[%swap3A_115], %broadcast_in_dim3A_14 {strides = array<i32>} : memref<10000xf32, #tpu.memory_space<vmem>>, vector<16xf32>,
      %add3A_117 = arith.constant 48 : i32
      %add3A_118 = arith.addi %multiple_of3A_33, %add3A_117 : i32
      %add3A_119 = arith.constant 0 : i32
      %add3A_120 = arith.addi %add3A_118, %add3A_119 : i32
      %swap3A_121 = arith.index_cast %add3A_120 : i32 to index
      %swap3A_122 = tpu.vector_load %arg8[%swap3A_121] {strides = array<i32>} : memref<40000xf32, #tpu.memory_space<vmem>>, vector<16xf32>,
      tpu.vector_store %arg8[%swap3A_121], %broadcast_in_dim3A_14 {strides = array<i32>} : memref<40000xf32, #tpu.memory_space<vmem>>, vector<16xf32>,
      %add3A_123 = arith.constant 48 : i32
      %add3A_124 = arith.addi %multiple_of3A_33, %add3A_123 : i32
      %add3A_125 = arith.constant 10000 : i32
      %add3A_126 = arith.addi %add3A_124, %add3A_125 : i32
      %swap3A_127 = arith.index_cast %add3A_126 : i32 to index
      %swap3A_128 = tpu.vector_load %arg8[%swap3A_127] {strides = array<i32>} : memref<40000xf32, #tpu.memory_space<vmem>>, vector<16xf32>,
      tpu.vector_store %arg8[%swap3A_127], %broadcast_in_dim3A_14 {strides = array<i32>} : memref<40000xf32, #tpu.memory_space<vmem>>, vector<16xf32>,
      %add3A_129 = arith.constant 48 : i32
      %add3A_130 = arith.addi %multiple_of3A_33, %add3A_129 : i32
      %add3A_131 = arith.constant 20000 : i32
      %add3A_132 = arith.addi %add3A_130, %add3A_131 : i32
      %swap3A_133 = arith.index_cast %add3A_132 : i32 to index
      %swap3A_134 = tpu.vector_load %arg8[%swap3A_133] {strides = array<i32>} : memref<40000xf32, #tpu.memory_space<vmem>>, vector<16xf32>,
      tpu.vector_store %arg8[%swap3A_133], %broadcast_in_dim3A_14 {strides = array<i32>} : memref<40000xf32, #tpu.memory_space<vmem>>, vector<16xf32>,
      %add3A_135 = arith.constant 48 : i32
      %add3A_136 = arith.addi %multiple_of3A_33, %add3A_135 : i32
      %add3A_137 = arith.constant 30000 : i32
      %add3A_138 = arith.addi %add3A_136, %add3A_137 : i32
      %swap3A_139 = arith.index_cast %add3A_138 : i32 to index
      %swap3A_140 = tpu.vector_load %arg8[%swap3A_139] {strides = array<i32>} : memref<40000xf32, #tpu.memory_space<vmem>>, vector<16xf32>,
      tpu.vector_store %arg8[%swap3A_139], %broadcast_in_dim3A_14 {strides = array<i32>} : memref<40000xf32, #tpu.memory_space<vmem>>, vector<16xf32>,
      %add3A_141 = arith.constant 48 : i32
      %add3A_142 = arith.addi %multiple_of3A_33, %add3A_141 : i32
      %swap3A_143 = arith.index_cast %add3A_142 : i32 to index
      %swap3A_144 = tpu.vector_load %arg17[%swap3A_143] {strides = array<i32>} : memref<10000xf32, #tpu.memory_space<vmem>>, vector<16xf32>,
      tpu.vector_store %arg17[%swap3A_143], %broadcast_in_dim3A_14 {strides = array<i32>} : memref<10000xf32, #tpu.memory_space<vmem>>, vector<16xf32>,
      %add3A_145 = arith.constant 64 : i32
      %add3A_146 = arith.addi %multiple_of3A_33, %add3A_145 : i32
      %add3A_147 = arith.constant 0 : i32
      %add3A_148 = arith.addi %add3A_146, %add3A_147 : i32
      %swap3A_149 = arith.index_cast %add3A_148 : i32 to index
      %swap3A_150 = tpu.vector_load %arg8[%swap3A_149] {strides = array<i32>} : memref<40000xf32, #tpu.memory_space<vmem>>, vector<16xf32>,
      tpu.vector_store %arg8[%swap3A_149], %broadcast_in_dim3A_14 {strides = array<i32>} : memref<40000xf32, #tpu.memory_space<vmem>>, vector<16xf32>,
      %add3A_151 = arith.constant 64 : i32
      %add3A_152 = arith.addi %multiple_of3A_33, %add3A_151 : i32
      %add3A_153 = arith.constant 10000 : i32
      %add3A_154 = arith.addi %add3A_152, %add3A_153 : i32
      %swap3A_155 = arith.index_cast %add3A_154 : i32 to index
      %swap3A_156 = tpu.vector_load %arg8[%swap3A_155] {strides = array<i32>} : memref<40000xf32, #tpu.memory_space<vmem>>, vector<16xf32>,
      tpu.vector_store %arg8[%swap3A_155], %broadcast_in_dim3A_14 {strides = array<i32>} : memref<40000xf32, #tpu.memory_space<vmem>>, vector<16xf32>,
      %add3A_157 = arith.constant 64 : i32
      %add3A_158 = arith.addi %multiple_of3A_33, %add3A_157 : i32
      %add3A_159 = arith.constant 20000 : i32
      %add3A_160 = arith.addi %add3A_158, %add3A_159 : i32
      %swap3A_161 = arith.index_cast %add3A_160 : i32 to index
      %swap3A_162 = tpu.vector_load %arg8[%swap3A_161] {strides = array<i32>} : memref<40000xf32, #tpu.memory_space<vmem>>, vector<16xf32>,
      tpu.vector_store %arg8[%swap3A_161], %broadcast_in_dim3A_14 {strides = array<i32>} : memref<40000xf32, #tpu.memory_space<vmem>>, vector<16xf32>,
      %add3A_163 = arith.constant 64 : i32
      %add3A_164 = arith.addi %multiple_of3A_33, %add3A_163 : i32
      %add3A_165 = arith.constant 30000 : i32
      %add3A_166 = arith.addi %add3A_164, %add3A_165 : i32
      %swap3A_167 = arith.index_cast %add3A_166 : i32 to index
      %swap3A_168 = tpu.vector_load %arg8[%swap3A_167] {strides = array<i32>} : memref<40000xf32, #tpu.memory_space<vmem>>, vector<16xf32>,
      tpu.vector_store %arg8[%swap3A_167], %broadcast_in_dim3A_14 {strides = array<i32>} : memref<40000xf32, #tpu.memory_space<vmem>>, vector<16xf32>,
      %add3A_169 = arith.constant 64 : i32
      %add3A_170 = arith.addi %multiple_of3A_33, %add3A_169 : i32
      %swap3A_171 = arith.index_cast %add3A_170 : i32 to index
      %swap3A_172 = tpu.vector_load %arg17[%swap3A_171] {strides = array<i32>} : memref<10000xf32, #tpu.memory_space<vmem>>, vector<16xf32>,
      tpu.vector_store %arg17[%swap3A_171], %broadcast_in_dim3A_14 {strides = array<i32>} : memref<10000xf32, #tpu.memory_space<vmem>>, vector<16xf32>,
    }
    %scan3A_19 = arith.constant 125 : i32
    %broadcast_in_dim3A_20 = arith.constant 1.000000e+00 : f32
    %broadcast_in_dim3A_21 = vector.broadcast %broadcast_in_dim3A_20 : f32 to vector<16xf32>
    %scan3A_22 = arith.constant 0 : i32
    %scan3A_23 = arith.constant 0 : i32
    %scan3A_24 = arith.constant 25 : i32
    %scan3A_25 = arith.addi %scan3A_23, %scan3A_24 : i32
    %scan3A_26 = arith.constant 1 : i32
    scf.for %scan3A_30 = %scan3A_23 to %scan3A_25 step %scan3A_26  : i32 {
      %mul3A_31 = arith.constant 2 : i32
      %mul3A_32 = arith.muli %scan3A_30, %mul3A_31 : i32
      %add3A_33 = arith.constant 0 : i32
      %add3A_34 = arith.addi %mul3A_32, %add3A_33 : i32
      %mul3A_35 = arith.constant 6400 : i32
      %mul3A_36 = arith.muli %add3A_34, %mul3A_35 : i32
      %multiple_of3A_37 = tpu.assume_multiple %mul3A_36, 8 : i32
      %dma_wait3A = tpu.memref_slice %arg3[%multiple_of3A_37] : memref<320000xi32, #tpu.memory_space<hbm>> -> memref<6400xi32, #tpu.memory_space<hbm>>
      %dma_wait3A_38 = tpu.memref_slice %arg3[%multiple_of3A_37] : memref<320000xi32, #tpu.memory_space<hbm>> -> memref<6400xi32, #tpu.memory_space<hbm>>
      tpu.wait_dma2 semaphore(%arg13 : memref<!tpu.dma_semaphore, #tpu.memory_space<semaphore_mem>>) src(%dma_wait3A_38 : memref<6400xi32, #tpu.memory_space<hbm>>) dst(%arg9 : memref<6400xi32, #tpu.memory_space<vmem>>)
      %dma_wait3A_39 = tpu.memref_slice %arg4[%multiple_of3A_37] : memref<320000xi32, #tpu.memory_space<hbm>> -> memref<6400xi32, #tpu.memory_space<hbm>>
      %dma_wait3A_40 = tpu.memref_slice %arg4[%multiple_of3A_37] : memref<320000xi32, #tpu.memory_space<hbm>> -> memref<6400xi32, #tpu.memory_space<hbm>>
      tpu.wait_dma2 semaphore(%arg15 : memref<!tpu.dma_semaphore, #tpu.memory_space<semaphore_mem>>) src(%dma_wait3A_40 : memref<6400xi32, #tpu.memory_space<hbm>>) dst(%arg11 : memref<6400xi32, #tpu.memory_space<vmem>>)
      %parallel_loop3A = arith.constant 0 : i32
      %parallel_loop3A_41 = arith.constant 400 : i32
      %parallel_loop3A_42 = arith.constant 1 : i32
      scf.for %parallel_loop3A_70 = %parallel_loop3A to %parallel_loop3A_41 step %parallel_loop3A_42  : i32 {
        %parallel_loop3A_71 = arith.constant 16 : i32
        %parallel_loop3A_72 = arith.muli %parallel_loop3A_70, %parallel_loop3A_71 : i32
        %parallel_loop3A_73 = tpu.assume_multiple %parallel_loop3A_72, 16 : i32
        %parallel_loop3A_74 = arith.index_cast %parallel_loop3A_73 : i32 to index
        %parallel_loop3A_75 = tpu.vector_load %arg9[%parallel_loop3A_74] {strides = array<i32>} : memref<6400xi32, #tpu.memory_space<vmem>>, vector<16xi32>,
        %parallel_loop3A_76 = arith.index_cast %parallel_loop3A_73 : i32 to index
        %parallel_loop3A_77 = tpu.vector_load %arg11[%parallel_loop3A_76] {strides = array<i32>} : memref<6400xi32, #tpu.memory_space<vmem>>, vector<16xi32>,
        %parallel_loop3A_78 = arith.constant 0 : i32
        %parallel_loop3A_79 = vector.broadcast %parallel_loop3A_78 : i32 to vector<16xi32>
        %parallel_loop3A_80 = arith.addi %parallel_loop3A_75, %parallel_loop3A_79 : vector<16xi32>
        %parallel_loop3A_81 = tpu.vector_load_idx %arg7[%parallel_loop3A_80] : memref<40000xf32, #tpu.memory_space<vmem>>[vector<16xi32>], vector<16xf32>,
        %parallel_loop3A_82 = arith.constant 0 : i32
        %parallel_loop3A_83 = vector.broadcast %parallel_loop3A_82 : i32 to vector<16xi32>
        %parallel_loop3A_84 = arith.addi %parallel_loop3A_77, %parallel_loop3A_83 : vector<16xi32>
        tpu.vector_store_idx %arg8[%parallel_loop3A_84], %parallel_loop3A_81 {add = true} : memref<40000xf32, #tpu.memory_space<vmem>>[vector<16xi32>], vector<16xf32>,
        %parallel_loop3A_85 = arith.constant 10000 : i32
        %parallel_loop3A_86 = vector.broadcast %parallel_loop3A_85 : i32 to vector<16xi32>
        %parallel_loop3A_87 = arith.addi %parallel_loop3A_75, %parallel_loop3A_86 : vector<16xi32>
        %parallel_loop3A_88 = tpu.vector_load_idx %arg7[%parallel_loop3A_87] : memref<40000xf32, #tpu.memory_space<vmem>>[vector<16xi32>], vector<16xf32>,
        %parallel_loop3A_89 = arith.constant 10000 : i32
        %parallel_loop3A_90 = vector.broadcast %parallel_loop3A_89 : i32 to vector<16xi32>
        %parallel_loop3A_91 = arith.addi %parallel_loop3A_77, %parallel_loop3A_90 : vector<16xi32>
        tpu.vector_store_idx %arg8[%parallel_loop3A_91], %parallel_loop3A_88 {add = true} : memref<40000xf32, #tpu.memory_space<vmem>>[vector<16xi32>], vector<16xf32>,
        %parallel_loop3A_92 = arith.constant 20000 : i32
        %parallel_loop3A_93 = vector.broadcast %parallel_loop3A_92 : i32 to vector<16xi32>
        %parallel_loop3A_94 = arith.addi %parallel_loop3A_75, %parallel_loop3A_93 : vector<16xi32>
        %parallel_loop3A_95 = tpu.vector_load_idx %arg7[%parallel_loop3A_94] : memref<40000xf32, #tpu.memory_space<vmem>>[vector<16xi32>], vector<16xf32>,
        %parallel_loop3A_96 = arith.constant 20000 : i32
        %parallel_loop3A_97 = vector.broadcast %parallel_loop3A_96 : i32 to vector<16xi32>
        %parallel_loop3A_98 = arith.addi %parallel_loop3A_77, %parallel_loop3A_97 : vector<16xi32>
        tpu.vector_store_idx %arg8[%parallel_loop3A_98], %parallel_loop3A_95 {add = true} : memref<40000xf32, #tpu.memory_space<vmem>>[vector<16xi32>], vector<16xf32>,
        %parallel_loop3A_99 = arith.constant 30000 : i32
        %parallel_loop3A_100 = vector.broadcast %parallel_loop3A_99 : i32 to vector<16xi32>
        %parallel_loop3A_101 = arith.addi %parallel_loop3A_75, %parallel_loop3A_100 : vector<16xi32>
        %parallel_loop3A_102 = tpu.vector_load_idx %arg7[%parallel_loop3A_101] : memref<40000xf32, #tpu.memory_space<vmem>>[vector<16xi32>], vector<16xf32>,
        %parallel_loop3A_103 = arith.constant 30000 : i32
        %parallel_loop3A_104 = vector.broadcast %parallel_loop3A_103 : i32 to vector<16xi32>
        %parallel_loop3A_105 = arith.addi %parallel_loop3A_77, %parallel_loop3A_104 : vector<16xi32>
        tpu.vector_store_idx %arg8[%parallel_loop3A_105], %parallel_loop3A_102 {add = true} : memref<40000xf32, #tpu.memory_space<vmem>>[vector<16xi32>], vector<16xf32>,
        tpu.vector_store_idx %arg17[%parallel_loop3A_77], %broadcast_in_dim3A_21 {add = true} : memref<10000xf32, #tpu.memory_space<vmem>>[vector<16xi32>], vector<16xf32>,
      } {sc.loop_unroll_factor = 8 : i64, sc.parallel_access}
      %add3A_43 = arith.constant 2 : i32
      %add3A_44 = arith.addi %add3A_34, %add3A_43 : i32
      %lt3A = arith.constant 50 : i32
      %lt3A_45 = arith.cmpi slt, %add3A_44, %lt3A : i32
      %convert_element_type3A_46 = arith.extui %lt3A_45 : i1 to i32
      %cond3A_47 = arith.constant 0 : i32
      %cond3A_48 = arith.cmpi ne, %convert_element_type3A_46, %cond3A_47 : i32
      scf.if %cond3A_48 {
        %add3A_70 = arith.constant 2 : i32
        %add3A_71 = arith.addi %add3A_34, %add3A_70 : i32
        %mul3A_72 = arith.constant 6400 : i32
        %mul3A_73 = arith.muli %add3A_71, %mul3A_72 : i32
        %multiple_of3A_74 = tpu.assume_multiple %mul3A_73, 8 : i32
        %dma_start3A_75 = tpu.memref_slice %arg3[%multiple_of3A_74] : memref<320000xi32, #tpu.memory_space<hbm>> -> memref<6400xi32, #tpu.memory_space<hbm>>
        %dma_start3A_76 = tpu.memref_slice %arg3[%multiple_of3A_74] : memref<320000xi32, #tpu.memory_space<hbm>> -> memref<6400xi32, #tpu.memory_space<hbm>>
        tpu.enqueue_dma source(%dma_start3A_76 : memref<6400xi32, #tpu.memory_space<hbm>>) target(%arg9 : memref<6400xi32, #tpu.memory_space<vmem>>) target_semaphore(%arg13 : memref<!tpu.dma_semaphore, #tpu.memory_space<semaphore_mem>>)
        %dma_start3A_77 = tpu.memref_slice %arg4[%multiple_of3A_74] : memref<320000xi32, #tpu.memory_space<hbm>> -> memref<6400xi32, #tpu.memory_space<hbm>>
        %dma_start3A_78 = tpu.memref_slice %arg4[%multiple_of3A_74] : memref<320000xi32, #tpu.memory_space<hbm>> -> memref<6400xi32, #tpu.memory_space<hbm>>
        tpu.enqueue_dma source(%dma_start3A_78 : memref<6400xi32, #tpu.memory_space<hbm>>) target(%arg11 : memref<6400xi32, #tpu.memory_space<vmem>>) target_semaphore(%arg15 : memref<!tpu.dma_semaphore, #tpu.memory_space<semaphore_mem>>)
      } else {
      }
      %mul3A_49 = arith.constant 2 : i32
      %mul3A_50 = arith.muli %scan3A_30, %mul3A_49 : i32
      %add3A_51 = arith.constant 1 : i32
      %add3A_52 = arith.addi %mul3A_50, %add3A_51 : i32
      %mul3A_53 = arith.constant 6400 : i32
      %mul3A_54 = arith.muli %add3A_52, %mul3A_53 : i32
      %multiple_of3A_55 = tpu.assume_multiple %mul3A_54, 8 : i32
      %dma_wait3A_56 = tpu.memref_slice %arg3[%multiple_of3A_55] : memref<320000xi32, #tpu.memory_space<hbm>> -> memref<6400xi32, #tpu.memory_space<hbm>>
      %dma_wait3A_57 = tpu.memref_slice %arg3[%multiple_of3A_55] : memref<320000xi32, #tpu.memory_space<hbm>> -> memref<6400xi32, #tpu.memory_space<hbm>>
      tpu.wait_dma2 semaphore(%arg14 : memref<!tpu.dma_semaphore, #tpu.memory_space<semaphore_mem>>) src(%dma_wait3A_57 : memref<6400xi32, #tpu.memory_space<hbm>>) dst(%arg10 : memref<6400xi32, #tpu.memory_space<vmem>>)
      %dma_wait3A_58 = tpu.memref_slice %arg4[%multiple_of3A_55] : memref<320000xi32, #tpu.memory_space<hbm>> -> memref<6400xi32, #tpu.memory_space<hbm>>
      %dma_wait3A_59 = tpu.memref_slice %arg4[%multiple_of3A_55] : memref<320000xi32, #tpu.memory_space<hbm>> -> memref<6400xi32, #tpu.memory_space<hbm>>
      tpu.wait_dma2 semaphore(%arg16 : memref<!tpu.dma_semaphore, #tpu.memory_space<semaphore_mem>>) src(%dma_wait3A_59 : memref<6400xi32, #tpu.memory_space<hbm>>) dst(%arg12 : memref<6400xi32, #tpu.memory_space<vmem>>)
      %parallel_loop3A_60 = arith.constant 0 : i32
      %parallel_loop3A_61 = arith.constant 400 : i32
      %parallel_loop3A_62 = arith.constant 1 : i32
      scf.for %parallel_loop3A_70 = %parallel_loop3A_60 to %parallel_loop3A_61 step %parallel_loop3A_62  : i32 {
        %parallel_loop3A_71 = arith.constant 16 : i32
        %parallel_loop3A_72 = arith.muli %parallel_loop3A_70, %parallel_loop3A_71 : i32
        %parallel_loop3A_73 = tpu.assume_multiple %parallel_loop3A_72, 16 : i32
        %parallel_loop3A_74 = arith.index_cast %parallel_loop3A_73 : i32 to index
        %parallel_loop3A_75 = tpu.vector_load %arg10[%parallel_loop3A_74] {strides = array<i32>} : memref<6400xi32, #tpu.memory_space<vmem>>, vector<16xi32>,
        %parallel_loop3A_76 = arith.index_cast %parallel_loop3A_73 : i32 to index
        %parallel_loop3A_77 = tpu.vector_load %arg12[%parallel_loop3A_76] {strides = array<i32>} : memref<6400xi32, #tpu.memory_space<vmem>>, vector<16xi32>,
        %parallel_loop3A_78 = arith.constant 0 : i32
        %parallel_loop3A_79 = vector.broadcast %parallel_loop3A_78 : i32 to vector<16xi32>
        %parallel_loop3A_80 = arith.addi %parallel_loop3A_75, %parallel_loop3A_79 : vector<16xi32>
        %parallel_loop3A_81 = tpu.vector_load_idx %arg7[%parallel_loop3A_80] : memref<40000xf32, #tpu.memory_space<vmem>>[vector<16xi32>], vector<16xf32>,
        %parallel_loop3A_82 = arith.constant 0 : i32
        %parallel_loop3A_83 = vector.broadcast %parallel_loop3A_82 : i32 to vector<16xi32>
        %parallel_loop3A_84 = arith.addi %parallel_loop3A_77, %parallel_loop3A_83 : vector<16xi32>
        tpu.vector_store_idx %arg8[%parallel_loop3A_84], %parallel_loop3A_81 {add = true} : memref<40000xf32, #tpu.memory_space<vmem>>[vector<16xi32>], vector<16xf32>,
        %parallel_loop3A_85 = arith.constant 10000 : i32
        %parallel_loop3A_86 = vector.broadcast %parallel_loop3A_85 : i32 to vector<16xi32>
        %parallel_loop3A_87 = arith.addi %parallel_loop3A_75, %parallel_loop3A_86 : vector<16xi32>
        %parallel_loop3A_88 = tpu.vector_load_idx %arg7[%parallel_loop3A_87] : memref<40000xf32, #tpu.memory_space<vmem>>[vector<16xi32>], vector<16xf32>,
        %parallel_loop3A_89 = arith.constant 10000 : i32
        %parallel_loop3A_90 = vector.broadcast %parallel_loop3A_89 : i32 to vector<16xi32>
        %parallel_loop3A_91 = arith.addi %parallel_loop3A_77, %parallel_loop3A_90 : vector<16xi32>
        tpu.vector_store_idx %arg8[%parallel_loop3A_91], %parallel_loop3A_88 {add = true} : memref<40000xf32, #tpu.memory_space<vmem>>[vector<16xi32>], vector<16xf32>,
        %parallel_loop3A_92 = arith.constant 20000 : i32
        %parallel_loop3A_93 = vector.broadcast %parallel_loop3A_92 : i32 to vector<16xi32>
        %parallel_loop3A_94 = arith.addi %parallel_loop3A_75, %parallel_loop3A_93 : vector<16xi32>
        %parallel_loop3A_95 = tpu.vector_load_idx %arg7[%parallel_loop3A_94] : memref<40000xf32, #tpu.memory_space<vmem>>[vector<16xi32>], vector<16xf32>,
        %parallel_loop3A_96 = arith.constant 20000 : i32
        %parallel_loop3A_97 = vector.broadcast %parallel_loop3A_96 : i32 to vector<16xi32>
        %parallel_loop3A_98 = arith.addi %parallel_loop3A_77, %parallel_loop3A_97 : vector<16xi32>
        tpu.vector_store_idx %arg8[%parallel_loop3A_98], %parallel_loop3A_95 {add = true} : memref<40000xf32, #tpu.memory_space<vmem>>[vector<16xi32>], vector<16xf32>,
        %parallel_loop3A_99 = arith.constant 30000 : i32
        %parallel_loop3A_100 = vector.broadcast %parallel_loop3A_99 : i32 to vector<16xi32>
        %parallel_loop3A_101 = arith.addi %parallel_loop3A_75, %parallel_loop3A_100 : vector<16xi32>
        %parallel_loop3A_102 = tpu.vector_load_idx %arg7[%parallel_loop3A_101] : memref<40000xf32, #tpu.memory_space<vmem>>[vector<16xi32>], vector<16xf32>,
        %parallel_loop3A_103 = arith.constant 30000 : i32
        %parallel_loop3A_104 = vector.broadcast %parallel_loop3A_103 : i32 to vector<16xi32>
        %parallel_loop3A_105 = arith.addi %parallel_loop3A_77, %parallel_loop3A_104 : vector<16xi32>
        tpu.vector_store_idx %arg8[%parallel_loop3A_105], %parallel_loop3A_102 {add = true} : memref<40000xf32, #tpu.memory_space<vmem>>[vector<16xi32>], vector<16xf32>,
        tpu.vector_store_idx %arg17[%parallel_loop3A_77], %broadcast_in_dim3A_21 {add = true} : memref<10000xf32, #tpu.memory_space<vmem>>[vector<16xi32>], vector<16xf32>,
      } {sc.loop_unroll_factor = 8 : i64, sc.parallel_access}
      %add3A_63 = arith.constant 2 : i32
      %add3A_64 = arith.addi %add3A_52, %add3A_63 : i32
      %lt3A_65 = arith.constant 50 : i32
      %lt3A_66 = arith.cmpi slt, %add3A_64, %lt3A_65 : i32
      %convert_element_type3A_67 = arith.extui %lt3A_66 : i1 to i32
      %cond3A_68 = arith.constant 0 : i32
      %cond3A_69 = arith.cmpi ne, %convert_element_type3A_67, %cond3A_68 : i32
      scf.if %cond3A_69 {
        %add3A_70 = arith.constant 2 : i32
        %add3A_71 = arith.addi %add3A_52, %add3A_70 : i32
        %mul3A_72 = arith.constant 6400 : i32
        %mul3A_73 = arith.muli %add3A_71, %mul3A_72 : i32
        %multiple_of3A_74 = tpu.assume_multiple %mul3A_73, 8 : i32
        %dma_start3A_75 = tpu.memref_slice %arg3[%multiple_of3A_74] : memref<320000xi32, #tpu.memory_space<hbm>> -> memref<6400xi32, #tpu.memory_space<hbm>>
        %dma_start3A_76 = tpu.memref_slice %arg3[%multiple_of3A_74] : memref<320000xi32, #tpu.memory_space<hbm>> -> memref<6400xi32, #tpu.memory_space<hbm>>
        tpu.enqueue_dma source(%dma_start3A_76 : memref<6400xi32, #tpu.memory_space<hbm>>) target(%arg10 : memref<6400xi32, #tpu.memory_space<vmem>>) target_semaphore(%arg14 : memref<!tpu.dma_semaphore, #tpu.memory_space<semaphore_mem>>)
        %dma_start3A_77 = tpu.memref_slice %arg4[%multiple_of3A_74] : memref<320000xi32, #tpu.memory_space<hbm>> -> memref<6400xi32, #tpu.memory_space<hbm>>
        %dma_start3A_78 = tpu.memref_slice %arg4[%multiple_of3A_74] : memref<320000xi32, #tpu.memory_space<hbm>> -> memref<6400xi32, #tpu.memory_space<hbm>>
        tpu.enqueue_dma source(%dma_start3A_78 : memref<6400xi32, #tpu.memory_space<hbm>>) target(%arg12 : memref<6400xi32, #tpu.memory_space<vmem>>) target_semaphore(%arg16 : memref<!tpu.dma_semaphore, #tpu.memory_space<semaphore_mem>>)
      } else {
      }
    }
    %scan3A_27 = arith.constant 25 : i32
    "tpu.region"() ({
      %run_scoped3A = tpu.sem_alloc : memref<!tpu.dma_semaphore, #tpu.memory_space<semaphore_mem>>
      %dma_start3A_30 = tpu.memref_slice %arg5[%multiple_of3A_13] : memref<1280000xf32, #tpu.memory_space<hbm>> -> memref<40000xf32, #tpu.memory_space<hbm>>
      %dma_start3A_31 = tpu.memref_slice %arg5[%multiple_of3A_13] : memref<1280000xf32, #tpu.memory_space<hbm>> -> memref<40000xf32, #tpu.memory_space<hbm>>
      tpu.enqueue_dma source(%arg8 : memref<40000xf32, #tpu.memory_space<vmem>>) target(%dma_start3A_31 : memref<40000xf32, #tpu.memory_space<hbm>>) target_semaphore(%run_scoped3A : memref<!tpu.dma_semaphore, #tpu.memory_space<semaphore_mem>>)
      %dma_wait3A = tpu.memref_slice %arg5[%multiple_of3A_13] : memref<1280000xf32, #tpu.memory_space<hbm>> -> memref<40000xf32, #tpu.memory_space<hbm>>
      %dma_wait3A_32 = tpu.memref_slice %arg5[%multiple_of3A_13] : memref<1280000xf32, #tpu.memory_space<hbm>> -> memref<40000xf32, #tpu.memory_space<hbm>>
      tpu.wait_dma2 semaphore(%run_scoped3A : memref<!tpu.dma_semaphore, #tpu.memory_space<semaphore_mem>>) src(%arg8 : memref<40000xf32, #tpu.memory_space<vmem>>) dst(%dma_wait3A_32 : memref<40000xf32, #tpu.memory_space<hbm>>)
      tpu.yield
    }) : () -> ()
    %eq3A = arith.constant 0 : i32
    %eq3A_28 = arith.cmpi eq, %add3A, %eq3A : i32
    %convert_element_type3A = arith.extui %eq3A_28 : i1 to i32
    %cond3A = arith.constant 0 : i32
    %cond3A_29 = arith.cmpi ne, %convert_element_type3A, %cond3A : i32
    scf.if %cond3A_29 {
      "tpu.region"() ({
        %run_scoped3A = tpu.sem_alloc : memref<!tpu.dma_semaphore, #tpu.memory_space<semaphore_mem>>
        tpu.enqueue_dma source(%arg17 : memref<10000xf32, #tpu.memory_space<vmem>>) target(%arg6 : memref<10000xf32, #tpu.memory_space<hbm>>) target_semaphore(%run_scoped3A : memref<!tpu.dma_semaphore, #tpu.memory_space<semaphore_mem>>)
        tpu.wait_dma2 semaphore(%run_scoped3A : memref<!tpu.dma_semaphore, #tpu.memory_space<semaphore_mem>>) src(%arg17 : memref<10000xf32, #tpu.memory_space<vmem>>) dst(%arg6 : memref<10000xf32, #tpu.memory_space<hbm>>)
        tpu.yield
      }) : () -> ()
    } else {
    }
    return
  }
}

module attributes {stable_mosaic.version = 14 : i64} {
  func.func @_tc_sage_body(%arg0: memref<128x10000xf32, #tpu.memory_space<vmem>>, %arg1: memref<128x10000xf32, #tpu.memory_space<vmem>>, %arg2: memref<1x10000xf32, #tpu.memory_space<vmem>>, %arg3: memref<128x128xf32, #tpu.memory_space<vmem>>, %arg4: memref<128x1xf32, #tpu.memory_space<vmem>>, %arg5: memref<128x128xf32, #tpu.memory_space<vmem>>, %arg6: memref<128x10000xf32, #tpu.memory_space<vmem>>) attributes {dimension_semantics = [], scalar_prefetch = 0 : i64, scratch_operands = 0 : i64, tpu.core_type = #tpu.core_type<tc>} {
    %get3A = arith.constant 0 : index
    %get3A_0 = arith.constant 0 : index
    %get3A_1 = vector.load %arg2[%get3A, %get3A_0] : memref<1x10000xf32, #tpu.memory_space<vmem>>, vector<1x10000xf32>
    %max3A = arith.constant 1.000000e+00 : f32
    %max3A_2 = vector.broadcast %max3A : f32 to vector<1x10000xf32>
    %max3A_3 = arith.maximumf %get3A_1, %max3A_2 : vector<1x10000xf32>
    %div3A = arith.constant 1.000000e+00 : f32
    %div3A_4 = vector.broadcast %div3A : f32 to vector<1x10000xf32>
    %div3A_5 = arith.divf %div3A_4, %max3A_3 : vector<1x10000xf32>
    %get3A_6 = arith.constant 0 : index
    %get3A_7 = arith.constant 0 : index
    %get3A_8 = vector.load %arg0[%get3A_6, %get3A_7] : memref<128x10000xf32, #tpu.memory_space<vmem>>, vector<128x10000xf32>
    %mul3A = vector.broadcast %div3A_5 : vector<1x10000xf32> to vector<128x10000xf32>
    %mul3A_9 = arith.mulf %get3A_8, %mul3A : vector<128x10000xf32>
    %get3A_10 = arith.constant 0 : index
    %get3A_11 = arith.constant 0 : index
    %get3A_12 = vector.load %arg3[%get3A_10, %get3A_11] : memref<128x128xf32, #tpu.memory_space<vmem>>, vector<128x128xf32>
    %dot_general3A = arith.constant dense<0.000000e+00> : vector<128x10000xf32>
    %dot_general3A_13 = tpu.matmul %get3A_12, %mul3A_9, %dot_general3A {dimension_numbers = #tpu.dot_dimension_numbers<[0], [0], [1], [1], [0, 1, 1, 1], [], []>, transpose_lhs_hint = false} : vector<128x128xf32>, vector<128x10000xf32>, vector<128x10000xf32> -> vector<128x10000xf32>
    %get3A_14 = arith.constant 0 : index
    %get3A_15 = arith.constant 0 : index
    %get3A_16 = vector.load %arg5[%get3A_14, %get3A_15] : memref<128x128xf32, #tpu.memory_space<vmem>>, vector<128x128xf32>
    %get3A_17 = arith.constant 0 : index
    %get3A_18 = arith.constant 0 : index
    %get3A_19 = vector.load %arg1[%get3A_17, %get3A_18] : memref<128x10000xf32, #tpu.memory_space<vmem>>, vector<128x10000xf32>
    %dot_general3A_20 = arith.constant dense<0.000000e+00> : vector<128x10000xf32>
    %dot_general3A_21 = tpu.matmul %get3A_16, %get3A_19, %dot_general3A_20 {dimension_numbers = #tpu.dot_dimension_numbers<[0], [0], [1], [1], [0, 1, 1, 1], [], []>, transpose_lhs_hint = false} : vector<128x128xf32>, vector<128x10000xf32>, vector<128x10000xf32> -> vector<128x10000xf32>
    %add3A = arith.addf %dot_general3A_13, %dot_general3A_21 : vector<128x10000xf32>
    %get3A_22 = arith.constant 0 : index
    %get3A_23 = arith.constant 0 : index
    %get3A_24 = vector.load %arg4[%get3A_22, %get3A_23] : memref<128x1xf32, #tpu.memory_space<vmem>>, vector<128x1xf32>
    %add3A_25 = vector.broadcast %get3A_24 : vector<128x1xf32> to vector<128x10000xf32>
    %add3A_26 = arith.addf %add3A, %add3A_25 : vector<128x10000xf32>
    %gt3A = arith.constant 0.000000e+00 : f32
    %gt3A_27 = vector.broadcast %gt3A : f32 to vector<128x10000xf32>
    %gt3A_28 = arith.cmpf ogt, %add3A_26, %gt3A_27 : vector<128x10000xf32>
    %min3A = arith.constant 0.000000e+00 : f32
    %min3A_29 = vector.broadcast %min3A : f32 to vector<128x10000xf32>
    %min3A_30 = arith.minimumf %add3A_26, %min3A_29 : vector<128x10000xf32>
    %exp3A = math.exp %min3A_30 : vector<128x10000xf32>
    %sub3A = arith.constant 1.000000e+00 : f32
    %sub3A_31 = vector.broadcast %sub3A : f32 to vector<128x10000xf32>
    %sub3A_32 = arith.subf %exp3A, %sub3A_31 : vector<128x10000xf32>
    %select_n3A = arith.select %gt3A_28, %add3A_26, %sub3A_32 : vector<128x10000xi1>, vector<128x10000xf32>
    %swap3A = arith.constant 0 : index
    %swap3A_33 = arith.constant 0 : index
    %swap3A_34 = vector.load %arg6[%swap3A, %swap3A_33] : memref<128x10000xf32, #tpu.memory_space<vmem>>, vector<128x10000xf32>
    tpu.vector_store %arg6[%swap3A, %swap3A_33], %select_n3A {strides = array<i32>} : memref<128x10000xf32, #tpu.memory_space<vmem>>, vector<128x10000xf32>,
    return
  }
}

module attributes {stable_mosaic.version = 14 : i64} {
  func.func @_tc_found_body(%arg0: memref<10000x512xf32, #tpu.memory_space<vmem>>, %arg1: memref<512x128xf32, #tpu.memory_space<vmem>>, %arg2: memref<128x1xf32, #tpu.memory_space<vmem>>, %arg3: memref<128x1xf32, #tpu.memory_space<vmem>>, %arg4: memref<128x1xf32, #tpu.memory_space<vmem>>, %arg5: memref<128x10000xf32, #tpu.memory_space<vmem>>) attributes {dimension_semantics = [], scalar_prefetch = 0 : i64, scratch_operands = 0 : i64, tpu.core_type = #tpu.core_type<tc>} {
    %get3A = arith.constant 0 : index
    %get3A_0 = arith.constant 0 : index
    %get3A_1 = vector.load %arg1[%get3A, %get3A_0] : memref<512x128xf32, #tpu.memory_space<vmem>>, vector<512x128xf32>
    %get3A_2 = arith.constant 0 : index
    %get3A_3 = arith.constant 0 : index
    %get3A_4 = vector.load %arg0[%get3A_2, %get3A_3] : memref<10000x512xf32, #tpu.memory_space<vmem>>, vector<10000x512xf32>
    %dot_general3A = arith.constant dense<0.000000e+00> : vector<128x10000xf32>
    %dot_general3A_5 = tpu.matmul %get3A_1, %get3A_4, %dot_general3A {dimension_numbers = #tpu.dot_dimension_numbers<[0], [1], [1], [0], [0, 1, 1, 0], [], []>, transpose_lhs_hint = false} : vector<512x128xf32>, vector<10000x512xf32>, vector<128x10000xf32> -> vector<128x10000xf32>
    %get3A_6 = arith.constant 0 : index
    %get3A_7 = arith.constant 0 : index
    %get3A_8 = vector.load %arg2[%get3A_6, %get3A_7] : memref<128x1xf32, #tpu.memory_space<vmem>>, vector<128x1xf32>
    %add3A = vector.broadcast %get3A_8 : vector<128x1xf32> to vector<128x10000xf32>
    %add3A_9 = arith.addf %dot_general3A_5, %add3A : vector<128x10000xf32>
    %get3A_10 = arith.constant 0 : index
    %get3A_11 = arith.constant 0 : index
    %get3A_12 = vector.load %arg3[%get3A_10, %get3A_11] : memref<128x1xf32, #tpu.memory_space<vmem>>, vector<128x1xf32>
    %get3A_13 = arith.constant 0 : index
    %get3A_14 = arith.constant 0 : index
    %get3A_15 = vector.load %arg4[%get3A_13, %get3A_14] : memref<128x1xf32, #tpu.memory_space<vmem>>, vector<128x1xf32>
    %reduce_sum3A = arith.constant dense<0.000000e+00> : vector<10000xf32>
    %reduce_sum3A_16 = vector.multi_reduction <add>, %add3A_9, %reduce_sum3A [0] : vector<128x10000xf32> to vector<10000xf32>
    %broadcast_in_dim3A = vector.shape_cast %reduce_sum3A_16 : vector<10000xf32> to vector<1x10000xf32>
    %div3A = arith.constant 1.280000e+02 : f32
    %div3A_17 = vector.broadcast %div3A : f32 to vector<1x10000xf32>
    %div3A_18 = arith.divf %broadcast_in_dim3A, %div3A_17 : vector<1x10000xf32>
    %sub3A = vector.broadcast %div3A_18 : vector<1x10000xf32> to vector<128x10000xf32>
    %sub3A_19 = arith.subf %add3A_9, %sub3A : vector<128x10000xf32>
    %sub3A_20 = vector.broadcast %div3A_18 : vector<1x10000xf32> to vector<128x10000xf32>
    %sub3A_21 = arith.subf %add3A_9, %sub3A_20 : vector<128x10000xf32>
    %mul3A = arith.mulf %sub3A_19, %sub3A_21 : vector<128x10000xf32>
    %reduce_sum3A_22 = arith.constant dense<0.000000e+00> : vector<10000xf32>
    %reduce_sum3A_23 = vector.multi_reduction <add>, %mul3A, %reduce_sum3A_22 [0] : vector<128x10000xf32> to vector<10000xf32>
    %broadcast_in_dim3A_24 = vector.shape_cast %reduce_sum3A_23 : vector<10000xf32> to vector<1x10000xf32>
    %div3A_25 = arith.constant 1.280000e+02 : f32
    %div3A_26 = vector.broadcast %div3A_25 : f32 to vector<1x10000xf32>
    %div3A_27 = arith.divf %broadcast_in_dim3A_24, %div3A_26 : vector<1x10000xf32>
    %sub3A_28 = vector.broadcast %div3A_18 : vector<1x10000xf32> to vector<128x10000xf32>
    %sub3A_29 = arith.subf %add3A_9, %sub3A_28 : vector<128x10000xf32>
    %add3A_30 = arith.constant 9.99999974E-6 : f32
    %add3A_31 = vector.broadcast %add3A_30 : f32 to vector<1x10000xf32>
    %add3A_32 = arith.addf %div3A_27, %add3A_31 : vector<1x10000xf32>
    %rsqrt3A = math.rsqrt %add3A_32 : vector<1x10000xf32>
    %mul3A_33 = vector.broadcast %rsqrt3A : vector<1x10000xf32> to vector<128x10000xf32>
    %mul3A_34 = arith.mulf %sub3A_29, %mul3A_33 : vector<128x10000xf32>
    %mul3A_35 = vector.broadcast %get3A_12 : vector<128x1xf32> to vector<128x10000xf32>
    %mul3A_36 = arith.mulf %mul3A_34, %mul3A_35 : vector<128x10000xf32>
    %add3A_37 = vector.broadcast %get3A_15 : vector<128x1xf32> to vector<128x10000xf32>
    %add3A_38 = arith.addf %mul3A_36, %add3A_37 : vector<128x10000xf32>
    %mul3A_39 = arith.constant 5.000000e-01 : f32
    %mul3A_40 = vector.broadcast %mul3A_39 : f32 to vector<128x10000xf32>
    %mul3A_41 = arith.mulf %mul3A_40, %add3A_38 : vector<128x10000xf32>
    %mul3A_42 = arith.constant 0.707106769 : f32
    %mul3A_43 = vector.broadcast %mul3A_42 : f32 to vector<128x10000xf32>
    %mul3A_44 = arith.mulf %add3A_38, %mul3A_43 : vector<128x10000xf32>
    %erf3A = math.erf %mul3A_44 : vector<128x10000xf32>
    %add3A_45 = arith.constant 1.000000e+00 : f32
    %add3A_46 = vector.broadcast %add3A_45 : f32 to vector<128x10000xf32>
    %add3A_47 = arith.addf %add3A_46, %erf3A : vector<128x10000xf32>
    %mul3A_48 = arith.mulf %mul3A_41, %add3A_47 : vector<128x10000xf32>
    %swap3A = arith.constant 0 : index
    %swap3A_49 = arith.constant 0 : index
    %swap3A_50 = vector.load %arg5[%swap3A, %swap3A_49] : memref<128x10000xf32, #tpu.memory_space<vmem>>, vector<128x10000xf32>
    tpu.vector_store %arg5[%swap3A, %swap3A_49], %mul3A_48 {strides = array<i32>} : memref<128x10000xf32, #tpu.memory_space<vmem>>, vector<128x10000xf32>,
    return
  }
}

module attributes {stable_mosaic.version = 14 : i64} {
  func.func @_tc_mid_body(%arg0: memref<128x10000xf32, #tpu.memory_space<vmem>>, %arg1: memref<128x10000xf32, #tpu.memory_space<vmem>>, %arg2: memref<128x10000xf32, #tpu.memory_space<vmem>>, %arg3: memref<1x10000xf32, #tpu.memory_space<vmem>>, %arg4: memref<128x128xf32, #tpu.memory_space<vmem>>, %arg5: memref<128x1xf32, #tpu.memory_space<vmem>>, %arg6: memref<128x128xf32, #tpu.memory_space<vmem>>, %arg7: memref<128x128xf32, #tpu.memory_space<vmem>>, %arg8: memref<128x1xf32, #tpu.memory_space<vmem>>, %arg9: memref<128x1xf32, #tpu.memory_space<vmem>>, %arg10: memref<128x1xf32, #tpu.memory_space<vmem>>, %arg11: memref<128x10000xf32, #tpu.memory_space<vmem>>) attributes {dimension_semantics = [], scalar_prefetch = 0 : i64, scratch_operands = 0 : i64, tpu.core_type = #tpu.core_type<tc>} {
    %get3A = arith.constant 0 : index
    %get3A_0 = arith.constant 0 : index
    %get3A_1 = vector.load %arg3[%get3A, %get3A_0] : memref<1x10000xf32, #tpu.memory_space<vmem>>, vector<1x10000xf32>
    %max3A = arith.constant 1.000000e+00 : f32
    %max3A_2 = vector.broadcast %max3A : f32 to vector<1x10000xf32>
    %max3A_3 = arith.maximumf %get3A_1, %max3A_2 : vector<1x10000xf32>
    %div3A = arith.constant 1.000000e+00 : f32
    %div3A_4 = vector.broadcast %div3A : f32 to vector<1x10000xf32>
    %div3A_5 = arith.divf %div3A_4, %max3A_3 : vector<1x10000xf32>
    %get3A_6 = arith.constant 0 : index
    %get3A_7 = arith.constant 0 : index
    %get3A_8 = vector.load %arg0[%get3A_6, %get3A_7] : memref<128x10000xf32, #tpu.memory_space<vmem>>, vector<128x10000xf32>
    %mul3A = vector.broadcast %div3A_5 : vector<1x10000xf32> to vector<128x10000xf32>
    %mul3A_9 = arith.mulf %get3A_8, %mul3A : vector<128x10000xf32>
    %get3A_10 = arith.constant 0 : index
    %get3A_11 = arith.constant 0 : index
    %get3A_12 = vector.load %arg4[%get3A_10, %get3A_11] : memref<128x128xf32, #tpu.memory_space<vmem>>, vector<128x128xf32>
    %dot_general3A = arith.constant dense<0.000000e+00> : vector<128x10000xf32>
    %dot_general3A_13 = tpu.matmul %get3A_12, %mul3A_9, %dot_general3A {dimension_numbers = #tpu.dot_dimension_numbers<[0], [0], [1], [1], [0, 1, 1, 1], [], []>, transpose_lhs_hint = false} : vector<128x128xf32>, vector<128x10000xf32>, vector<128x10000xf32> -> vector<128x10000xf32>
    %get3A_14 = arith.constant 0 : index
    %get3A_15 = arith.constant 0 : index
    %get3A_16 = vector.load %arg6[%get3A_14, %get3A_15] : memref<128x128xf32, #tpu.memory_space<vmem>>, vector<128x128xf32>
    %get3A_17 = arith.constant 0 : index
    %get3A_18 = arith.constant 0 : index
    %get3A_19 = vector.load %arg1[%get3A_17, %get3A_18] : memref<128x10000xf32, #tpu.memory_space<vmem>>, vector<128x10000xf32>
    %dot_general3A_20 = arith.constant dense<0.000000e+00> : vector<128x10000xf32>
    %dot_general3A_21 = tpu.matmul %get3A_16, %get3A_19, %dot_general3A_20 {dimension_numbers = #tpu.dot_dimension_numbers<[0], [0], [1], [1], [0, 1, 1, 1], [], []>, transpose_lhs_hint = false} : vector<128x128xf32>, vector<128x10000xf32>, vector<128x10000xf32> -> vector<128x10000xf32>
    %add3A = arith.addf %dot_general3A_13, %dot_general3A_21 : vector<128x10000xf32>
    %get3A_22 = arith.constant 0 : index
    %get3A_23 = arith.constant 0 : index
    %get3A_24 = vector.load %arg5[%get3A_22, %get3A_23] : memref<128x1xf32, #tpu.memory_space<vmem>>, vector<128x1xf32>
    %add3A_25 = vector.broadcast %get3A_24 : vector<128x1xf32> to vector<128x10000xf32>
    %add3A_26 = arith.addf %add3A, %add3A_25 : vector<128x10000xf32>
    %gt3A = arith.constant 0.000000e+00 : f32
    %gt3A_27 = vector.broadcast %gt3A : f32 to vector<128x10000xf32>
    %gt3A_28 = arith.cmpf ogt, %add3A_26, %gt3A_27 : vector<128x10000xf32>
    %min3A = arith.constant 0.000000e+00 : f32
    %min3A_29 = vector.broadcast %min3A : f32 to vector<128x10000xf32>
    %min3A_30 = arith.minimumf %add3A_26, %min3A_29 : vector<128x10000xf32>
    %exp3A = math.exp %min3A_30 : vector<128x10000xf32>
    %sub3A = arith.constant 1.000000e+00 : f32
    %sub3A_31 = vector.broadcast %sub3A : f32 to vector<128x10000xf32>
    %sub3A_32 = arith.subf %exp3A, %sub3A_31 : vector<128x10000xf32>
    %select_n3A = arith.select %gt3A_28, %add3A_26, %sub3A_32 : vector<128x10000xi1>, vector<128x10000xf32>
    %get3A_33 = arith.constant 0 : index
    %get3A_34 = arith.constant 0 : index
    %get3A_35 = vector.load %arg2[%get3A_33, %get3A_34] : memref<128x10000xf32, #tpu.memory_space<vmem>>, vector<128x10000xf32>
    %add3A_36 = arith.addf %select_n3A, %get3A_35 : vector<128x10000xf32>
    %get3A_37 = arith.constant 0 : index
    %get3A_38 = arith.constant 0 : index
    %get3A_39 = vector.load %arg7[%get3A_37, %get3A_38] : memref<128x128xf32, #tpu.memory_space<vmem>>, vector<128x128xf32>
    %dot_general3A_40 = arith.constant dense<0.000000e+00> : vector<128x10000xf32>
    %dot_general3A_41 = tpu.matmul %get3A_39, %add3A_36, %dot_general3A_40 {dimension_numbers = #tpu.dot_dimension_numbers<[0], [0], [1], [1], [0, 1, 1, 1], [], []>, transpose_lhs_hint = false} : vector<128x128xf32>, vector<128x10000xf32>, vector<128x10000xf32> -> vector<128x10000xf32>
    %get3A_42 = arith.constant 0 : index
    %get3A_43 = arith.constant 0 : index
    %get3A_44 = vector.load %arg8[%get3A_42, %get3A_43] : memref<128x1xf32, #tpu.memory_space<vmem>>, vector<128x1xf32>
    %add3A_45 = vector.broadcast %get3A_44 : vector<128x1xf32> to vector<128x10000xf32>
    %add3A_46 = arith.addf %dot_general3A_41, %add3A_45 : vector<128x10000xf32>
    %get3A_47 = arith.constant 0 : index
    %get3A_48 = arith.constant 0 : index
    %get3A_49 = vector.load %arg9[%get3A_47, %get3A_48] : memref<128x1xf32, #tpu.memory_space<vmem>>, vector<128x1xf32>
    %get3A_50 = arith.constant 0 : index
    %get3A_51 = arith.constant 0 : index
    %get3A_52 = vector.load %arg10[%get3A_50, %get3A_51] : memref<128x1xf32, #tpu.memory_space<vmem>>, vector<128x1xf32>
    %reduce_sum3A = arith.constant dense<0.000000e+00> : vector<10000xf32>
    %reduce_sum3A_53 = vector.multi_reduction <add>, %add3A_46, %reduce_sum3A [0] : vector<128x10000xf32> to vector<10000xf32>
    %broadcast_in_dim3A = vector.shape_cast %reduce_sum3A_53 : vector<10000xf32> to vector<1x10000xf32>
    %div3A_54 = arith.constant 1.280000e+02 : f32
    %div3A_55 = vector.broadcast %div3A_54 : f32 to vector<1x10000xf32>
    %div3A_56 = arith.divf %broadcast_in_dim3A, %div3A_55 : vector<1x10000xf32>
    %sub3A_57 = vector.broadcast %div3A_56 : vector<1x10000xf32> to vector<128x10000xf32>
    %sub3A_58 = arith.subf %add3A_46, %sub3A_57 : vector<128x10000xf32>
    %sub3A_59 = vector.broadcast %div3A_56 : vector<1x10000xf32> to vector<128x10000xf32>
    %sub3A_60 = arith.subf %add3A_46, %sub3A_59 : vector<128x10000xf32>
    %mul3A_61 = arith.mulf %sub3A_58, %sub3A_60 : vector<128x10000xf32>
    %reduce_sum3A_62 = arith.constant dense<0.000000e+00> : vector<10000xf32>
    %reduce_sum3A_63 = vector.multi_reduction <add>, %mul3A_61, %reduce_sum3A_62 [0] : vector<128x10000xf32> to vector<10000xf32>
    %broadcast_in_dim3A_64 = vector.shape_cast %reduce_sum3A_63 : vector<10000xf32> to vector<1x10000xf32>
    %div3A_65 = arith.constant 1.280000e+02 : f32
    %div3A_66 = vector.broadcast %div3A_65 : f32 to vector<1x10000xf32>
    %div3A_67 = arith.divf %broadcast_in_dim3A_64, %div3A_66 : vector<1x10000xf32>
    %sub3A_68 = vector.broadcast %div3A_56 : vector<1x10000xf32> to vector<128x10000xf32>
    %sub3A_69 = arith.subf %add3A_46, %sub3A_68 : vector<128x10000xf32>
    %add3A_70 = arith.constant 9.99999974E-6 : f32
    %add3A_71 = vector.broadcast %add3A_70 : f32 to vector<1x10000xf32>
    %add3A_72 = arith.addf %div3A_67, %add3A_71 : vector<1x10000xf32>
    %rsqrt3A = math.rsqrt %add3A_72 : vector<1x10000xf32>
    %mul3A_73 = vector.broadcast %rsqrt3A : vector<1x10000xf32> to vector<128x10000xf32>
    %mul3A_74 = arith.mulf %sub3A_69, %mul3A_73 : vector<128x10000xf32>
    %mul3A_75 = vector.broadcast %get3A_49 : vector<128x1xf32> to vector<128x10000xf32>
    %mul3A_76 = arith.mulf %mul3A_74, %mul3A_75 : vector<128x10000xf32>
    %add3A_77 = vector.broadcast %get3A_52 : vector<128x1xf32> to vector<128x10000xf32>
    %add3A_78 = arith.addf %mul3A_76, %add3A_77 : vector<128x10000xf32>
    %logistic3A = arith.negf %add3A_78 : vector<128x10000xf32>
    %logistic3A_79 = math.exp %logistic3A : vector<128x10000xf32>
    %logistic3A_80 = arith.constant 1.000000e+00 : f32
    %logistic3A_81 = vector.broadcast %logistic3A_80 : f32 to vector<128x10000xf32>
    %logistic3A_82 = arith.addf %logistic3A_81, %logistic3A_79 : vector<128x10000xf32>
    %logistic3A_83 = arith.divf %logistic3A_81, %logistic3A_82 : vector<128x10000xf32>
    %mul3A_84 = arith.mulf %add3A_78, %logistic3A_83 : vector<128x10000xf32>
    %swap3A = arith.constant 0 : index
    %swap3A_85 = arith.constant 0 : index
    %swap3A_86 = vector.load %arg11[%swap3A, %swap3A_85] : memref<128x10000xf32, #tpu.memory_space<vmem>>, vector<128x10000xf32>
    tpu.vector_store %arg11[%swap3A, %swap3A_85], %mul3A_84 {strides = array<i32>} : memref<128x10000xf32, #tpu.memory_space<vmem>>, vector<128x10000xf32>,
    return
  }
}

module attributes {stable_mosaic.version = 14 : i64} {
  func.func @_tc_final_body(%arg0: memref<128x10000xf32, #tpu.memory_space<vmem>>, %arg1: memref<128x10000xf32, #tpu.memory_space<vmem>>, %arg2: memref<1x10000xf32, #tpu.memory_space<vmem>>, %arg3: memref<128x128xf32, #tpu.memory_space<vmem>>, %arg4: memref<1x128xf32, #tpu.memory_space<vmem>>, %arg5: memref<128x128xf32, #tpu.memory_space<vmem>>, %arg6: memref<10000x128xf32, #tpu.memory_space<vmem>>) attributes {dimension_semantics = [], scalar_prefetch = 0 : i64, scratch_operands = 0 : i64, tpu.core_type = #tpu.core_type<tc>} {
    %get3A = arith.constant 0 : index
    %get3A_0 = arith.constant 0 : index
    %get3A_1 = vector.load %arg2[%get3A, %get3A_0] : memref<1x10000xf32, #tpu.memory_space<vmem>>, vector<1x10000xf32>
    %max3A = arith.constant 1.000000e+00 : f32
    %max3A_2 = vector.broadcast %max3A : f32 to vector<1x10000xf32>
    %max3A_3 = arith.maximumf %get3A_1, %max3A_2 : vector<1x10000xf32>
    %div3A = arith.constant 1.000000e+00 : f32
    %div3A_4 = vector.broadcast %div3A : f32 to vector<1x10000xf32>
    %div3A_5 = arith.divf %div3A_4, %max3A_3 : vector<1x10000xf32>
    %get3A_6 = arith.constant 0 : index
    %get3A_7 = arith.constant 0 : index
    %get3A_8 = vector.load %arg0[%get3A_6, %get3A_7] : memref<128x10000xf32, #tpu.memory_space<vmem>>, vector<128x10000xf32>
    %mul3A = vector.broadcast %div3A_5 : vector<1x10000xf32> to vector<128x10000xf32>
    %mul3A_9 = arith.mulf %get3A_8, %mul3A : vector<128x10000xf32>
    %get3A_10 = arith.constant 0 : index
    %get3A_11 = arith.constant 0 : index
    %get3A_12 = vector.load %arg3[%get3A_10, %get3A_11] : memref<128x128xf32, #tpu.memory_space<vmem>>, vector<128x128xf32>
    %dot_general3A = arith.constant dense<0.000000e+00> : vector<10000x128xf32>
    %dot_general3A_13 = tpu.matmul %mul3A_9, %get3A_12, %dot_general3A {dimension_numbers = #tpu.dot_dimension_numbers<[0], [0], [1], [1], [0, 1, 1, 1], [], []>, transpose_lhs_hint = false} : vector<128x10000xf32>, vector<128x128xf32>, vector<10000x128xf32> -> vector<10000x128xf32>
    %get3A_14 = arith.constant 0 : index
    %get3A_15 = arith.constant 0 : index
    %get3A_16 = vector.load %arg1[%get3A_14, %get3A_15] : memref<128x10000xf32, #tpu.memory_space<vmem>>, vector<128x10000xf32>
    %get3A_17 = arith.constant 0 : index
    %get3A_18 = arith.constant 0 : index
    %get3A_19 = vector.load %arg5[%get3A_17, %get3A_18] : memref<128x128xf32, #tpu.memory_space<vmem>>, vector<128x128xf32>
    %dot_general3A_20 = arith.constant dense<0.000000e+00> : vector<10000x128xf32>
    %dot_general3A_21 = tpu.matmul %get3A_16, %get3A_19, %dot_general3A_20 {dimension_numbers = #tpu.dot_dimension_numbers<[0], [0], [1], [1], [0, 1, 1, 1], [], []>, transpose_lhs_hint = false} : vector<128x10000xf32>, vector<128x128xf32>, vector<10000x128xf32> -> vector<10000x128xf32>
    %add3A = arith.addf %dot_general3A_13, %dot_general3A_21 : vector<10000x128xf32>
    %get3A_22 = arith.constant 0 : index
    %get3A_23 = arith.constant 0 : index
    %get3A_24 = vector.load %arg4[%get3A_22, %get3A_23] : memref<1x128xf32, #tpu.memory_space<vmem>>, vector<1x128xf32>
    %add3A_25 = vector.broadcast %get3A_24 : vector<1x128xf32> to vector<10000x128xf32>
    %add3A_26 = arith.addf %add3A, %add3A_25 : vector<10000x128xf32>
    %gt3A = arith.constant 0.000000e+00 : f32
    %gt3A_27 = vector.broadcast %gt3A : f32 to vector<10000x128xf32>
    %gt3A_28 = arith.cmpf ogt, %add3A_26, %gt3A_27 : vector<10000x128xf32>
    %min3A = arith.constant 0.000000e+00 : f32
    %min3A_29 = vector.broadcast %min3A : f32 to vector<10000x128xf32>
    %min3A_30 = arith.minimumf %add3A_26, %min3A_29 : vector<10000x128xf32>
    %exp3A = math.exp %min3A_30 : vector<10000x128xf32>
    %sub3A = arith.constant 1.000000e+00 : f32
    %sub3A_31 = vector.broadcast %sub3A : f32 to vector<10000x128xf32>
    %sub3A_32 = arith.subf %exp3A, %sub3A_31 : vector<10000x128xf32>
    %select_n3A = arith.select %gt3A_28, %add3A_26, %sub3A_32 : vector<10000x128xi1>, vector<10000x128xf32>
    %swap3A = arith.constant 0 : index
    %swap3A_33 = arith.constant 0 : index
    %swap3A_34 = vector.load %arg6[%swap3A, %swap3A_33] : memref<10000x128xf32, #tpu.memory_space<vmem>>, vector<10000x128xf32>
    tpu.vector_store %arg6[%swap3A, %swap3A_33], %select_n3A {strides = array<i32>} : memref<10000x128xf32, #tpu.memory_space<vmem>>, vector<10000x128xf32>,
    return
  }
}

</mosaic_0001>

<sc_bundles>
// kernel: kernel.12.cloned.1.call-start
scs
__scs_entry_jumppad:
0x0: {  	(pc) =	sbr.rel $0x88, $3  }
0x1: {  	(tag) =	ssettag $0x0;
	lr =	simm.s32 $0x1  }
0x2: {  	[smem:$0x3F8D] =	sst lr;
	_ =	strace $0xD0000000  }
0x3: {  	_ = 	snop  }
0x4: {  	_ = 	snop  }
0x5: {  	_ = 	snop  }
0x6: {  	_ = 	snop  }
0x7: {  	_ = 	snop  }
__scs_overlays_trampoline_lowered:
0x8: {  	[smem:$0x3F9C] =	sst s0  }
0x9: {  	[smem:$0x3F9D] =	sst s1  }
0xa: {  	[smem:$0x3F9E] =	sst s2  }
0xb: {  	[smem:$0x3F9F] =	sst s3  }
0xc: {  	[smem:$0x3FA0] =	sst s4  }
0xd: {  	[smem:$0x3FA1] =	sst s5  }
0xe: {  	[smem:$0x3FA2] =	sst s6  }
0xf: {  	[smem:$0x3FA3] =	sst s7  }
0x10: {  	[smem:$0x3FA4] =	sst s8  }
0x11: {  	[smem:$0x3FA5] =	sst s9;
	s0 =	simm.s32 @!p0 $0x0  }
0x12: {  	s1 =	sld [smem:$0x3F8B];
	s0 =	simm.s32 @p0 $0x1  }
0x13: {  	[smem:$0x3FA6] =	sst s0;
	s0 =	simm.s32 @!p1 $0x0  }
0x14: {  	s2 =	sld [smem:$0x3F8A];
	s0 =	simm.s32 @p1 $0x1  }
0x15: {  	[smem:$0x3FA7] =	sst s0;
	s0 =	simm.s32 @!p2 $0x0  }
0x16: {  	s3 =	sld [smem:$0x3FDB];
	s0 =	simm.s32 @p2 $0x1  }
0x17: {  	s4 =	simm.s32 $0x1BF5;
	[smem:$0x3FA9] =	sst s0  }
0x18: {  	s0 =	sld [smem:$0x3F8C];
	_ =	swait.ge [sflag:s4], $0x0  }
0x19: {  	s7 =	sld [smem:$0x3F8D]  }
0x1a: {  	s8 =	sadd.s32 $0xFFFFE003, lr  }
0x1b: {  	s9 =	sadd.s32 $0xFFFFFEF7, lr;
	s5 =	simm.s32 $0xFFFFFFFF;
	p2 =	slt.u32 s8, $0xFFFFF086  }
0x1c: {  	p1 =	slt.u32 s9, $0xF7A;
	s5 =	simm.s32 @!p2 $0x0  }
0x1d: {  	s5 =	simm.s32 @p1 $0x1;
	p0 =	seq.s32 s7, s2  }
0x1e: {  	s7 =	smul.u32 @!p0 $0xF7A, s2;
	p2 =	seq.s32 @!p0 s5, $0x0  }
0x1f: {  	s9 =	smul.u32 $0xF7A, s1;
	s8 =	simm.s32 @!p0 $0x1BF5;
	p2 =	por !p2, p0  }
0x20: {  	[sflag:s8] =	ssyncset.s32 @!p0 $0xFFFFF086;
	s6 =	sadd.s32 @!p0 s3, s7;
	s7 =	simm.s32 @!p0 $0x108  }
0x21: {  	s3 =	sadd.s32 s3, s9;
	s6 =	sadd.s32 @!p0 $0x88, s6;
	s7 =	simm.s32 @p2 $0x1082  }
0x22: {  	[simem:s7], [sflag:s8] =	dma.local @!p0 [hbm:s6], $0xF7A  }
0x23: {  	s9 =	sor.u32 $0xD0000000, s2;
	s6 =	simm.s32 $0x108;
	_ =	swait.ge @!p0 [sflag:s8], $0x0  }
0x24: {  	s3 =	sadd.s32 $0x88, s3;
	s6 =	simm.s32 @!p1 $0x1082;
	[sflag:s4] =	ssyncset.s32 $0xFFFFF086  }
0x25: {  	[simem:s6], [sflag:s4] =	dma.local [hbm:s3], $0xF7A  }
0x26: {  	[smem:$0x3F8D] =	sst s1;
	(tag) =	ssettag s2;
	_ =	strace s9  }
0x27: {  	s1 =	sld [smem:$0x3F9D]  }
0x28: {  	s2 =	sld [smem:$0x3F9E]  }
0x29: {  	s4 =	sld [smem:$0x3FA0]  }
0x2a: {  	p0 =	seq.s32 s5, $0x0;
	s5 =	sld [smem:$0x3FA1]  }
0x2b: {  	s6 =	sld [smem:$0x3FA2]  }
0x2c: {  	s7 =	sld [smem:$0x3FA3]  }
0x2d: {  	s3 =	simm.s32 $0x108;
	s8 =	sld [smem:$0x3FA4]  }
0x2e: {  	s3 =	simm.s32 @!p0 $0x1082;
	s9 =	sld [smem:$0x3FA5]  }
0x2f: {  	lr =	sadd.s32 s0, s3;
	s0 =	sld [smem:$0x3F9C]  }
0x30: {  	s3 =	sld [smem:$0x3F9F]  }
0x31: {  	[smem:$0x3FA8] =	sst s10  }
0x32: {  	s10 =	sld [smem:$0x3FA6];
	_ =	sdelay $0x3  }
0x33: {  	p0 =	seq.s32 s10, $0x1;
	s10 =	sld [smem:$0x3FA8];
	_ =	sdelay $0x3  }
0x34: {  	[smem:$0x3FA8] =	sst s10  }
0x35: {  	s10 =	sld [smem:$0x3FA7];
	_ =	sdelay $0x3  }
0x36: {  	p1 =	seq.s32 s10, $0x1;
	s10 =	sld [smem:$0x3FA8];
	_ =	sdelay $0x3  }
0x37: {  	[smem:$0x3FA8] =	sst s10  }
0x38: {  	s10 =	sld [smem:$0x3FA9]  }
0x39: {  	_ = 	snop;
	(pc) =	sbr.ind lr, $3  }
0x3a: {  	_ = 	snop  }
0x3b: {  	_ = 	snop  }
0x3c: {  	p2 =	seq.s32 s10, $0x1;
	s10 =	sld [smem:$0x3FA8]  }
0x3d: {  	_ =	shalt  }
0x3e: {  	_ =	shalt  }
0x3f: {  	_ =	shalt  }
0x40: {  	_ =	shalt  }
0x41: {  	_ =	shalt  }
0x42: {  	_ =	shalt  }
0x43: {  	_ =	shalt  }
0x44: {  	_ =	shalt  }
0x45: {  	_ =	shalt  }
0x46: {  	_ =	shalt  }
0x47: {  	_ =	shalt  }
0x48: {  	_ =	shalt  }
0x49: {  	_ =	shalt  }
0x4a: {  	_ =	shalt  }
0x4b: {  	_ =	shalt  }
0x4c: {  	_ =	shalt  }
0x4d: {  	_ =	shalt  }
0x4e: {  	_ =	shalt  }
0x4f: {  	_ =	shalt  }
0x50: {  	_ =	shalt  }
0x51: {  	_ =	shalt  }
0x52: {  	_ =	shalt  }
0x53: {  	_ =	shalt  }
0x54: {  	_ =	shalt  }
0x55: {  	_ =	shalt  }
0x56: {  	_ =	shalt  }
0x57: {  	_ =	shalt  }
0x58: {  	_ =	shalt  }
0x59: {  	_ =	shalt  }
0x5a: {  	_ =	shalt  }
0x5b: {  	_ =	shalt  }
0x5c: {  	_ =	shalt  }
0x5d: {  	_ =	shalt  }
0x5e: {  	_ =	shalt  }
0x5f: {  	_ =	shalt  }
0x60: {  	_ =	shalt  }
0x61: {  	_ =	shalt  }
0x62: {  	_ =	shalt  }
0x63: {  	_ =	shalt  }
0x64: {  	_ =	shalt  }
0x65: {  	_ =	shalt  }
0x66: {  	_ =	shalt  }
0x67: {  	_ =	shalt  }
0x68: {  	_ =	shalt  }
0x69: {  	_ =	shalt  }
0x6a: {  	_ =	shalt  }
0x6b: {  	_ =	shalt  }
0x6c: {  	_ =	shalt  }
0x6d: {  	_ =	shalt  }
0x6e: {  	_ =	shalt  }
0x6f: {  	_ =	shalt  }
0x70: {  	_ =	shalt  }
0x71: {  	_ =	shalt  }
0x72: {  	_ =	shalt  }
0x73: {  	_ =	shalt  }
0x74: {  	_ =	shalt  }
0x75: {  	_ =	shalt  }
0x76: {  	_ =	shalt  }
0x77: {  	_ =	shalt  }
0x78: {  	_ =	shalt  }
0x79: {  	_ =	shalt  }
0x7a: {  	_ =	shalt  }
0x7b: {  	_ =	shalt  }
0x7c: {  	_ =	shalt  }
0x7d: {  	_ =	shalt  }
0x7e: {  	_ =	shalt  }
0x7f: {  	_ =	shalt  }
0x80: {  	_ =	shalt  }
0x81: {  	_ =	shalt  }
0x82: {  	_ =	shalt  }
0x83: {  	_ =	shalt  }
0x84: {  	_ =	shalt  }
0x85: {  	_ =	shalt  }
0x86: {  	_ =	shalt  }
0x87: {  	_ =	shalt  }
.Lfunc_end0:
.L_simem_size_0:
called_computation.1_lowered:
.L_overlay_start_0:
0x88: {  	s2 =	sld [smem:$0x3FD9]  }
0x89: {  	s3 =	sld [smem:$0x3FFE];
	_ =	sdelay $0x1  }
0x8a: {  	s1 =	srdreg.scid  }
0x8b: {  	s0 =	sand.u32 $0x1, s1  }
0x8c: {  	s17 =	sshll.u32 s0, $0xA;
	s2 =	sadd.s32 s3, s2  }
0x8d: {  	s2 =	sadd.s32 s2, s17  }
0x8e: {  	[smem:$0x3FB4] =	sst s2  }
0x8f: {  	_ = 	snop  }
0x90: {  	s2 =	sld [smem:$0x3FD0];
	(tm) =	ssettm $0x1  }
0x91: {  	s18 =	sld [smem:$0x3FFB];
	_ =	sdelay $0x3  }
0x92: {  	_ =	strace s18  }
0x93: {  	s3 =	sld [smem:$0x3FFC];
	_ =	sdelay $0x3  }
0x94: {  	_ =	strace s3  }
0x95: {  	s3 =	sld [smem:$0x3FFD];
	_ =	sdelay $0x3  }
0x96: {  	_ =	strace s3  }
0x97: {  	_ =	strace $0x8FFFFFFF  }
0x98: {  	s19 =	sld [smem:$0x3FDB];
	_ =	sdelay $0x1  }
0x99: {  	s4 =	simm.s32 $_scs_section_size  }
0x9a: {  	s5 =	simm.s32 $_size__tile_overlayer_lowered;
	s6 =	simm.s32 $_tile_overlayer_lowered  }
0x9b: {  	s22 =	simm.s32 $0x1BFF;
	s21 =	sshll.u32 s6, $0x1;
	s3 =	sadd.s32 s4, s19  }
0x9c: {  	s7 =	simm.s32 $0x0;
	s20 =	sshll.u32 s5, $0x1;
	s5 =	sadd.s32 s21, s3  }
0x9d: {  	[timem:s7], [sflag:s22] =	dma.local [hbm:s5], s20  }
0x9e: {  	_ =	swait.ge [sflag:s22], s20  }
0x9f: {  	s4 =	ssub.s32 $0x0, s20;
	[sflag:s22] =	ssyncset.done $0x0  }
0xa0: {  	[sflag:s22] =	ssyncadd.s32 s4;
	_ =	sdelay $0x1  }
0xa1: {  	s23 =	simm.s32 $0x1B8B  }
0xa2: {  	_ =	swait.ge [sflag:s23], $0x1  }
0xa3: {  	[sflag:s23] =	ssyncset.done $0x0  }
0xa4: {  	s25 =	simm.s32 $0x1B8E;
	s24 =	sld [smem:$0x3FFE];
	[sflag:s23] =	ssyncadd.s32 $0xFFFFFFFF  }
0xa5: {  	s26 =	simm.s32 $execute0_lowered;
	[smem:$0x3FD2] =	sst s25  }
0xa6: {  	s5 =	sshll.u32 s26, $0x1;
	_ =	strace $0x80000049;
	[dreg:$0x1] =	wrdreg $0xFFFFFFFF  }
0xa7: {  	s28 =	simm.s32 $_size_execute0_lowered;
	s3 =	sadd.s32 s3, s5;
	[dreg:$0x0] =	wrdreg $0x0  }
0xa8: {  	s5 =	sshll.u32 s28, $0x1;
	[dreg:$0x2] =	wrdreg s3  }
0xa9: {  	[dreg:$0x3] =	wrdreg s5  }
0xaa: {  	[dreg:$0x4] =	wrdreg $0xC0  }
0xab: {  	_ =	task [dreg:s7], $0x5FFFF  }
0xac: {  	[dreg:$0x1] =	wrdreg $0xFFFFFFFF  }
0xad: {  	[dreg:$0x0] =	wrdreg $0x60  }
0xae: {  	[dreg:$0x2] =	wrdreg s2  }
0xaf: {  	[dreg:$0x3] =	wrdreg s24  }
0xb0: {  	[dreg:$0x4] =	wrdreg $0x9  }
0xb1: {  	_ =	task.clear_ibuf [dreg:s7], $0x5FFFF;
	_ =	strace $0x90000049  }
0xb2: {  	s29 =	simm.s32 $0x9;
	_ =	strace $0x8000004B  }
0xb3: {  	_ =	swait.ge [sflag:s29], $0x1  }
0xb4: {  	[sflag:s29] =	ssyncadd.s32 $0xFFFFFFFF  }
0xb5: {  	_ =	strace $0x9000004B  }
0xb6: {  	_ =	sfence  }
0xb7: {  	s30 =	sld [smem:$0x0];
	_ =	sdelay $0x2  }
0xb8: {  	s31 =	sshll.u32 s1, $0xD;
	s1 =	sshrl.u32 s1, $0x2  }
0xb9: {  	s3 =	sand.u32 $0x4000, s31;
	s1 =	sadd.s32 s1, s30  }
0xba: {  	s0 =	sor.u32 s3, s0;
	s1 =	sshll.u32 s1, $0x11  }
0xbb: {  	s0 =	sor.u32 s1, s0  }
0xbc: {  	s0 =	sadd.s32 $0x8F2B, s0  }
0xbd: {  	[sflag:s0] =	ssyncadd.remote.s32 $0x1  }
0xbe: {  	_ =	sfence.sel $0xFFFF  }
0xbf: {  	[dreg:$0x0] =	wrdreg $0xFFFFFFFF;
	(pc) =	sbr.abs _section_cstart, $3  }
0xc0: {  	[dreg:$0x1] =	wrdreg $0xFFFFFFFF  }
0xc1: {  	_ =	task.clear_ibuf [dreg:s7], $0x2FFFF;
	_ =	strace $0x9FFFFFFF  }
0xc2: {  	(tm) =	ssettm $0x7FFFFFFF  }
0xc3: {  	_ =	shalt  }
tec
execute0_lowered:
.L_overlay_start_1:
0x0: {  	(tag) =	ssettag $0x1  }
0x1: {  	s7 =	rddreg [dreg:$0x0]  }
0x2: {  	s6 =	rddreg [dreg:$0x1]  }
0x3: {  	s0 =	rddreg [dreg:$0x2]  }
0x4: {  	s3 =	srdreg.scid;
	s1 =	stileid.u32  }
0x5: {  	s2 =	simm.s32 $0x0;
	s11 =	simm.s32 $0x16B00;
	s12 =	simm.s32 $0x15200  }
0x6: {  	s13 =	simm.s32 $0x18400;
	s14 =	simm.s32 $0x5;
	s15 =	simm.s32 $0x1  }
0x7: {  	s16 =	simm.s32 $0x3;
	s17 =	simm.s32 $0x9C80;
	s18 =	simm.s32 $0x2  }
0x8: {  	s19 =	simm.s32 $0x4;
	s3 =	sand.u32 $0x1, s3;
	s4 =	sshll.u32 s1, $0x1  }
0x9: {  	s20 =	simm.s32 $0x0;
	[smem:$0x7FF] =	sst s2;
	s4 =	sor.u32 s3, s4  }
.Ltmp0:
0xa: {  	_ =	strace $0x8000004A;
	s5 =	ssub.s32 $0x2, s3;
	(pc) =	sbr.rel .LBB2_1-.Ltmp0, $4  }
0xb: {  	s3 =	sadd.s32 $0xCA00, s6;
	s8 =	smul.u32 $0x1388, s4;
	s9 =	sshrl.u32 s5, $0x1  }
0xc: {  	s4 =	sadd.s32 $0x2C00, s6;
	s9 =	ssub.s32 s5, s9;
	s5 =	sadd.s32 $0xCD20, s6  }
0xd: {  	s10 =	sadd.s32 s8, s6;
	s6 =	sadd.s32 $0x2F20, s6;
	s7 =	sadd.s32 s7, s8  }
0xe: {  	v0 =	vimm.f32 $0.0e+00;
	s9 =	smax.u32 s9, $0x1;
	s8 =	sadd.s32 $0x16800, s10;
	s10 =	simm.s32 $0x13900  }
.LBB2_10:
0xf: {  	s20 =	sadd.s32 $0x1, s20  }
0x10: {  	p0 =	sne.s32 s20, s9  }
.Ltmp1:
0x11: {  	_ = 	snop;
	(pc) =	sbr.rel @!p0 .LBB2_11-.Ltmp1, $4  }
0x12: {  	[hbm4b:s8+s2] =	stream.linear.scatter [tilespmem:s17], [sflag:$0x5], $0x9C40, $0x38;
	[tilespmem:$0x19D00] =	vst v63  }
0x13: {  	_ =	swait.ge [sflag:s14], $0x9C40  }
0x14: {  	[sflag:s14] =	ssyncset.done $0x0  }
0x15: {  	[sflag:s14] =	ssyncadd.s32 $0xFFFF63C0  }
.LBB2_1:
0x16: {  	[tilespmem:s10], [sflag:$0x1] =	stream.linear.gather [hbm4b:s3+s2], $0x1900, $0x38;
	[tilespmem:$0x19D00] =	vst v63  }
0x17: {  	_ = 	snop  }
0x18: {  	[tilespmem:s11], [sflag:$0x3] =	stream.linear.gather [hbm4b:s4+s2], $0x1900, $0x38;
	[tilespmem:$0x19D00] =	vst v63  }
0x19: {  	_ = 	snop  }
0x1a: {  	[tilespmem:s12], [sflag:$0x2] =	stream.linear.gather [hbm4b:s5+s2], $0x1900, $0x38;
	[tilespmem:$0x19D00] =	vst v63  }
0x1b: {  	_ = 	snop  }
0x1c: {  	[tilespmem:s13], [sflag:$0x4] =	stream.linear.gather [hbm4b:s6+s2], $0x1900, $0x38;
	[tilespmem:$0x19D00] =	vst v63  }
0x1d: {  	_ = 	snop  }
0x1e: {  	[tilespmem:s2], [sflag:$0x5] =	stream.linear.gather [hbm4b:s7+s2], $0x9C40, $0x38;
	[tilespmem:$0x19D00] =	vst v63  }
0x1f: {  	_ =	swait.ge [sflag:s14], $0x9C40  }
0x20: {  	[sflag:s14] =	ssyncset.done $0x0  }
0x21: {  	s21 =	simm.s32 $0x0;
	s22 =	simm.s32 $0x140;
	[sflag:s14] =	ssyncadd.s32 $0xFFFF63C0  }
.LBB2_2:
0x22: {  	p0 =	sne.s32 s22, $0x9B00;
	[tilespmem:s21+$0x111F0] =	vst v0  }
0x23: {  	[tilespmem:s21+$0x9C80] =	vst v0  }
0x24: {  	[tilespmem:s21+$0xC390] =	vst v0  }
0x25: {  	[tilespmem:s21+$0xEAA0] =	vst v0  }
0x26: {  	[tilespmem:s21+$0x111B0] =	vst v0  }
0x27: {  	[tilespmem:s21+$0x9C90] =	vst v0  }
0x28: {  	[tilespmem:s21+$0xC3A0] =	vst v0  }
0x29: {  	[tilespmem:s21+$0xEAB0] =	vst v0  }
0x2a: {  	[tilespmem:s21+$0x111C0] =	vst v0  }
0x2b: {  	[tilespmem:s21+$0x9CA0] =	vst v0  }
0x2c: {  	[tilespmem:s21+$0xC3B0] =	vst v0  }
0x2d: {  	[tilespmem:s21+$0xEAC0] =	vst v0  }
0x2e: {  	[tilespmem:s21+$0x111D0] =	vst v0  }
0x2f: {  	[tilespmem:s21+$0x9CB0] =	vst v0  }
0x30: {  	[tilespmem:s21+$0xC3C0] =	vst v0  }
.Ltmp2:
0x31: {  	[tilespmem:s21+$0xEAD0] =	vst v0;
	(pc) =	sbr.rel @p0 .LBB2_2-.Ltmp2, $4  }
0x32: {  	[tilespmem:s21+$0x111E0] =	vst v0  }
0x33: {  	[tilespmem:s21+$0x9CC0] =	vst v0  }
0x34: {  	[tilespmem:s21+$0xC3D0] =	vst v0  }
0x35: {  	[tilespmem:s21+$0xEAE0] =	vst v0;
	s21 =	sshra.s32 s22, $0x2;
	s22 =	sadd.s32 $0x140, s22  }
0x36: {  	[tilespmem:s21+$0x111F0] =	vst v0  }
0x37: {  	[tilespmem:s21+$0x9C80] =	vst v0  }
0x38: {  	[tilespmem:s21+$0xC390] =	vst v0  }
0x39: {  	[tilespmem:s21+$0xEAA0] =	vst v0  }
0x3a: {  	[tilespmem:s21+$0x111B0] =	vst v0  }
0x3b: {  	[tilespmem:s21+$0x9C90] =	vst v0  }
0x3c: {  	[tilespmem:s21+$0xC3A0] =	vst v0  }
0x3d: {  	[tilespmem:s21+$0xEAB0] =	vst v0  }
0x3e: {  	[tilespmem:s21+$0x111C0] =	vst v0  }
0x3f: {  	[tilespmem:s21+$0x9CA0] =	vst v0  }
0x40: {  	[tilespmem:s21+$0xC3B0] =	vst v0  }
0x41: {  	[tilespmem:s21+$0xEAC0] =	vst v0  }
0x42: {  	[tilespmem:s21+$0x111D0] =	vst v0  }
0x43: {  	[tilespmem:s21+$0x9CB0] =	vst v0  }
0x44: {  	[tilespmem:s21+$0xC3C0] =	vst v0  }
0x45: {  	[tilespmem:s21+$0xEAD0] =	vst v0  }
0x46: {  	[tilespmem:s21+$0x111E0] =	vst v0  }
0x47: {  	[tilespmem:s21+$0x9CC0] =	vst v0  }
0x48: {  	[tilespmem:s21+$0xC3D0] =	vst v0  }
0x49: {  	[tilespmem:s21+$0xEAE0] =	vst v0;
	s21 =	simm.s32 $0x0  }
.LBB2_4:
0x4a: {  	_ =	swait.ge [sflag:s15], $0x1900  }
0x4b: {  	[sflag:s15] =	ssyncset.done $0x0  }
0x4c: {  	[sflag:s15] =	ssyncadd.s32 $0xFFFFE700  }
0x4d: {  	_ =	swait.ge [sflag:s16], $0x1900  }
0x4e: {  	[sflag:s16] =	ssyncset.done $0x0  }
0x4f: {  	s23 =	simm.s32 $0x13940;
	[sflag:s16] =	ssyncadd.s32 $0xFFFFE700  }
0x50: {  	v1 =	vld [tilespmem:s23+$0x30]  }
0x51: {  	v2 =	vld [tilespmem:s23+$0xFFFFFFD0]  }
0x52: {  	v3 =	vld [tilespmem:s23+$0xFFFFFFE0]  }
0x53: {  	v4 =	vld [tilespmem:s23+$0xFFFFFFF0]  }
0x54: {  	v5 =	vld [tilespmem:s23+$0x0]  }
0x55: {  	s22 =	simm.s32 $0x16B40;
	v6 =	vld [tilespmem:s23+$0x10]  }
0x56: {  	v7 =	vld [tilespmem:s22+$0x30]  }
0x57: {  	v8 =	vld [tilespmem:s23+$0x20]  }
0x58: {  	v10 =	vld [tilespmem:s23+$0xFFFFFFC0]  }
0x59: {  	v20 =	vld [tilespmem:s22+$0xFFFFFFC0]  }
0x5a: {  	v21 =	vld [tilespmem:s22+$0xFFFFFFD0]  }
0x5b: {  	v63 =	vld [tilespmem:s22+$0xFFFFFFE0]  }
0x5c: {  	v22 =	vld [tilespmem:s22+$0xFFFFFFF0]  }
0x5d: {  	v23 =	vld [tilespmem:s22+$0x0]  }
0x5e: {  	v24 =	vld [tilespmem:s22+$0x10]  }
0x5f: {  	v25 =	vld [tilespmem:s22+$0x20]  }
0x60: {  	v9 =	vld.idx.msk [tilespmem:v1+s2+$0x0], $0xffff  }
0x61: {  	v11 =	vld.idx.msk [tilespmem:v2+s2+$0x0], $0xffff  }
0x62: {  	v13 =	vld.idx.msk [tilespmem:v3+s2+$0x0], $0xffff  }
0x63: {  	v14 =	vld.idx.msk [tilespmem:v4+s2+$0x0], $0xffff  }
0x64: {  	v17 =	vld.idx.msk [tilespmem:v10+s2+$0x0], $0xffff  }
0x65: {  	v15 =	vld.idx.msk [tilespmem:v5+s2+$0x0], $0xffff  }
0x66: {  	v62 =	vld.idx.msk [tilespmem:v6+s2+$0x0], $0xffff  }
0x67: {  	v19 =	vld.idx.msk [tilespmem:v8+s2+$0x0], $0xffff  }
0x68: {  	[tilespmem:v7+s17+$0x0] =	vst.idx.add.f32.msk $0xffff, v9  }
0x69: {  	v12 =	vadd.s32 $0x2710, v1;
	[tilespmem:v20+s17+$0x0] =	vst.idx.add.f32.msk $0xffff, v17  }
0x6a: {  	[tilespmem:v21+s17+$0x0] =	vst.idx.add.f32.msk $0xffff, v11  }
0x6b: {  	[tilespmem:v63+s17+$0x0] =	vst.idx.add.f32.msk $0xffff, v13  }
0x6c: {  	v30 =	vadd.s32 $0x2710, v2;
	[tilespmem:v22+s17+$0x0] =	vst.idx.add.f32.msk $0xffff, v14  }
0x6d: {  	v31 =	vadd.s32 $0x2710, v3;
	[tilespmem:v23+s17+$0x0] =	vst.idx.add.f32.msk $0xffff, v15  }
0x6e: {  	v16 =	vadd.s32 $0x2710, v7;
	v9 =	vld.idx.msk [tilespmem:v12+s2+$0x0], $0xffff  }
0x6f: {  	v18 =	vadd.s32 $0x4E20, v1;
	[tilespmem:v24+s17+$0x0] =	vst.idx.add.f32.msk $0xffff, v62  }
0x70: {  	v33 =	vadd.s32 $0x2710, v6;
	[tilespmem:v25+s17+$0x0] =	vst.idx.add.f32.msk $0xffff, v19  }
0x71: {  	v34 =	vadd.s32 $0x2710, v8;
	v11 =	vld.idx.msk [tilespmem:v30+s2+$0x0], $0xffff  }
0x72: {  	v36 =	vadd.s32 $0x2710, v21;
	v13 =	vld.idx.msk [tilespmem:v31+s2+$0x0], $0xffff  }
0x73: {  	v37 =	vadd.s32 $0x2710, v63;
	[tilespmem:v16+s17+$0x0] =	vst.idx.add.f32.msk $0xffff, v9  }
0x74: {  	v28 =	vadd.s32 $0x4E20, v7;
	v9 =	vld.idx.msk [tilespmem:v18+s2+$0x0], $0xffff  }
0x75: {  	v1 =	vadd.s32 $0x7530, v1;
	v12 =	vld.idx.msk [tilespmem:v33+s2+$0x0], $0xffff  }
0x76: {  	v27 =	vadd.s32 $0x2710, v24;
	v14 =	vld.idx.msk [tilespmem:v34+s2+$0x0], $0xffff  }
0x77: {  	v41 =	vadd.s32 $0x4E20, v2;
	[tilespmem:v36+s17+$0x0] =	vst.idx.add.f32.msk $0xffff, v11  }
0x78: {  	v29 =	vadd.s32 $0x2710, v10;
	[tilespmem:v37+s17+$0x0] =	vst.idx.add.f32.msk $0xffff, v13  }
0x79: {  	v39 =	vadd.s32 $0x2710, v25;
	[tilespmem:v28+s17+$0x0] =	vst.idx.add.f32.msk $0xffff, v9  }
0x7a: {  	v7 =	vadd.s32 $0x7530, v7;
	v1 =	vld.idx.msk [tilespmem:v1+s2+$0x0], $0xffff  }
0x7b: {  	v45 =	vadd.s32 $0x4E20, v8;
	[tilespmem:v27+s17+$0x0] =	vst.idx.add.f32.msk $0xffff, v12  }
0x7c: {  	v47 =	vadd.s32 $0x4E20, v21;
	v13 =	vld.idx.msk [tilespmem:v41+s2+$0x0], $0xffff  }
0x7d: {  	v35 =	vadd.s32 $0x2710, v20;
	v9 =	vld.idx.msk [tilespmem:v29+s2+$0x0], $0xffff  }
0x7e: {  	v44 =	vadd.s32 $0x4E20, v6;
	[tilespmem:v39+s17+$0x0] =	vst.idx.add.f32.msk $0xffff, v14  }
0x7f: {  	[tilespmem:v7+s17+$0x0] =	vst.idx.add.f32.msk $0xffff, v1;
	v1 =	vadd.s32 $0x2710, v4  }
0x80: {  	v32 =	vadd.s32 $0x2710, v5;
	v14 =	vld.idx.msk [tilespmem:v45+s2+$0x0], $0xffff  }
0x81: {  	v40 =	vadd.s32 $0x4E20, v10;
	[tilespmem:v47+s17+$0x0] =	vst.idx.add.f32.msk $0xffff, v13  }
0x82: {  	v52 =	vadd.s32 $0x4E20, v25;
	[tilespmem:v35+s17+$0x0] =	vst.idx.add.f32.msk $0xffff, v9  }
0x83: {  	v51 =	vadd.s32 $0x4E20, v24;
	v9 =	vld.idx.msk [tilespmem:v44+s2+$0x0], $0xffff  }
0x84: {  	v38 =	vadd.s32 $0x2710, v22;
	v1 =	vld.idx.msk [tilespmem:v1+s2+$0x0], $0xffff  }
0x85: {  	v26 =	vadd.s32 $0x2710, v23;
	v7 =	vld.idx.msk [tilespmem:v32+s2+$0x0], $0xffff  }
0x86: {  	v46 =	vadd.s32 $0x4E20, v20;
	v11 =	vld.idx.msk [tilespmem:v40+s2+$0x0], $0xffff  }
0x87: {  	v54 =	vadd.s32 $0x7530, v6;
	[tilespmem:v52+s17+$0x0] =	vst.idx.add.f32.msk $0xffff, v14  }
0x88: {  	v43 =	vadd.s32 $0x4E20, v5;
	[tilespmem:v51+s17+$0x0] =	vst.idx.add.f32.msk $0xffff, v9  }
0x89: {  	[tilespmem:v38+s17+$0x0] =	vst.idx.add.f32.msk $0xffff, v1;
	v1 =	vadd.s32 $0x4E20, v3  }
0x8a: {  	v10 =	vadd.s32 $0x7530, v10;
	[tilespmem:v26+s17+$0x0] =	vst.idx.add.f32.msk $0xffff, v7  }
0x8b: {  	v42 =	vadd.s32 $0x4E20, v4;
	[tilespmem:v46+s17+$0x0] =	vst.idx.add.f32.msk $0xffff, v11  }
0x8c: {  	v53 =	vadd.s32 $0x7530, v5;
	v62 =	vadd.s32 $0x7530, v24;
	v5 =	vld.idx.msk [tilespmem:v54+s2+$0x0], $0xffff  }
0x8d: {  	v50 =	vadd.s32 $0x4E20, v23;
	v12 =	vld.idx.msk [tilespmem:v43+s2+$0x0], $0xffff  }
0x8e: {  	v48 =	vadd.s32 $0x4E20, v63;
	v1 =	vld.idx.msk [tilespmem:v1+s2+$0x0], $0xffff  }
0x8f: {  	v57 =	vadd.s32 $0x7530, v20;
	v55 =	vld.idx.msk [tilespmem:v10+s2+$0x0], $0xffff  }
0x90: {  	v49 =	vadd.s32 $0x4E20, v22;
	v7 =	vld.idx.msk [tilespmem:v42+s2+$0x0], $0xffff  }
0x91: {  	v56 =	vadd.s32 $0x7530, v8;
	[tilespmem:v62+s17+$0x0] =	vst.idx.add.f32.msk $0xffff, v5  }
0x92: {  	[tilespmem:v50+s17+$0x0] =	vst.idx.add.f32.msk $0xffff, v12  }
0x93: {  	[tilespmem:v48+s17+$0x0] =	vst.idx.add.f32.msk $0xffff, v1;
	v1 =	vadd.s32 $0x7530, v2  }
0x94: {  	[tilespmem:v57+s17+$0x0] =	vst.idx.add.f32.msk $0xffff, v55;
	v2 =	vadd.s32 $0x7530, v3  }
0x95: {  	[tilespmem:v49+s17+$0x0] =	vst.idx.add.f32.msk $0xffff, v7;
	v3 =	vadd.s32 $0x7530, v4  }
0x96: {  	v59 =	vadd.s32 $0x7530, v63;
	v63 =	vadd.s32 $0x7530, v25;
	v7 =	vld.idx.msk [tilespmem:v56+s2+$0x0], $0xffff  }
0x97: {  	v61 =	vadd.s32 $0x7530, v23;
	v4 =	vld.idx.msk [tilespmem:v53+s2+$0x0], $0xffff  }
0x98: {  	v58 =	vadd.s32 $0x7530, v21;
	v1 =	vld.idx.msk [tilespmem:v1+s2+$0x0], $0xffff  }
0x99: {  	v2 =	vld.idx.msk [tilespmem:v2+s2+$0x0], $0xffff  }
0x9a: {  	v60 =	vadd.s32 $0x7530, v22;
	v3 =	vld.idx.msk [tilespmem:v3+s2+$0x0], $0xffff  }
0x9b: {  	[tilespmem:v63+s17+$0x0] =	vst.idx.add.f32.msk $0xffff, v7  }
0x9c: {  	[tilespmem:v61+s17+$0x0] =	vst.idx.add.f32.msk $0xffff, v4  }
0x9d: {  	[tilespmem:v58+s17+$0x0] =	vst.idx.add.f32.msk $0xffff, v1  }
0x9e: {  	[tilespmem:v59+s17+$0x0] =	vst.idx.add.f32.msk $0xffff, v2  }
0x9f: {  	s24 =	simm.s32 $0x139C0;
	s23 =	simm.s32 $0x0;
	[tilespmem:v60+s17+$0x0] =	vst.idx.add.f32.msk $0xffff, v3  }
.LBB2_5:
0xa0: {  	v12 =	vld [tilespmem:s24+$0x30];
	s23 =	sadd.s32 $0x8, s23  }
0xa1: {  	v5 =	vld [tilespmem:s24+$0xFFFFFFD0];
	p0 =	slt.u32 s23, $0x188  }
0xa2: {  	v6 =	vld [tilespmem:s24+$0xFFFFFFE0]  }
0xa3: {  	v10 =	vld [tilespmem:s24+$0xFFFFFFF0]  }
0xa4: {  	v13 =	vld [tilespmem:s24+$0x0]  }
0xa5: {  	s22 =	sadd.s32 $0x80, s22;
	v14 =	vld [tilespmem:s24+$0x10]  }
0xa6: {  	v15 =	vadd.s32 $0x2710, v5;
	v7 =	vadd.s32 $0x4E20, v5;
	v1 =	vadd.s32 $0x7530, v5;
	v16 =	vld [tilespmem:s22+$0x30]  }
0xa7: {  	v17 =	vadd.s32 $0x2710, v6;
	v8 =	vadd.s32 $0x4E20, v6;
	v2 =	vadd.s32 $0x7530, v6;
	v18 =	vld [tilespmem:s24+$0x20]  }
0xa8: {  	v19 =	vadd.s32 $0x2710, v10;
	v9 =	vadd.s32 $0x4E20, v10;
	v3 =	vadd.s32 $0x7530, v10;
	v20 =	vld.idx.msk [tilespmem:v12+s2+$0x0], $0xffff  }
0xa9: {  	v21 =	vld [tilespmem:s24+$0xFFFFFFC0];
	v22 =	vadd.s32 $0x2710, v13;
	v11 =	vadd.s32 $0x4E20, v13;
	v4 =	vadd.s32 $0x7530, v13  }
0xaa: {  	v26 =	vadd.s32 $0x2710, v12;
	v23 =	vld.idx.msk [tilespmem:v5+s2+$0x0], $0xffff;
	v24 =	vadd.s32 $0x2710, v14;
	v25 =	vadd.s32 $0x4E20, v14  }
0xab: {  	v5 =	vadd.s32 $0x7530, v14;
	v27 =	vld.idx.msk [tilespmem:v6+s2+$0x0], $0xffff  }
0xac: {  	v28 =	vld.idx.msk [tilespmem:v10+s2+$0x0], $0xffff;
	v29 =	vadd.s32 $0x2710, v18;
	v30 =	vadd.s32 $0x4E20, v18;
	v6 =	vadd.s32 $0x7530, v18  }
0xad: {  	v13 =	vld.idx.msk [tilespmem:v13+s2+$0x0], $0xffff  }
0xae: {  	v31 =	vadd.s32 $0x2710, v21;
	v32 =	vadd.s32 $0x4E20, v21;
	v10 =	vadd.s32 $0x7530, v21;
	[tilespmem:v16+s17+$0x0] =	vst.idx.add.f32.msk $0xffff, v20  }
0xaf: {  	v20 =	vld.idx.msk [tilespmem:v26+s2+$0x0], $0xffff  }
0xb0: {  	v26 =	vadd.s32 $0x2710, v16;
	v14 =	vld.idx.msk [tilespmem:v14+s2+$0x0], $0xffff  }
0xb1: {  	v33 =	vadd.s32 $0x4E20, v12;
	v21 =	vld.idx.msk [tilespmem:v21+s2+$0x0], $0xffff  }
0xb2: {  	v18 =	vld.idx.msk [tilespmem:v18+s2+$0x0], $0xffff  }
0xb3: {  	v34 =	vld [tilespmem:s22+$0xFFFFFFC0]  }
0xb4: {  	v35 =	vld [tilespmem:s22+$0xFFFFFFD0]  }
0xb5: {  	[tilespmem:v26+s17+$0x0] =	vst.idx.add.f32.msk $0xffff, v20  }
0xb6: {  	v20 =	vld.idx.msk [tilespmem:v33+s2+$0x0], $0xffff  }
0xb7: {  	v33 =	vadd.s32 $0x4E20, v16;
	v26 =	vld [tilespmem:s22+$0xFFFFFFE0]  }
0xb8: {  	v12 =	vadd.s32 $0x7530, v12;
	v36 =	vadd.s32 $0x2710, v34;
	v37 =	vadd.s32 $0x4E20, v34;
	v38 =	vld [tilespmem:s22+$0xFFFFFFF0]  }
0xb9: {  	v39 =	vadd.s32 $0x7530, v34;
	v40 =	vadd.s32 $0x2710, v35;
	v41 =	vadd.s32 $0x4E20, v35;
	v42 =	vld [tilespmem:s22+$0x0]  }
0xba: {  	v43 =	vadd.s32 $0x7530, v35;
	v44 =	vld [tilespmem:s22+$0x10]  }
0xbb: {  	v45 =	vld [tilespmem:s22+$0x20]  }
0xbc: {  	v46 =	vadd.s32 $0x2710, v26;
	v47 =	vadd.s32 $0x4E20, v26;
	v48 =	vadd.s32 $0x7530, v26;
	[tilespmem:v33+s17+$0x0] =	vst.idx.add.f32.msk $0xffff, v20  }
0xbd: {  	v20 =	vadd.s32 $0x2710, v38;
	v33 =	vadd.s32 $0x4E20, v38;
	v49 =	vadd.s32 $0x7530, v38;
	v12 =	vld.idx.msk [tilespmem:v12+s2+$0x0], $0xffff  }
0xbe: {  	v16 =	vadd.s32 $0x7530, v16;
	[tilespmem:v34+s17+$0x0] =	vst.idx.add.f32.msk $0xffff, v21;
	v21 =	vadd.s32 $0x2710, v42;
	v34 =	vadd.s32 $0x4E20, v42  }
0xbf: {  	[tilespmem:v35+s17+$0x0] =	vst.idx.add.f32.msk $0xffff, v23;
	v23 =	vadd.s32 $0x7530, v42;
	v35 =	vadd.s32 $0x2710, v44;
	v50 =	vadd.s32 $0x4E20, v44  }
0xc0: {  	[tilespmem:v26+s17+$0x0] =	vst.idx.add.f32.msk $0xffff, v27;
	v26 =	vadd.s32 $0x7530, v44;
	v27 =	vadd.s32 $0x2710, v45;
	v51 =	vadd.s32 $0x4E20, v45  }
0xc1: {  	[tilespmem:v38+s17+$0x0] =	vst.idx.add.f32.msk $0xffff, v28;
	v28 =	vadd.s32 $0x7530, v45  }
0xc2: {  	[tilespmem:v42+s17+$0x0] =	vst.idx.add.f32.msk $0xffff, v13  }
0xc3: {  	[tilespmem:v16+s17+$0x0] =	vst.idx.add.f32.msk $0xffff, v12  }
0xc4: {  	[tilespmem:v44+s17+$0x0] =	vst.idx.add.f32.msk $0xffff, v14  }
0xc5: {  	[tilespmem:v45+s17+$0x0] =	vst.idx.add.f32.msk $0xffff, v18  }
0xc6: {  	v12 =	vld.idx.msk [tilespmem:v31+s2+$0x0], $0xffff  }
0xc7: {  	v13 =	vld.idx.msk [tilespmem:v15+s2+$0x0], $0xffff  }
0xc8: {  	v14 =	vld.idx.msk [tilespmem:v17+s2+$0x0], $0xffff  }
0xc9: {  	v15 =	vld.idx.msk [tilespmem:v19+s2+$0x0], $0xffff  }
0xca: {  	v16 =	vld.idx.msk [tilespmem:v22+s2+$0x0], $0xffff  }
0xcb: {  	v17 =	vld.idx.msk [tilespmem:v24+s2+$0x0], $0xffff  }
0xcc: {  	v18 =	vld.idx.msk [tilespmem:v29+s2+$0x0], $0xffff  }
0xcd: {  	[tilespmem:v36+s17+$0x0] =	vst.idx.add.f32.msk $0xffff, v12  }
0xce: {  	[tilespmem:v40+s17+$0x0] =	vst.idx.add.f32.msk $0xffff, v13  }
0xcf: {  	[tilespmem:v46+s17+$0x0] =	vst.idx.add.f32.msk $0xffff, v14  }
0xd0: {  	[tilespmem:v20+s17+$0x0] =	vst.idx.add.f32.msk $0xffff, v15  }
0xd1: {  	[tilespmem:v21+s17+$0x0] =	vst.idx.add.f32.msk $0xffff, v16  }
0xd2: {  	[tilespmem:v35+s17+$0x0] =	vst.idx.add.f32.msk $0xffff, v17  }
0xd3: {  	[tilespmem:v27+s17+$0x0] =	vst.idx.add.f32.msk $0xffff, v18  }
0xd4: {  	v12 =	vld.idx.msk [tilespmem:v32+s2+$0x0], $0xffff  }
0xd5: {  	v7 =	vld.idx.msk [tilespmem:v7+s2+$0x0], $0xffff  }
0xd6: {  	v8 =	vld.idx.msk [tilespmem:v8+s2+$0x0], $0xffff  }
0xd7: {  	v9 =	vld.idx.msk [tilespmem:v9+s2+$0x0], $0xffff  }
0xd8: {  	v11 =	vld.idx.msk [tilespmem:v11+s2+$0x0], $0xffff  }
0xd9: {  	v13 =	vld.idx.msk [tilespmem:v25+s2+$0x0], $0xffff  }
0xda: {  	v14 =	vld.idx.msk [tilespmem:v30+s2+$0x0], $0xffff  }
0xdb: {  	[tilespmem:v37+s17+$0x0] =	vst.idx.add.f32.msk $0xffff, v12  }
0xdc: {  	[tilespmem:v41+s17+$0x0] =	vst.idx.add.f32.msk $0xffff, v7  }
0xdd: {  	[tilespmem:v47+s17+$0x0] =	vst.idx.add.f32.msk $0xffff, v8  }
0xde: {  	[tilespmem:v33+s17+$0x0] =	vst.idx.add.f32.msk $0xffff, v9  }
0xdf: {  	[tilespmem:v34+s17+$0x0] =	vst.idx.add.f32.msk $0xffff, v11  }
0xe0: {  	[tilespmem:v50+s17+$0x0] =	vst.idx.add.f32.msk $0xffff, v13  }
0xe1: {  	[tilespmem:v51+s17+$0x0] =	vst.idx.add.f32.msk $0xffff, v14  }
0xe2: {  	v7 =	vld.idx.msk [tilespmem:v10+s2+$0x0], $0xffff  }
0xe3: {  	v1 =	vld.idx.msk [tilespmem:v1+s2+$0x0], $0xffff  }
0xe4: {  	v2 =	vld.idx.msk [tilespmem:v2+s2+$0x0], $0xffff  }
0xe5: {  	v3 =	vld.idx.msk [tilespmem:v3+s2+$0x0], $0xffff  }
0xe6: {  	v4 =	vld.idx.msk [tilespmem:v4+s2+$0x0], $0xffff  }
0xe7: {  	v5 =	vld.idx.msk [tilespmem:v5+s2+$0x0], $0xffff  }
0xe8: {  	v6 =	vld.idx.msk [tilespmem:v6+s2+$0x0], $0xffff  }
0xe9: {  	[tilespmem:v39+s17+$0x0] =	vst.idx.add.f32.msk $0xffff, v7  }
0xea: {  	[tilespmem:v43+s17+$0x0] =	vst.idx.add.f32.msk $0xffff, v1  }
.Ltmp3:
0xeb: {  	[tilespmem:v48+s17+$0x0] =	vst.idx.add.f32.msk $0xffff, v2;
	(pc) =	sbr.rel @p0 .LBB2_5-.Ltmp3, $4  }
0xec: {  	[tilespmem:v49+s17+$0x0] =	vst.idx.add.f32.msk $0xffff, v3  }
0xed: {  	[tilespmem:v23+s17+$0x0] =	vst.idx.add.f32.msk $0xffff, v4  }
0xee: {  	[tilespmem:v26+s17+$0x0] =	vst.idx.add.f32.msk $0xffff, v5  }
0xef: {  	s24 =	sadd.s32 $0x80, s24;
	[tilespmem:v28+s17+$0x0] =	vst.idx.add.f32.msk $0xffff, v6  }
0xf0: {  	p0 =	seq.s32 s21, $0x18  }
0xf1: {  	s22 =	smul.u32 @!p0 $0x3200, s21;
	_ =	sdelay $0x1  }
0xf2: {  	s22 =	sshrl.u32 @!p0 s22, $0x3  }
0xf3: {  	s22 =	sadd.s32 @!p0 $0x640, s22  }
0xf4: {  	s24 =	simm.s32 @!p0 $0x0;
	s25 =	simm.s32 @!p0 $0x13900;
	s23 =	sadd.s32 @!p0 s3, s22  }
0xf5: {  	[tilespmem:s25], [sflag:$0x1] =	stream.linear.gather @!p0 [hbm4b:s23+s24], $0x1900, $0x38;
	[tilespmem:$0x19D00] =	vst v63  }
0xf6: {  	s22 =	sadd.s32 @!p0 s4, s22;
	s23 =	simm.s32 @!p0 $0x16B00  }
0xf7: {  	[tilespmem:s23], [sflag:$0x3] =	stream.linear.gather @!p0 [hbm4b:s22+s24], $0x1900, $0x38;
	[tilespmem:$0x19D00] =	vst v63  }
0xf8: {  	_ =	swait.ge [sflag:s18], $0x1900  }
0xf9: {  	[sflag:s18] =	ssyncset.done $0x0  }
0xfa: {  	[sflag:s18] =	ssyncadd.s32 $0xFFFFE700  }
0xfb: {  	_ =	swait.ge [sflag:s19], $0x1900  }
0xfc: {  	[sflag:s19] =	ssyncset.done $0x0  }
0xfd: {  	s31 =	simm.s32 $0x15240;
	[sflag:s19] =	ssyncadd.s32 $0xFFFFE700  }
0xfe: {  	v1 =	vld [tilespmem:s31+$0x30]  }
0xff: {  	v2 =	vld [tilespmem:s31+$0xFFFFFFD0]  }
0x100: {  	v3 =	vld [tilespmem:s31+$0xFFFFFFE0]  }
0x101: {  	v4 =	vld [tilespmem:s31+$0xFFFFFFF0]  }
0x102: {  	v5 =	vld [tilespmem:s31+$0x0]  }
0x103: {  	s22 =	simm.s32 $0x18440;
	v6 =	vld [tilespmem:s31+$0x10]  }
0x104: {  	v7 =	vld [tilespmem:s22+$0x30]  }
0x105: {  	v8 =	vld [tilespmem:s31+$0x20]  }
0x106: {  	v10 =	vld [tilespmem:s31+$0xFFFFFFC0]  }
0x107: {  	v20 =	vld [tilespmem:s22+$0xFFFFFFC0]  }
0x108: {  	v21 =	vld [tilespmem:s22+$0xFFFFFFD0]  }
0x109: {  	v63 =	vld [tilespmem:s22+$0xFFFFFFE0]  }
0x10a: {  	v22 =	vld [tilespmem:s22+$0xFFFFFFF0]  }
0x10b: {  	v23 =	vld [tilespmem:s22+$0x0]  }
0x10c: {  	v24 =	vld [tilespmem:s22+$0x10]  }
0x10d: {  	v25 =	vld [tilespmem:s22+$0x20]  }
0x10e: {  	v9 =	vld.idx.msk [tilespmem:v1+s2+$0x0], $0xffff  }
0x10f: {  	v11 =	vld.idx.msk [tilespmem:v2+s2+$0x0], $0xffff  }
0x110: {  	v13 =	vld.idx.msk [tilespmem:v3+s2+$0x0], $0xffff  }
0x111: {  	v14 =	vld.idx.msk [tilespmem:v4+s2+$0x0], $0xffff  }
0x112: {  	v17 =	vld.idx.msk [tilespmem:v10+s2+$0x0], $0xffff  }
0x113: {  	v15 =	vld.idx.msk [tilespmem:v5+s2+$0x0], $0xffff  }
0x114: {  	v62 =	vld.idx.msk [tilespmem:v6+s2+$0x0], $0xffff  }
0x115: {  	v19 =	vld.idx.msk [tilespmem:v8+s2+$0x0], $0xffff  }
0x116: {  	[tilespmem:v7+s17+$0x0] =	vst.idx.add.f32.msk $0xffff, v9  }
0x117: {  	v12 =	vadd.s32 $0x2710, v1;
	[tilespmem:v20+s17+$0x0] =	vst.idx.add.f32.msk $0xffff, v17  }
0x118: {  	[tilespmem:v21+s17+$0x0] =	vst.idx.add.f32.msk $0xffff, v11  }
0x119: {  	[tilespmem:v63+s17+$0x0] =	vst.idx.add.f32.msk $0xffff, v13  }
0x11a: {  	v30 =	vadd.s32 $0x2710, v2;
	[tilespmem:v22+s17+$0x0] =	vst.idx.add.f32.msk $0xffff, v14  }
0x11b: {  	v31 =	vadd.s32 $0x2710, v3;
	[tilespmem:v23+s17+$0x0] =	vst.idx.add.f32.msk $0xffff, v15  }
0x11c: {  	v16 =	vadd.s32 $0x2710, v7;
	v9 =	vld.idx.msk [tilespmem:v12+s2+$0x0], $0xffff  }
0x11d: {  	v18 =	vadd.s32 $0x4E20, v1;
	[tilespmem:v24+s17+$0x0] =	vst.idx.add.f32.msk $0xffff, v62  }
0x11e: {  	v33 =	vadd.s32 $0x2710, v6;
	[tilespmem:v25+s17+$0x0] =	vst.idx.add.f32.msk $0xffff, v19  }
0x11f: {  	v34 =	vadd.s32 $0x2710, v8;
	v11 =	vld.idx.msk [tilespmem:v30+s2+$0x0], $0xffff  }
0x120: {  	v36 =	vadd.s32 $0x2710, v21;
	v13 =	vld.idx.msk [tilespmem:v31+s2+$0x0], $0xffff  }
0x121: {  	v37 =	vadd.s32 $0x2710, v63;
	[tilespmem:v16+s17+$0x0] =	vst.idx.add.f32.msk $0xffff, v9  }
0x122: {  	v28 =	vadd.s32 $0x4E20, v7;
	v9 =	vld.idx.msk [tilespmem:v18+s2+$0x0], $0xffff  }
0x123: {  	v1 =	vadd.s32 $0x7530, v1;
	v12 =	vld.idx.msk [tilespmem:v33+s2+$0x0], $0xffff  }
0x124: {  	v27 =	vadd.s32 $0x2710, v24;
	v14 =	vld.idx.msk [tilespmem:v34+s2+$0x0], $0xffff  }
0x125: {  	v41 =	vadd.s32 $0x4E20, v2;
	[tilespmem:v36+s17+$0x0] =	vst.idx.add.f32.msk $0xffff, v11  }
0x126: {  	v29 =	vadd.s32 $0x2710, v10;
	[tilespmem:v37+s17+$0x0] =	vst.idx.add.f32.msk $0xffff, v13  }
0x127: {  	v39 =	vadd.s32 $0x2710, v25;
	[tilespmem:v28+s17+$0x0] =	vst.idx.add.f32.msk $0xffff, v9  }
0x128: {  	v7 =	vadd.s32 $0x7530, v7;
	v1 =	vld.idx.msk [tilespmem:v1+s2+$0x0], $0xffff  }
0x129: {  	v45 =	vadd.s32 $0x4E20, v8;
	[tilespmem:v27+s17+$0x0] =	vst.idx.add.f32.msk $0xffff, v12  }
0x12a: {  	v47 =	vadd.s32 $0x4E20, v21;
	v13 =	vld.idx.msk [tilespmem:v41+s2+$0x0], $0xffff  }
0x12b: {  	v35 =	vadd.s32 $0x2710, v20;
	v9 =	vld.idx.msk [tilespmem:v29+s2+$0x0], $0xffff  }
0x12c: {  	v44 =	vadd.s32 $0x4E20, v6;
	[tilespmem:v39+s17+$0x0] =	vst.idx.add.f32.msk $0xffff, v14  }
0x12d: {  	[tilespmem:v7+s17+$0x0] =	vst.idx.add.f32.msk $0xffff, v1;
	v1 =	vadd.s32 $0x2710, v4  }
0x12e: {  	v32 =	vadd.s32 $0x2710, v5;
	v14 =	vld.idx.msk [tilespmem:v45+s2+$0x0], $0xffff  }
0x12f: {  	v40 =	vadd.s32 $0x4E20, v10;
	[tilespmem:v47+s17+$0x0] =	vst.idx.add.f32.msk $0xffff, v13  }
0x130: {  	v52 =	vadd.s32 $0x4E20, v25;
	[tilespmem:v35+s17+$0x0] =	vst.idx.add.f32.msk $0xffff, v9  }
0x131: {  	v51 =	vadd.s32 $0x4E20, v24;
	v9 =	vld.idx.msk [tilespmem:v44+s2+$0x0], $0xffff  }
0x132: {  	v38 =	vadd.s32 $0x2710, v22;
	v1 =	vld.idx.msk [tilespmem:v1+s2+$0x0], $0xffff  }
0x133: {  	v26 =	vadd.s32 $0x2710, v23;
	v7 =	vld.idx.msk [tilespmem:v32+s2+$0x0], $0xffff  }
0x134: {  	v46 =	vadd.s32 $0x4E20, v20;
	v11 =	vld.idx.msk [tilespmem:v40+s2+$0x0], $0xffff  }
0x135: {  	v54 =	vadd.s32 $0x7530, v6;
	[tilespmem:v52+s17+$0x0] =	vst.idx.add.f32.msk $0xffff, v14  }
0x136: {  	v43 =	vadd.s32 $0x4E20, v5;
	[tilespmem:v51+s17+$0x0] =	vst.idx.add.f32.msk $0xffff, v9  }
0x137: {  	[tilespmem:v38+s17+$0x0] =	vst.idx.add.f32.msk $0xffff, v1;
	v1 =	vadd.s32 $0x4E20, v3  }
0x138: {  	v10 =	vadd.s32 $0x7530, v10;
	[tilespmem:v26+s17+$0x0] =	vst.idx.add.f32.msk $0xffff, v7  }
0x139: {  	v42 =	vadd.s32 $0x4E20, v4;
	[tilespmem:v46+s17+$0x0] =	vst.idx.add.f32.msk $0xffff, v11  }
0x13a: {  	v53 =	vadd.s32 $0x7530, v5;
	v62 =	vadd.s32 $0x7530, v24;
	v5 =	vld.idx.msk [tilespmem:v54+s2+$0x0], $0xffff  }
0x13b: {  	v50 =	vadd.s32 $0x4E20, v23;
	v12 =	vld.idx.msk [tilespmem:v43+s2+$0x0], $0xffff  }
0x13c: {  	v48 =	vadd.s32 $0x4E20, v63;
	v1 =	vld.idx.msk [tilespmem:v1+s2+$0x0], $0xffff  }
0x13d: {  	v57 =	vadd.s32 $0x7530, v20;
	v55 =	vld.idx.msk [tilespmem:v10+s2+$0x0], $0xffff  }
0x13e: {  	v49 =	vadd.s32 $0x4E20, v22;
	v7 =	vld.idx.msk [tilespmem:v42+s2+$0x0], $0xffff  }
0x13f: {  	v56 =	vadd.s32 $0x7530, v8;
	[tilespmem:v62+s17+$0x0] =	vst.idx.add.f32.msk $0xffff, v5  }
0x140: {  	[tilespmem:v50+s17+$0x0] =	vst.idx.add.f32.msk $0xffff, v12  }
0x141: {  	[tilespmem:v48+s17+$0x0] =	vst.idx.add.f32.msk $0xffff, v1;
	v1 =	vadd.s32 $0x7530, v2  }
0x142: {  	[tilespmem:v57+s17+$0x0] =	vst.idx.add.f32.msk $0xffff, v55;
	v2 =	vadd.s32 $0x7530, v3  }
0x143: {  	[tilespmem:v49+s17+$0x0] =	vst.idx.add.f32.msk $0xffff, v7;
	v3 =	vadd.s32 $0x7530, v4  }
0x144: {  	v59 =	vadd.s32 $0x7530, v63;
	v63 =	vadd.s32 $0x7530, v25;
	v7 =	vld.idx.msk [tilespmem:v56+s2+$0x0], $0xffff  }
0x145: {  	v61 =	vadd.s32 $0x7530, v23;
	v4 =	vld.idx.msk [tilespmem:v53+s2+$0x0], $0xffff  }
0x146: {  	v58 =	vadd.s32 $0x7530, v21;
	v1 =	vld.idx.msk [tilespmem:v1+s2+$0x0], $0xffff  }
0x147: {  	v2 =	vld.idx.msk [tilespmem:v2+s2+$0x0], $0xffff  }
0x148: {  	v60 =	vadd.s32 $0x7530, v22;
	v3 =	vld.idx.msk [tilespmem:v3+s2+$0x0], $0xffff  }
0x149: {  	[tilespmem:v63+s17+$0x0] =	vst.idx.add.f32.msk $0xffff, v7  }
0x14a: {  	[tilespmem:v61+s17+$0x0] =	vst.idx.add.f32.msk $0xffff, v4  }
0x14b: {  	[tilespmem:v58+s17+$0x0] =	vst.idx.add.f32.msk $0xffff, v1  }
0x14c: {  	[tilespmem:v59+s17+$0x0] =	vst.idx.add.f32.msk $0xffff, v2  }
0x14d: {  	s23 =	simm.s32 $0x0;
	s24 =	simm.s32 $0x152C0;
	[tilespmem:v60+s17+$0x0] =	vst.idx.add.f32.msk $0xffff, v3  }
.LBB2_7:
0x14e: {  	v12 =	vld [tilespmem:s24+$0x30];
	s23 =	sadd.s32 $0x8, s23  }
0x14f: {  	v5 =	vld [tilespmem:s24+$0xFFFFFFD0];
	p1 =	slt.u32 s23, $0x188  }
0x150: {  	v6 =	vld [tilespmem:s24+$0xFFFFFFE0]  }
0x151: {  	v10 =	vld [tilespmem:s24+$0xFFFFFFF0]  }
0x152: {  	v13 =	vld [tilespmem:s24+$0x0]  }
0x153: {  	s22 =	sadd.s32 $0x80, s22;
	v14 =	vld [tilespmem:s24+$0x10]  }
0x154: {  	v15 =	vadd.s32 $0x2710, v5;
	v7 =	vadd.s32 $0x4E20, v5;
	v1 =	vadd.s32 $0x7530, v5;
	v16 =	vld [tilespmem:s22+$0x30]  }
0x155: {  	v17 =	vadd.s32 $0x2710, v6;
	v8 =	vadd.s32 $0x4E20, v6;
	v2 =	vadd.s32 $0x7530, v6;
	v18 =	vld [tilespmem:s24+$0x20]  }
0x156: {  	v19 =	vadd.s32 $0x2710, v10;
	v9 =	vadd.s32 $0x4E20, v10;
	v3 =	vadd.s32 $0x7530, v10;
	v20 =	vld.idx.msk [tilespmem:v12+s2+$0x0], $0xffff  }
0x157: {  	v21 =	vld [tilespmem:s24+$0xFFFFFFC0];
	v22 =	vadd.s32 $0x2710, v13;
	v11 =	vadd.s32 $0x4E20, v13;
	v4 =	vadd.s32 $0x7530, v13  }
0x158: {  	v26 =	vadd.s32 $0x2710, v12;
	v23 =	vld.idx.msk [tilespmem:v5+s2+$0x0], $0xffff;
	v24 =	vadd.s32 $0x2710, v14;
	v25 =	vadd.s32 $0x4E20, v14  }
0x159: {  	v5 =	vadd.s32 $0x7530, v14;
	v27 =	vld.idx.msk [tilespmem:v6+s2+$0x0], $0xffff  }
0x15a: {  	v28 =	vld.idx.msk [tilespmem:v10+s2+$0x0], $0xffff;
	v29 =	vadd.s32 $0x2710, v18;
	v30 =	vadd.s32 $0x4E20, v18;
	v6 =	vadd.s32 $0x7530, v18  }
0x15b: {  	v13 =	vld.idx.msk [tilespmem:v13+s2+$0x0], $0xffff  }
0x15c: {  	v31 =	vadd.s32 $0x2710, v21;
	v32 =	vadd.s32 $0x4E20, v21;
	v10 =	vadd.s32 $0x7530, v21;
	[tilespmem:v16+s17+$0x0] =	vst.idx.add.f32.msk $0xffff, v20  }
0x15d: {  	v20 =	vld.idx.msk [tilespmem:v26+s2+$0x0], $0xffff  }
0x15e: {  	v26 =	vadd.s32 $0x2710, v16;
	v14 =	vld.idx.msk [tilespmem:v14+s2+$0x0], $0xffff  }
0x15f: {  	v33 =	vadd.s32 $0x4E20, v12;
	v21 =	vld.idx.msk [tilespmem:v21+s2+$0x0], $0xffff  }
0x160: {  	v18 =	vld.idx.msk [tilespmem:v18+s2+$0x0], $0xffff  }
0x161: {  	v34 =	vld [tilespmem:s22+$0xFFFFFFC0]  }
0x162: {  	v35 =	vld [tilespmem:s22+$0xFFFFFFD0]  }
0x163: {  	[tilespmem:v26+s17+$0x0] =	vst.idx.add.f32.msk $0xffff, v20  }
0x164: {  	v20 =	vld.idx.msk [tilespmem:v33+s2+$0x0], $0xffff  }
0x165: {  	v33 =	vadd.s32 $0x4E20, v16;
	v26 =	vld [tilespmem:s22+$0xFFFFFFE0]  }
0x166: {  	v12 =	vadd.s32 $0x7530, v12;
	v36 =	vadd.s32 $0x2710, v34;
	v37 =	vadd.s32 $0x4E20, v34;
	v38 =	vld [tilespmem:s22+$0xFFFFFFF0]  }
0x167: {  	v39 =	vadd.s32 $0x7530, v34;
	v40 =	vadd.s32 $0x2710, v35;
	v41 =	vadd.s32 $0x4E20, v35;
	v42 =	vld [tilespmem:s22+$0x0]  }
0x168: {  	v43 =	vadd.s32 $0x7530, v35;
	v44 =	vld [tilespmem:s22+$0x10]  }
0x169: {  	v45 =	vld [tilespmem:s22+$0x20]  }
0x16a: {  	v46 =	vadd.s32 $0x2710, v26;
	v47 =	vadd.s32 $0x4E20, v26;
	v48 =	vadd.s32 $0x7530, v26;
	[tilespmem:v33+s17+$0x0] =	vst.idx.add.f32.msk $0xffff, v20  }
0x16b: {  	v20 =	vadd.s32 $0x2710, v38;
	v33 =	vadd.s32 $0x4E20, v38;
	v49 =	vadd.s32 $0x7530, v38;
	v12 =	vld.idx.msk [tilespmem:v12+s2+$0x0], $0xffff  }
0x16c: {  	v16 =	vadd.s32 $0x7530, v16;
	[tilespmem:v34+s17+$0x0] =	vst.idx.add.f32.msk $0xffff, v21;
	v21 =	vadd.s32 $0x2710, v42;
	v34 =	vadd.s32 $0x4E20, v42  }
0x16d: {  	[tilespmem:v35+s17+$0x0] =	vst.idx.add.f32.msk $0xffff, v23;
	v23 =	vadd.s32 $0x7530, v42;
	v35 =	vadd.s32 $0x2710, v44;
	v50 =	vadd.s32 $0x4E20, v44  }
0x16e: {  	[tilespmem:v26+s17+$0x0] =	vst.idx.add.f32.msk $0xffff, v27;
	v26 =	vadd.s32 $0x7530, v44;
	v27 =	vadd.s32 $0x2710, v45;
	v51 =	vadd.s32 $0x4E20, v45  }
0x16f: {  	[tilespmem:v38+s17+$0x0] =	vst.idx.add.f32.msk $0xffff, v28;
	v28 =	vadd.s32 $0x7530, v45  }
0x170: {  	[tilespmem:v42+s17+$0x0] =	vst.idx.add.f32.msk $0xffff, v13  }
0x171: {  	[tilespmem:v16+s17+$0x0] =	vst.idx.add.f32.msk $0xffff, v12  }
0x172: {  	[tilespmem:v44+s17+$0x0] =	vst.idx.add.f32.msk $0xffff, v14  }
0x173: {  	[tilespmem:v45+s17+$0x0] =	vst.idx.add.f32.msk $0xffff, v18  }
0x174: {  	v12 =	vld.idx.msk [tilespmem:v31+s2+$0x0], $0xffff  }
0x175: {  	v13 =	vld.idx.msk [tilespmem:v15+s2+$0x0], $0xffff  }
0x176: {  	v14 =	vld.idx.msk [tilespmem:v17+s2+$0x0], $0xffff  }
0x177: {  	v15 =	vld.idx.msk [tilespmem:v19+s2+$0x0], $0xffff  }
0x178: {  	v16 =	vld.idx.msk [tilespmem:v22+s2+$0x0], $0xffff  }
0x179: {  	v17 =	vld.idx.msk [tilespmem:v24+s2+$0x0], $0xffff  }
0x17a: {  	v18 =	vld.idx.msk [tilespmem:v29+s2+$0x0], $0xffff  }
0x17b: {  	[tilespmem:v36+s17+$0x0] =	vst.idx.add.f32.msk $0xffff, v12  }
0x17c: {  	[tilespmem:v40+s17+$0x0] =	vst.idx.add.f32.msk $0xffff, v13  }
0x17d: {  	[tilespmem:v46+s17+$0x0] =	vst.idx.add.f32.msk $0xffff, v14  }
0x17e: {  	[tilespmem:v20+s17+$0x0] =	vst.idx.add.f32.msk $0xffff, v15  }
0x17f: {  	[tilespmem:v21+s17+$0x0] =	vst.idx.add.f32.msk $0xffff, v16  }
0x180: {  	[tilespmem:v35+s17+$0x0] =	vst.idx.add.f32.msk $0xffff, v17  }
0x181: {  	[tilespmem:v27+s17+$0x0] =	vst.idx.add.f32.msk $0xffff, v18  }
0x182: {  	v12 =	vld.idx.msk [tilespmem:v32+s2+$0x0], $0xffff  }
0x183: {  	v7 =	vld.idx.msk [tilespmem:v7+s2+$0x0], $0xffff  }
0x184: {  	v8 =	vld.idx.msk [tilespmem:v8+s2+$0x0], $0xffff  }
0x185: {  	v9 =	vld.idx.msk [tilespmem:v9+s2+$0x0], $0xffff  }
0x186: {  	v11 =	vld.idx.msk [tilespmem:v11+s2+$0x0], $0xffff  }
0x187: {  	v13 =	vld.idx.msk [tilespmem:v25+s2+$0x0], $0xffff  }
0x188: {  	v14 =	vld.idx.msk [tilespmem:v30+s2+$0x0], $0xffff  }
0x189: {  	[tilespmem:v37+s17+$0x0] =	vst.idx.add.f32.msk $0xffff, v12  }
0x18a: {  	[tilespmem:v41+s17+$0x0] =	vst.idx.add.f32.msk $0xffff, v7  }
0x18b: {  	[tilespmem:v47+s17+$0x0] =	vst.idx.add.f32.msk $0xffff, v8  }
0x18c: {  	[tilespmem:v33+s17+$0x0] =	vst.idx.add.f32.msk $0xffff, v9  }
0x18d: {  	[tilespmem:v34+s17+$0x0] =	vst.idx.add.f32.msk $0xffff, v11  }
0x18e: {  	[tilespmem:v50+s17+$0x0] =	vst.idx.add.f32.msk $0xffff, v13  }
0x18f: {  	[tilespmem:v51+s17+$0x0] =	vst.idx.add.f32.msk $0xffff, v14  }
0x190: {  	v7 =	vld.idx.msk [tilespmem:v10+s2+$0x0], $0xffff  }
0x191: {  	v1 =	vld.idx.msk [tilespmem:v1+s2+$0x0], $0xffff  }
0x192: {  	v2 =	vld.idx.msk [tilespmem:v2+s2+$0x0], $0xffff  }
0x193: {  	v3 =	vld.idx.msk [tilespmem:v3+s2+$0x0], $0xffff  }
0x194: {  	v4 =	vld.idx.msk [tilespmem:v4+s2+$0x0], $0xffff  }
0x195: {  	v5 =	vld.idx.msk [tilespmem:v5+s2+$0x0], $0xffff  }
0x196: {  	v6 =	vld.idx.msk [tilespmem:v6+s2+$0x0], $0xffff  }
0x197: {  	[tilespmem:v39+s17+$0x0] =	vst.idx.add.f32.msk $0xffff, v7  }
0x198: {  	[tilespmem:v43+s17+$0x0] =	vst.idx.add.f32.msk $0xffff, v1  }
.Ltmp4:
0x199: {  	[tilespmem:v48+s17+$0x0] =	vst.idx.add.f32.msk $0xffff, v2;
	(pc) =	sbr.rel @p1 .LBB2_7-.Ltmp4, $4  }
0x19a: {  	[tilespmem:v49+s17+$0x0] =	vst.idx.add.f32.msk $0xffff, v3  }
0x19b: {  	[tilespmem:v23+s17+$0x0] =	vst.idx.add.f32.msk $0xffff, v4  }
0x19c: {  	[tilespmem:v26+s17+$0x0] =	vst.idx.add.f32.msk $0xffff, v5  }
0x19d: {  	s24 =	sadd.s32 $0x80, s24;
	[tilespmem:v28+s17+$0x0] =	vst.idx.add.f32.msk $0xffff, v6  }
.Ltmp5:
0x19e: {  	(pc) =	sbr.rel @p0 .LBB2_10-.Ltmp5, $1  }
0x19f: {  	_ =	sdelay $0x3  }
0x1a0: {  	s22 =	smul.u32 $0x3200, s21;
	_ =	sdelay $0x1  }
0x1a1: {  	s22 =	sshrl.u32 s22, $0x3  }
.Ltmp6:
0x1a2: {  	s22 =	sadd.s32 $0x960, s22;
	(pc) =	sbr.rel .LBB2_4-.Ltmp6, $4  }
0x1a3: {  	s23 =	sadd.s32 s3, s22  }
0x1a4: {  	[tilespmem:s12], [sflag:$0x2] =	stream.linear.gather [hbm4b:s23+s2], $0x1900, $0x38;
	[tilespmem:$0x19D00] =	vst v63  }
0x1a5: {  	s21 =	sadd.s32 $0x1, s21;
	s22 =	sadd.s32 s4, s22  }
0x1a6: {  	[tilespmem:s13], [sflag:$0x4] =	stream.linear.gather [hbm4b:s22+s2], $0x1900, $0x38;
	[tilespmem:$0x19D00] =	vst v63  }
.LBB2_11:
0x1a7: {  	_ =	sfence.sel $0x180000  }
0x1a8: {  	[bflag:$0x0] =	sbarrier.arrive $0xFFFF  }
0x1a9: {  	p0 =	sne.s32 s1, $0x0;
	_ =	strace $0x9000004A  }
0x1aa: {  	s0 =	sadd.s32 @!p0 $0x100000, s0;
	[bflag:$0x2] =	sbarrier.arrive $0xFFFF  }
0x1ab: {  	[sflag:s0] =	ssyncadd.tile.s32 @!p0 $0x1;
	_ =	shalt  }
.Lfunc_end2:
_tile_overlayer_lowered:
.L_overlay_start_2:
0x1ac: {  	(tag) =	ssettag $0x2  }
0x1ad: {  	s0 =	rddreg [dreg:$0x0];
	s2 =	stileid.u32  }
0x1ae: {  	s1 =	rddreg [dreg:$0x1];
	p0 =	sne.s32 s2, $0x0  }
0x1af: {  	s3 =	rddreg [dreg:$0x2];
	[bflag:$0x3] =	sbarrier.arrive $0xFFFF;
	s2 =	simm.s32 @!p0 $0x1C05  }
0x1b0: {  	[timem:s3], [sflag:s2] =	dma.local @!p0 [hbm:s0], s1  }
0x1b1: {  	s0 =	simm.s32 @!p0 $0x5  }
0x1b2: {  	_ =	swait.ge @!p0 [sflag:s0], s1  }
0x1b3: {  	s1 =	ssub.s32 @!p0 $0x0, s1;
	[sflag:s0] =	ssyncset.done @!p0 $0x0  }
0x1b4: {  	[sflag:s0] =	ssyncadd.s32 @!p0 s1  }
0x1b5: {  	[bflag:$0x3] =	sbarrier.arrive $0xFFFF  }
0x1b6: {  	_ =	shalt  }

// kernel: kernel.15.cloned.1.call-start
scs
__scs_entry_jumppad:
0x0: {  	(pc) =	sbr.rel $0x88, $3  }
0x1: {  	(tag) =	ssettag $0x0;
	lr =	simm.s32 $0x1  }
0x2: {  	[smem:$0x3F8D] =	sst lr;
	_ =	strace $0xD0000000  }
0x3: {  	_ = 	snop  }
0x4: {  	_ = 	snop  }
0x5: {  	_ = 	snop  }
0x6: {  	_ = 	snop  }
0x7: {  	_ = 	snop  }
__scs_overlays_trampoline_lowered:
0x8: {  	[smem:$0x3F9C] =	sst s0  }
0x9: {  	[smem:$0x3F9D] =	sst s1  }
0xa: {  	[smem:$0x3F9E] =	sst s2  }
0xb: {  	[smem:$0x3F9F] =	sst s3  }
0xc: {  	[smem:$0x3FA0] =	sst s4  }
0xd: {  	[smem:$0x3FA1] =	sst s5  }
0xe: {  	[smem:$0x3FA2] =	sst s6  }
0xf: {  	[smem:$0x3FA3] =	sst s7  }
0x10: {  	[smem:$0x3FA4] =	sst s8  }
0x11: {  	[smem:$0x3FA5] =	sst s9;
	s0 =	simm.s32 @!p0 $0x0  }
0x12: {  	s1 =	sld [smem:$0x3F8B];
	s0 =	simm.s32 @p0 $0x1  }
0x13: {  	[smem:$0x3FA6] =	sst s0;
	s0 =	simm.s32 @!p1 $0x0  }
0x14: {  	s2 =	sld [smem:$0x3F8A];
	s0 =	simm.s32 @p1 $0x1  }
0x15: {  	[smem:$0x3FA7] =	sst s0;
	s0 =	simm.s32 @!p2 $0x0  }
0x16: {  	s3 =	sld [smem:$0x3FDB];
	s0 =	simm.s32 @p2 $0x1  }
0x17: {  	s4 =	simm.s32 $0x1BF5;
	[smem:$0x3FA9] =	sst s0  }
0x18: {  	s0 =	sld [smem:$0x3F8C];
	_ =	swait.ge [sflag:s4], $0x0  }
0x19: {  	s7 =	sld [smem:$0x3F8D]  }
0x1a: {  	s8 =	sadd.s32 $0xFFFFE003, lr  }
0x1b: {  	s9 =	sadd.s32 $0xFFFFFEF7, lr;
	s5 =	simm.s32 $0xFFFFFFFF;
	p2 =	slt.u32 s8, $0xFFFFF086  }
0x1c: {  	p1 =	slt.u32 s9, $0xF7A;
	s5 =	simm.s32 @!p2 $0x0  }
0x1d: {  	s5 =	simm.s32 @p1 $0x1;
	p0 =	seq.s32 s7, s2  }
0x1e: {  	s7 =	smul.u32 @!p0 $0xF7A, s2;
	p2 =	seq.s32 @!p0 s5, $0x0  }
0x1f: {  	s9 =	smul.u32 $0xF7A, s1;
	s8 =	simm.s32 @!p0 $0x1BF5;
	p2 =	por !p2, p0  }
0x20: {  	[sflag:s8] =	ssyncset.s32 @!p0 $0xFFFFF086;
	s6 =	sadd.s32 @!p0 s3, s7;
	s7 =	simm.s32 @!p0 $0x108  }
0x21: {  	s3 =	sadd.s32 s3, s9;
	s6 =	sadd.s32 @!p0 $0x88, s6;
	s7 =	simm.s32 @p2 $0x1082  }
0x22: {  	[simem:s7], [sflag:s8] =	dma.local @!p0 [hbm:s6], $0xF7A  }
0x23: {  	s9 =	sor.u32 $0xD0000000, s2;
	s6 =	simm.s32 $0x108;
	_ =	swait.ge @!p0 [sflag:s8], $0x0  }
0x24: {  	s3 =	sadd.s32 $0x88, s3;
	s6 =	simm.s32 @!p1 $0x1082;
	[sflag:s4] =	ssyncset.s32 $0xFFFFF086  }
0x25: {  	[simem:s6], [sflag:s4] =	dma.local [hbm:s3], $0xF7A  }
0x26: {  	[smem:$0x3F8D] =	sst s1;
	(tag) =	ssettag s2;
	_ =	strace s9  }
0x27: {  	s1 =	sld [smem:$0x3F9D]  }
0x28: {  	s2 =	sld [smem:$0x3F9E]  }
0x29: {  	s4 =	sld [smem:$0x3FA0]  }
0x2a: {  	p0 =	seq.s32 s5, $0x0;
	s5 =	sld [smem:$0x3FA1]  }
0x2b: {  	s6 =	sld [smem:$0x3FA2]  }
0x2c: {  	s7 =	sld [smem:$0x3FA3]  }
0x2d: {  	s3 =	simm.s32 $0x108;
	s8 =	sld [smem:$0x3FA4]  }
0x2e: {  	s3 =	simm.s32 @!p0 $0x1082;
	s9 =	sld [smem:$0x3FA5]  }
0x2f: {  	lr =	sadd.s32 s0, s3;
	s0 =	sld [smem:$0x3F9C]  }
0x30: {  	s3 =	sld [smem:$0x3F9F]  }
0x31: {  	[smem:$0x3FA8] =	sst s10  }
0x32: {  	s10 =	sld [smem:$0x3FA6];
	_ =	sdelay $0x3  }
0x33: {  	p0 =	seq.s32 s10, $0x1;
	s10 =	sld [smem:$0x3FA8];
	_ =	sdelay $0x3  }
0x34: {  	[smem:$0x3FA8] =	sst s10  }
0x35: {  	s10 =	sld [smem:$0x3FA7];
	_ =	sdelay $0x3  }
0x36: {  	p1 =	seq.s32 s10, $0x1;
	s10 =	sld [smem:$0x3FA8];
	_ =	sdelay $0x3  }
0x37: {  	[smem:$0x3FA8] =	sst s10  }
0x38: {  	s10 =	sld [smem:$0x3FA9]  }
0x39: {  	_ = 	snop;
	(pc) =	sbr.ind lr, $3  }
0x3a: {  	_ = 	snop  }
0x3b: {  	_ = 	snop  }
0x3c: {  	p2 =	seq.s32 s10, $0x1;
	s10 =	sld [smem:$0x3FA8]  }
0x3d: {  	_ =	shalt  }
0x3e: {  	_ =	shalt  }
0x3f: {  	_ =	shalt  }
0x40: {  	_ =	shalt  }
0x41: {  	_ =	shalt  }
0x42: {  	_ =	shalt  }
0x43: {  	_ =	shalt  }
0x44: {  	_ =	shalt  }
0x45: {  	_ =	shalt  }
0x46: {  	_ =	shalt  }
0x47: {  	_ =	shalt  }
0x48: {  	_ =	shalt  }
0x49: {  	_ =	shalt  }
0x4a: {  	_ =	shalt  }
0x4b: {  	_ =	shalt  }
0x4c: {  	_ =	shalt  }
0x4d: {  	_ =	shalt  }
0x4e: {  	_ =	shalt  }
0x4f: {  	_ =	shalt  }
0x50: {  	_ =	shalt  }
0x51: {  	_ =	shalt  }
0x52: {  	_ =	shalt  }
0x53: {  	_ =	shalt  }
0x54: {  	_ =	shalt  }
0x55: {  	_ =	shalt  }
0x56: {  	_ =	shalt  }
0x57: {  	_ =	shalt  }
0x58: {  	_ =	shalt  }
0x59: {  	_ =	shalt  }
0x5a: {  	_ =	shalt  }
0x5b: {  	_ =	shalt  }
0x5c: {  	_ =	shalt  }
0x5d: {  	_ =	shalt  }
0x5e: {  	_ =	shalt  }
0x5f: {  	_ =	shalt  }
0x60: {  	_ =	shalt  }
0x61: {  	_ =	shalt  }
0x62: {  	_ =	shalt  }
0x63: {  	_ =	shalt  }
0x64: {  	_ =	shalt  }
0x65: {  	_ =	shalt  }
0x66: {  	_ =	shalt  }
0x67: {  	_ =	shalt  }
0x68: {  	_ =	shalt  }
0x69: {  	_ =	shalt  }
0x6a: {  	_ =	shalt  }
0x6b: {  	_ =	shalt  }
0x6c: {  	_ =	shalt  }
0x6d: {  	_ =	shalt  }
0x6e: {  	_ =	shalt  }
0x6f: {  	_ =	shalt  }
0x70: {  	_ =	shalt  }
0x71: {  	_ =	shalt  }
0x72: {  	_ =	shalt  }
0x73: {  	_ =	shalt  }
0x74: {  	_ =	shalt  }
0x75: {  	_ =	shalt  }
0x76: {  	_ =	shalt  }
0x77: {  	_ =	shalt  }
0x78: {  	_ =	shalt  }
0x79: {  	_ =	shalt  }
0x7a: {  	_ =	shalt  }
0x7b: {  	_ =	shalt  }
0x7c: {  	_ =	shalt  }
0x7d: {  	_ =	shalt  }
0x7e: {  	_ =	shalt  }
0x7f: {  	_ =	shalt  }
0x80: {  	_ =	shalt  }
0x81: {  	_ =	shalt  }
0x82: {  	_ =	shalt  }
0x83: {  	_ =	shalt  }
0x84: {  	_ =	shalt  }
0x85: {  	_ =	shalt  }
0x86: {  	_ =	shalt  }
0x87: {  	_ =	shalt  }
.Lfunc_end0:
.L_simem_size_0:
called_computation.2_lowered:
.L_overlay_start_0:
0x88: {  	s2 =	sld [smem:$0x3FD9]  }
0x89: {  	s3 =	sld [smem:$0x3FFE];
	_ =	sdelay $0x1  }
0x8a: {  	s1 =	srdreg.scid  }
0x8b: {  	s0 =	sand.u32 $0x1, s1  }
0x8c: {  	s17 =	sshll.u32 s0, $0xA;
	s2 =	sadd.s32 s3, s2  }
0x8d: {  	s2 =	sadd.s32 s2, s17  }
0x8e: {  	[smem:$0x3FB4] =	sst s2  }
0x8f: {  	_ = 	snop  }
0x90: {  	s2 =	sld [smem:$0x3FD0];
	(tm) =	ssettm $0x1  }
0x91: {  	s18 =	sld [smem:$0x3FFB];
	_ =	sdelay $0x3  }
0x92: {  	_ =	strace s18  }
0x93: {  	s3 =	sld [smem:$0x3FFC];
	_ =	sdelay $0x3  }
0x94: {  	_ =	strace s3  }
0x95: {  	s3 =	sld [smem:$0x3FFD];
	_ =	sdelay $0x3  }
0x96: {  	_ =	strace s3  }
0x97: {  	_ =	strace $0x8FFFFFFF  }
0x98: {  	s19 =	sld [smem:$0x3FDB];
	_ =	sdelay $0x1  }
0x99: {  	s4 =	simm.s32 $_scs_section_size  }
0x9a: {  	s5 =	simm.s32 $_size__tile_overlayer_lowered;
	s6 =	simm.s32 $_tile_overlayer_lowered  }
0x9b: {  	s22 =	simm.s32 $0x1BFF;
	s21 =	sshll.u32 s6, $0x1;
	s3 =	sadd.s32 s4, s19  }
0x9c: {  	s7 =	simm.s32 $0x0;
	s20 =	sshll.u32 s5, $0x1;
	s5 =	sadd.s32 s21, s3  }
0x9d: {  	[timem:s7], [sflag:s22] =	dma.local [hbm:s5], s20  }
0x9e: {  	_ =	swait.ge [sflag:s22], s20  }
0x9f: {  	s4 =	ssub.s32 $0x0, s20;
	[sflag:s22] =	ssyncset.done $0x0  }
0xa0: {  	[sflag:s22] =	ssyncadd.s32 s4;
	_ =	sdelay $0x1  }
0xa1: {  	s23 =	simm.s32 $0x1B8B  }
0xa2: {  	_ =	swait.ge [sflag:s23], $0x1  }
0xa3: {  	[sflag:s23] =	ssyncset.done $0x0  }
0xa4: {  	s25 =	simm.s32 $0x1B8E;
	s24 =	sld [smem:$0x3FFE];
	[sflag:s23] =	ssyncadd.s32 $0xFFFFFFFF  }
0xa5: {  	s26 =	simm.s32 $execute0_lowered;
	[smem:$0x3FD2] =	sst s25  }
0xa6: {  	s5 =	sshll.u32 s26, $0x1;
	_ =	strace $0x8000004C;
	[dreg:$0x1] =	wrdreg $0xFFFFFFFF  }
0xa7: {  	s28 =	simm.s32 $_size_execute0_lowered;
	s3 =	sadd.s32 s3, s5;
	[dreg:$0x0] =	wrdreg $0x0  }
0xa8: {  	s5 =	sshll.u32 s28, $0x1;
	[dreg:$0x2] =	wrdreg s3  }
0xa9: {  	[dreg:$0x3] =	wrdreg s5  }
0xaa: {  	[dreg:$0x4] =	wrdreg $0xC0  }
0xab: {  	_ =	task [dreg:s7], $0x5FFFF  }
0xac: {  	[dreg:$0x1] =	wrdreg $0xFFFFFFFF  }
0xad: {  	[dreg:$0x0] =	wrdreg $0x60  }
0xae: {  	[dreg:$0x2] =	wrdreg s2  }
0xaf: {  	[dreg:$0x3] =	wrdreg s24  }
0xb0: {  	[dreg:$0x4] =	wrdreg $0x9  }
0xb1: {  	_ =	task.clear_ibuf [dreg:s7], $0x5FFFF;
	_ =	strace $0x9000004C  }
0xb2: {  	s29 =	simm.s32 $0x9;
	_ =	strace $0x8000004E  }
0xb3: {  	_ =	swait.ge [sflag:s29], $0x1  }
0xb4: {  	[sflag:s29] =	ssyncadd.s32 $0xFFFFFFFF  }
0xb5: {  	_ =	strace $0x9000004E  }
0xb6: {  	_ =	sfence  }
0xb7: {  	s30 =	sld [smem:$0x0];
	_ =	sdelay $0x2  }
0xb8: {  	s31 =	sshll.u32 s1, $0xD;
	s1 =	sshrl.u32 s1, $0x2  }
0xb9: {  	s3 =	sand.u32 $0x4000, s31;
	s1 =	sadd.s32 s1, s30  }
0xba: {  	s0 =	sor.u32 s3, s0;
	s1 =	sshll.u32 s1, $0x11  }
0xbb: {  	s0 =	sor.u32 s1, s0  }
0xbc: {  	s0 =	sadd.s32 $0x8F2B, s0  }
0xbd: {  	[sflag:s0] =	ssyncadd.remote.s32 $0x1  }
0xbe: {  	_ =	sfence.sel $0xFFFF  }
0xbf: {  	[dreg:$0x0] =	wrdreg $0xFFFFFFFF;
	(pc) =	sbr.abs _section_cstart, $3  }
0xc0: {  	[dreg:$0x1] =	wrdreg $0xFFFFFFFF  }
0xc1: {  	_ =	task.clear_ibuf [dreg:s7], $0x2FFFF;
	_ =	strace $0x9FFFFFFF  }
0xc2: {  	(tm) =	ssettm $0x7FFFFFFF  }
0xc3: {  	_ =	shalt  }
tec
execute0_lowered:
.L_overlay_start_1:
0x0: {  	(tag) =	ssettag $0x1  }
0x1: {  	s7 =	rddreg [dreg:$0x0]  }
0x2: {  	s6 =	rddreg [dreg:$0x1]  }
0x3: {  	s0 =	rddreg [dreg:$0x2]  }
0x4: {  	s3 =	srdreg.scid;
	s1 =	stileid.u32  }
0x5: {  	s2 =	simm.s32 $0x0;
	s11 =	simm.s32 $0x16B00;
	s12 =	simm.s32 $0x15200  }
0x6: {  	s13 =	simm.s32 $0x18400;
	s14 =	simm.s32 $0x5;
	s15 =	simm.s32 $0x1  }
0x7: {  	s16 =	simm.s32 $0x3;
	s17 =	simm.s32 $0x9C80;
	s18 =	simm.s32 $0x2  }
0x8: {  	s19 =	simm.s32 $0x4;
	s3 =	sand.u32 $0x1, s3;
	s4 =	sshll.u32 s1, $0x1  }
0x9: {  	s20 =	simm.s32 $0x0;
	[smem:$0x7FF] =	sst s2;
	s4 =	sor.u32 s3, s4  }
.Ltmp0:
0xa: {  	_ =	strace $0x8000004D;
	s5 =	ssub.s32 $0x2, s3;
	(pc) =	sbr.rel .LBB2_1-.Ltmp0, $4  }
0xb: {  	s3 =	sadd.s32 $0xCA00, s6;
	s8 =	smul.u32 $0x1388, s4;
	s9 =	sshrl.u32 s5, $0x1  }
0xc: {  	s4 =	sadd.s32 $0x2C00, s6;
	s9 =	ssub.s32 s5, s9;
	s5 =	sadd.s32 $0xCD20, s6  }
0xd: {  	s10 =	sadd.s32 s8, s6;
	s6 =	sadd.s32 $0x2F20, s6;
	s7 =	sadd.s32 s7, s8  }
0xe: {  	v0 =	vimm.f32 $0.0e+00;
	s9 =	smax.u32 s9, $0x1;
	s8 =	sadd.s32 $0x16800, s10;
	s10 =	simm.s32 $0x13900  }
.LBB2_10:
0xf: {  	s20 =	sadd.s32 $0x1, s20  }
0x10: {  	p0 =	sne.s32 s20, s9  }
.Ltmp1:
0x11: {  	_ = 	snop;
	(pc) =	sbr.rel @!p0 .LBB2_11-.Ltmp1, $4  }
0x12: {  	[hbm4b:s8+s2] =	stream.linear.scatter [tilespmem:s17], [sflag:$0x5], $0x9C40, $0x38;
	[tilespmem:$0x19D00] =	vst v63  }
0x13: {  	_ =	swait.ge [sflag:s14], $0x9C40  }
0x14: {  	[sflag:s14] =	ssyncset.done $0x0  }
0x15: {  	[sflag:s14] =	ssyncadd.s32 $0xFFFF63C0  }
.LBB2_1:
0x16: {  	[tilespmem:s10], [sflag:$0x1] =	stream.linear.gather [hbm4b:s3+s2], $0x1900, $0x38;
	[tilespmem:$0x19D00] =	vst v63  }
0x17: {  	_ = 	snop  }
0x18: {  	[tilespmem:s11], [sflag:$0x3] =	stream.linear.gather [hbm4b:s4+s2], $0x1900, $0x38;
	[tilespmem:$0x19D00] =	vst v63  }
0x19: {  	_ = 	snop  }
0x1a: {  	[tilespmem:s12], [sflag:$0x2] =	stream.linear.gather [hbm4b:s5+s2], $0x1900, $0x38;
	[tilespmem:$0x19D00] =	vst v63  }
0x1b: {  	_ = 	snop  }
0x1c: {  	[tilespmem:s13], [sflag:$0x4] =	stream.linear.gather [hbm4b:s6+s2], $0x1900, $0x38;
	[tilespmem:$0x19D00] =	vst v63  }
0x1d: {  	_ = 	snop  }
0x1e: {  	[tilespmem:s2], [sflag:$0x5] =	stream.linear.gather [hbm4b:s7+s2], $0x9C40, $0x38;
	[tilespmem:$0x19D00] =	vst v63  }
0x1f: {  	_ =	swait.ge [sflag:s14], $0x9C40  }
0x20: {  	[sflag:s14] =	ssyncset.done $0x0  }
0x21: {  	s21 =	simm.s32 $0x0;
	s22 =	simm.s32 $0x140;
	[sflag:s14] =	ssyncadd.s32 $0xFFFF63C0  }
.LBB2_2:
0x22: {  	p0 =	sne.s32 s22, $0x9B00;
	[tilespmem:s21+$0x111F0] =	vst v0  }
0x23: {  	[tilespmem:s21+$0x9C80] =	vst v0  }
0x24: {  	[tilespmem:s21+$0xC390] =	vst v0  }
0x25: {  	[tilespmem:s21+$0xEAA0] =	vst v0  }
0x26: {  	[tilespmem:s21+$0x111B0] =	vst v0  }
0x27: {  	[tilespmem:s21+$0x9C90] =	vst v0  }
0x28: {  	[tilespmem:s21+$0xC3A0] =	vst v0  }
0x29: {  	[tilespmem:s21+$0xEAB0] =	vst v0  }
0x2a: {  	[tilespmem:s21+$0x111C0] =	vst v0  }
0x2b: {  	[tilespmem:s21+$0x9CA0] =	vst v0  }
0x2c: {  	[tilespmem:s21+$0xC3B0] =	vst v0  }
0x2d: {  	[tilespmem:s21+$0xEAC0] =	vst v0  }
0x2e: {  	[tilespmem:s21+$0x111D0] =	vst v0  }
0x2f: {  	[tilespmem:s21+$0x9CB0] =	vst v0  }
0x30: {  	[tilespmem:s21+$0xC3C0] =	vst v0  }
.Ltmp2:
0x31: {  	[tilespmem:s21+$0xEAD0] =	vst v0;
	(pc) =	sbr.rel @p0 .LBB2_2-.Ltmp2, $4  }
0x32: {  	[tilespmem:s21+$0x111E0] =	vst v0  }
0x33: {  	[tilespmem:s21+$0x9CC0] =	vst v0  }
0x34: {  	[tilespmem:s21+$0xC3D0] =	vst v0  }
0x35: {  	[tilespmem:s21+$0xEAE0] =	vst v0;
	s21 =	sshra.s32 s22, $0x2;
	s22 =	sadd.s32 $0x140, s22  }
0x36: {  	[tilespmem:s21+$0x111F0] =	vst v0  }
0x37: {  	[tilespmem:s21+$0x9C80] =	vst v0  }
0x38: {  	[tilespmem:s21+$0xC390] =	vst v0  }
0x39: {  	[tilespmem:s21+$0xEAA0] =	vst v0  }
0x3a: {  	[tilespmem:s21+$0x111B0] =	vst v0  }
0x3b: {  	[tilespmem:s21+$0x9C90] =	vst v0  }
0x3c: {  	[tilespmem:s21+$0xC3A0] =	vst v0  }
0x3d: {  	[tilespmem:s21+$0xEAB0] =	vst v0  }
0x3e: {  	[tilespmem:s21+$0x111C0] =	vst v0  }
0x3f: {  	[tilespmem:s21+$0x9CA0] =	vst v0  }
0x40: {  	[tilespmem:s21+$0xC3B0] =	vst v0  }
0x41: {  	[tilespmem:s21+$0xEAC0] =	vst v0  }
0x42: {  	[tilespmem:s21+$0x111D0] =	vst v0  }
0x43: {  	[tilespmem:s21+$0x9CB0] =	vst v0  }
0x44: {  	[tilespmem:s21+$0xC3C0] =	vst v0  }
0x45: {  	[tilespmem:s21+$0xEAD0] =	vst v0  }
0x46: {  	[tilespmem:s21+$0x111E0] =	vst v0  }
0x47: {  	[tilespmem:s21+$0x9CC0] =	vst v0  }
0x48: {  	[tilespmem:s21+$0xC3D0] =	vst v0  }
0x49: {  	[tilespmem:s21+$0xEAE0] =	vst v0;
	s21 =	simm.s32 $0x0  }
.LBB2_4:
0x4a: {  	_ =	swait.ge [sflag:s15], $0x1900  }
0x4b: {  	[sflag:s15] =	ssyncset.done $0x0  }
0x4c: {  	[sflag:s15] =	ssyncadd.s32 $0xFFFFE700  }
0x4d: {  	_ =	swait.ge [sflag:s16], $0x1900  }
0x4e: {  	[sflag:s16] =	ssyncset.done $0x0  }
0x4f: {  	s23 =	simm.s32 $0x13940;
	[sflag:s16] =	ssyncadd.s32 $0xFFFFE700  }
0x50: {  	v1 =	vld [tilespmem:s23+$0x30]  }
0x51: {  	v2 =	vld [tilespmem:s23+$0xFFFFFFD0]  }
0x52: {  	v3 =	vld [tilespmem:s23+$0xFFFFFFE0]  }
0x53: {  	v4 =	vld [tilespmem:s23+$0xFFFFFFF0]  }
0x54: {  	v5 =	vld [tilespmem:s23+$0x0]  }
0x55: {  	s22 =	simm.s32 $0x16B40;
	v6 =	vld [tilespmem:s23+$0x10]  }
0x56: {  	v7 =	vld [tilespmem:s22+$0x30]  }
0x57: {  	v8 =	vld [tilespmem:s23+$0x20]  }
0x58: {  	v10 =	vld [tilespmem:s23+$0xFFFFFFC0]  }
0x59: {  	v20 =	vld [tilespmem:s22+$0xFFFFFFC0]  }
0x5a: {  	v21 =	vld [tilespmem:s22+$0xFFFFFFD0]  }
0x5b: {  	v63 =	vld [tilespmem:s22+$0xFFFFFFE0]  }
0x5c: {  	v22 =	vld [tilespmem:s22+$0xFFFFFFF0]  }
0x5d: {  	v23 =	vld [tilespmem:s22+$0x0]  }
0x5e: {  	v24 =	vld [tilespmem:s22+$0x10]  }
0x5f: {  	v25 =	vld [tilespmem:s22+$0x20]  }
0x60: {  	v9 =	vld.idx.msk [tilespmem:v1+s2+$0x0], $0xffff  }
0x61: {  	v11 =	vld.idx.msk [tilespmem:v2+s2+$0x0], $0xffff  }
0x62: {  	v13 =	vld.idx.msk [tilespmem:v3+s2+$0x0], $0xffff  }
0x63: {  	v14 =	vld.idx.msk [tilespmem:v4+s2+$0x0], $0xffff  }
0x64: {  	v17 =	vld.idx.msk [tilespmem:v10+s2+$0x0], $0xffff  }
0x65: {  	v15 =	vld.idx.msk [tilespmem:v5+s2+$0x0], $0xffff  }
0x66: {  	v62 =	vld.idx.msk [tilespmem:v6+s2+$0x0], $0xffff  }
0x67: {  	v19 =	vld.idx.msk [tilespmem:v8+s2+$0x0], $0xffff  }
0x68: {  	[tilespmem:v7+s17+$0x0] =	vst.idx.add.f32.msk $0xffff, v9  }
0x69: {  	v12 =	vadd.s32 $0x2710, v1;
	[tilespmem:v20+s17+$0x0] =	vst.idx.add.f32.msk $0xffff, v17  }
0x6a: {  	[tilespmem:v21+s17+$0x0] =	vst.idx.add.f32.msk $0xffff, v11  }
0x6b: {  	[tilespmem:v63+s17+$0x0] =	vst.idx.add.f32.msk $0xffff, v13  }
0x6c: {  	v30 =	vadd.s32 $0x2710, v2;
	[tilespmem:v22+s17+$0x0] =	vst.idx.add.f32.msk $0xffff, v14  }
0x6d: {  	v31 =	vadd.s32 $0x2710, v3;
	[tilespmem:v23+s17+$0x0] =	vst.idx.add.f32.msk $0xffff, v15  }
0x6e: {  	v16 =	vadd.s32 $0x2710, v7;
	v9 =	vld.idx.msk [tilespmem:v12+s2+$0x0], $0xffff  }
0x6f: {  	v18 =	vadd.s32 $0x4E20, v1;
	[tilespmem:v24+s17+$0x0] =	vst.idx.add.f32.msk $0xffff, v62  }
0x70: {  	v33 =	vadd.s32 $0x2710, v6;
	[tilespmem:v25+s17+$0x0] =	vst.idx.add.f32.msk $0xffff, v19  }
0x71: {  	v34 =	vadd.s32 $0x2710, v8;
	v11 =	vld.idx.msk [tilespmem:v30+s2+$0x0], $0xffff  }
0x72: {  	v36 =	vadd.s32 $0x2710, v21;
	v13 =	vld.idx.msk [tilespmem:v31+s2+$0x0], $0xffff  }
0x73: {  	v37 =	vadd.s32 $0x2710, v63;
	[tilespmem:v16+s17+$0x0] =	vst.idx.add.f32.msk $0xffff, v9  }
0x74: {  	v28 =	vadd.s32 $0x4E20, v7;
	v9 =	vld.idx.msk [tilespmem:v18+s2+$0x0], $0xffff  }
0x75: {  	v1 =	vadd.s32 $0x7530, v1;
	v12 =	vld.idx.msk [tilespmem:v33+s2+$0x0], $0xffff  }
0x76: {  	v27 =	vadd.s32 $0x2710, v24;
	v14 =	vld.idx.msk [tilespmem:v34+s2+$0x0], $0xffff  }
0x77: {  	v41 =	vadd.s32 $0x4E20, v2;
	[tilespmem:v36+s17+$0x0] =	vst.idx.add.f32.msk $0xffff, v11  }
0x78: {  	v29 =	vadd.s32 $0x2710, v10;
	[tilespmem:v37+s17+$0x0] =	vst.idx.add.f32.msk $0xffff, v13  }
0x79: {  	v39 =	vadd.s32 $0x2710, v25;
	[tilespmem:v28+s17+$0x0] =	vst.idx.add.f32.msk $0xffff, v9  }
0x7a: {  	v7 =	vadd.s32 $0x7530, v7;
	v1 =	vld.idx.msk [tilespmem:v1+s2+$0x0], $0xffff  }
0x7b: {  	v45 =	vadd.s32 $0x4E20, v8;
	[tilespmem:v27+s17+$0x0] =	vst.idx.add.f32.msk $0xffff, v12  }
0x7c: {  	v47 =	vadd.s32 $0x4E20, v21;
	v13 =	vld.idx.msk [tilespmem:v41+s2+$0x0], $0xffff  }
0x7d: {  	v35 =	vadd.s32 $0x2710, v20;
	v9 =	vld.idx.msk [tilespmem:v29+s2+$0x0], $0xffff  }
0x7e: {  	v44 =	vadd.s32 $0x4E20, v6;
	[tilespmem:v39+s17+$0x0] =	vst.idx.add.f32.msk $0xffff, v14  }
0x7f: {  	[tilespmem:v7+s17+$0x0] =	vst.idx.add.f32.msk $0xffff, v1;
	v1 =	vadd.s32 $0x2710, v4  }
0x80: {  	v32 =	vadd.s32 $0x2710, v5;
	v14 =	vld.idx.msk [tilespmem:v45+s2+$0x0], $0xffff  }
0x81: {  	v40 =	vadd.s32 $0x4E20, v10;
	[tilespmem:v47+s17+$0x0] =	vst.idx.add.f32.msk $0xffff, v13  }
0x82: {  	v52 =	vadd.s32 $0x4E20, v25;
	[tilespmem:v35+s17+$0x0] =	vst.idx.add.f32.msk $0xffff, v9  }
0x83: {  	v51 =	vadd.s32 $0x4E20, v24;
	v9 =	vld.idx.msk [tilespmem:v44+s2+$0x0], $0xffff  }
0x84: {  	v38 =	vadd.s32 $0x2710, v22;
	v1 =	vld.idx.msk [tilespmem:v1+s2+$0x0], $0xffff  }
0x85: {  	v26 =	vadd.s32 $0x2710, v23;
	v7 =	vld.idx.msk [tilespmem:v32+s2+$0x0], $0xffff  }
0x86: {  	v46 =	vadd.s32 $0x4E20, v20;
	v11 =	vld.idx.msk [tilespmem:v40+s2+$0x0], $0xffff  }
0x87: {  	v54 =	vadd.s32 $0x7530, v6;
	[tilespmem:v52+s17+$0x0] =	vst.idx.add.f32.msk $0xffff, v14  }
0x88: {  	v43 =	vadd.s32 $0x4E20, v5;
	[tilespmem:v51+s17+$0x0] =	vst.idx.add.f32.msk $0xffff, v9  }
0x89: {  	[tilespmem:v38+s17+$0x0] =	vst.idx.add.f32.msk $0xffff, v1;
	v1 =	vadd.s32 $0x4E20, v3  }
0x8a: {  	v10 =	vadd.s32 $0x7530, v10;
	[tilespmem:v26+s17+$0x0] =	vst.idx.add.f32.msk $0xffff, v7  }
0x8b: {  	v42 =	vadd.s32 $0x4E20, v4;
	[tilespmem:v46+s17+$0x0] =	vst.idx.add.f32.msk $0xffff, v11  }
0x8c: {  	v53 =	vadd.s32 $0x7530, v5;
	v62 =	vadd.s32 $0x7530, v24;
	v5 =	vld.idx.msk [tilespmem:v54+s2+$0x0], $0xffff  }
0x8d: {  	v50 =	vadd.s32 $0x4E20, v23;
	v12 =	vld.idx.msk [tilespmem:v43+s2+$0x0], $0xffff  }
0x8e: {  	v48 =	vadd.s32 $0x4E20, v63;
	v1 =	vld.idx.msk [tilespmem:v1+s2+$0x0], $0xffff  }
0x8f: {  	v57 =	vadd.s32 $0x7530, v20;
	v55 =	vld.idx.msk [tilespmem:v10+s2+$0x0], $0xffff  }
0x90: {  	v49 =	vadd.s32 $0x4E20, v22;
	v7 =	vld.idx.msk [tilespmem:v42+s2+$0x0], $0xffff  }
0x91: {  	v56 =	vadd.s32 $0x7530, v8;
	[tilespmem:v62+s17+$0x0] =	vst.idx.add.f32.msk $0xffff, v5  }
0x92: {  	[tilespmem:v50+s17+$0x0] =	vst.idx.add.f32.msk $0xffff, v12  }
0x93: {  	[tilespmem:v48+s17+$0x0] =	vst.idx.add.f32.msk $0xffff, v1;
	v1 =	vadd.s32 $0x7530, v2  }
0x94: {  	[tilespmem:v57+s17+$0x0] =	vst.idx.add.f32.msk $0xffff, v55;
	v2 =	vadd.s32 $0x7530, v3  }
0x95: {  	[tilespmem:v49+s17+$0x0] =	vst.idx.add.f32.msk $0xffff, v7;
	v3 =	vadd.s32 $0x7530, v4  }
0x96: {  	v59 =	vadd.s32 $0x7530, v63;
	v63 =	vadd.s32 $0x7530, v25;
	v7 =	vld.idx.msk [tilespmem:v56+s2+$0x0], $0xffff  }
0x97: {  	v61 =	vadd.s32 $0x7530, v23;
	v4 =	vld.idx.msk [tilespmem:v53+s2+$0x0], $0xffff  }
0x98: {  	v58 =	vadd.s32 $0x7530, v21;
	v1 =	vld.idx.msk [tilespmem:v1+s2+$0x0], $0xffff  }
0x99: {  	v2 =	vld.idx.msk [tilespmem:v2+s2+$0x0], $0xffff  }
0x9a: {  	v60 =	vadd.s32 $0x7530, v22;
	v3 =	vld.idx.msk [tilespmem:v3+s2+$0x0], $0xffff  }
0x9b: {  	[tilespmem:v63+s17+$0x0] =	vst.idx.add.f32.msk $0xffff, v7  }
0x9c: {  	[tilespmem:v61+s17+$0x0] =	vst.idx.add.f32.msk $0xffff, v4  }
0x9d: {  	[tilespmem:v58+s17+$0x0] =	vst.idx.add.f32.msk $0xffff, v1  }
0x9e: {  	[tilespmem:v59+s17+$0x0] =	vst.idx.add.f32.msk $0xffff, v2  }
0x9f: {  	s24 =	simm.s32 $0x139C0;
	s23 =	simm.s32 $0x0;
	[tilespmem:v60+s17+$0x0] =	vst.idx.add.f32.msk $0xffff, v3  }
.LBB2_5:
0xa0: {  	v12 =	vld [tilespmem:s24+$0x30];
	s23 =	sadd.s32 $0x8, s23  }
0xa1: {  	v5 =	vld [tilespmem:s24+$0xFFFFFFD0];
	p0 =	slt.u32 s23, $0x188  }
0xa2: {  	v6 =	vld [tilespmem:s24+$0xFFFFFFE0]  }
0xa3: {  	v10 =	vld [tilespmem:s24+$0xFFFFFFF0]  }
0xa4: {  	v13 =	vld [tilespmem:s24+$0x0]  }
0xa5: {  	s22 =	sadd.s32 $0x80, s22;
	v14 =	vld [tilespmem:s24+$0x10]  }
0xa6: {  	v15 =	vadd.s32 $0x2710, v5;
	v7 =	vadd.s32 $0x4E20, v5;
	v1 =	vadd.s32 $0x7530, v5;
	v16 =	vld [tilespmem:s22+$0x30]  }
0xa7: {  	v17 =	vadd.s32 $0x2710, v6;
	v8 =	vadd.s32 $0x4E20, v6;
	v2 =	vadd.s32 $0x7530, v6;
	v18 =	vld [tilespmem:s24+$0x20]  }
0xa8: {  	v19 =	vadd.s32 $0x2710, v10;
	v9 =	vadd.s32 $0x4E20, v10;
	v3 =	vadd.s32 $0x7530, v10;
	v20 =	vld.idx.msk [tilespmem:v12+s2+$0x0], $0xffff  }
0xa9: {  	v21 =	vld [tilespmem:s24+$0xFFFFFFC0];
	v22 =	vadd.s32 $0x2710, v13;
	v11 =	vadd.s32 $0x4E20, v13;
	v4 =	vadd.s32 $0x7530, v13  }
0xaa: {  	v26 =	vadd.s32 $0x2710, v12;
	v23 =	vld.idx.msk [tilespmem:v5+s2+$0x0], $0xffff;
	v24 =	vadd.s32 $0x2710, v14;
	v25 =	vadd.s32 $0x4E20, v14  }
0xab: {  	v5 =	vadd.s32 $0x7530, v14;
	v27 =	vld.idx.msk [tilespmem:v6+s2+$0x0], $0xffff  }
0xac: {  	v28 =	vld.idx.msk [tilespmem:v10+s2+$0x0], $0xffff;
	v29 =	vadd.s32 $0x2710, v18;
	v30 =	vadd.s32 $0x4E20, v18;
	v6 =	vadd.s32 $0x7530, v18  }
0xad: {  	v13 =	vld.idx.msk [tilespmem:v13+s2+$0x0], $0xffff  }
0xae: {  	v31 =	vadd.s32 $0x2710, v21;
	v32 =	vadd.s32 $0x4E20, v21;
	v10 =	vadd.s32 $0x7530, v21;
	[tilespmem:v16+s17+$0x0] =	vst.idx.add.f32.msk $0xffff, v20  }
0xaf: {  	v20 =	vld.idx.msk [tilespmem:v26+s2+$0x0], $0xffff  }
0xb0: {  	v26 =	vadd.s32 $0x2710, v16;
	v14 =	vld.idx.msk [tilespmem:v14+s2+$0x0], $0xffff  }
0xb1: {  	v33 =	vadd.s32 $0x4E20, v12;
	v21 =	vld.idx.msk [tilespmem:v21+s2+$0x0], $0xffff  }
0xb2: {  	v18 =	vld.idx.msk [tilespmem:v18+s2+$0x0], $0xffff  }
0xb3: {  	v34 =	vld [tilespmem:s22+$0xFFFFFFC0]  }
0xb4: {  	v35 =	vld [tilespmem:s22+$0xFFFFFFD0]  }
0xb5: {  	[tilespmem:v26+s17+$0x0] =	vst.idx.add.f32.msk $0xffff, v20  }
0xb6: {  	v20 =	vld.idx.msk [tilespmem:v33+s2+$0x0], $0xffff  }
0xb7: {  	v33 =	vadd.s32 $0x4E20, v16;
	v26 =	vld [tilespmem:s22+$0xFFFFFFE0]  }
0xb8: {  	v12 =	vadd.s32 $0x7530, v12;
	v36 =	vadd.s32 $0x2710, v34;
	v37 =	vadd.s32 $0x4E20, v34;
	v38 =	vld [tilespmem:s22+$0xFFFFFFF0]  }
0xb9: {  	v39 =	vadd.s32 $0x7530, v34;
	v40 =	vadd.s32 $0x2710, v35;
	v41 =	vadd.s32 $0x4E20, v35;
	v42 =	vld [tilespmem:s22+$0x0]  }
0xba: {  	v43 =	vadd.s32 $0x7530, v35;
	v44 =	vld [tilespmem:s22+$0x10]  }
0xbb: {  	v45 =	vld [tilespmem:s22+$0x20]  }
0xbc: {  	v46 =	vadd.s32 $0x2710, v26;
	v47 =	vadd.s32 $0x4E20, v26;
	v48 =	vadd.s32 $0x7530, v26;
	[tilespmem:v33+s17+$0x0] =	vst.idx.add.f32.msk $0xffff, v20  }
0xbd: {  	v20 =	vadd.s32 $0x2710, v38;
	v33 =	vadd.s32 $0x4E20, v38;
	v49 =	vadd.s32 $0x7530, v38;
	v12 =	vld.idx.msk [tilespmem:v12+s2+$0x0], $0xffff  }
0xbe: {  	v16 =	vadd.s32 $0x7530, v16;
	[tilespmem:v34+s17+$0x0] =	vst.idx.add.f32.msk $0xffff, v21;
	v21 =	vadd.s32 $0x2710, v42;
	v34 =	vadd.s32 $0x4E20, v42  }
0xbf: {  	[tilespmem:v35+s17+$0x0] =	vst.idx.add.f32.msk $0xffff, v23;
	v23 =	vadd.s32 $0x7530, v42;
	v35 =	vadd.s32 $0x2710, v44;
	v50 =	vadd.s32 $0x4E20, v44  }
0xc0: {  	[tilespmem:v26+s17+$0x0] =	vst.idx.add.f32.msk $0xffff, v27;
	v26 =	vadd.s32 $0x7530, v44;
	v27 =	vadd.s32 $0x2710, v45;
	v51 =	vadd.s32 $0x4E20, v45  }
0xc1: {  	[tilespmem:v38+s17+$0x0] =	vst.idx.add.f32.msk $0xffff, v28;
	v28 =	vadd.s32 $0x7530, v45  }
0xc2: {  	[tilespmem:v42+s17+$0x0] =	vst.idx.add.f32.msk $0xffff, v13  }
0xc3: {  	[tilespmem:v16+s17+$0x0] =	vst.idx.add.f32.msk $0xffff, v12  }
0xc4: {  	[tilespmem:v44+s17+$0x0] =	vst.idx.add.f32.msk $0xffff, v14  }
0xc5: {  	[tilespmem:v45+s17+$0x0] =	vst.idx.add.f32.msk $0xffff, v18  }
0xc6: {  	v12 =	vld.idx.msk [tilespmem:v31+s2+$0x0], $0xffff  }
0xc7: {  	v13 =	vld.idx.msk [tilespmem:v15+s2+$0x0], $0xffff  }
0xc8: {  	v14 =	vld.idx.msk [tilespmem:v17+s2+$0x0], $0xffff  }
0xc9: {  	v15 =	vld.idx.msk [tilespmem:v19+s2+$0x0], $0xffff  }
0xca: {  	v16 =	vld.idx.msk [tilespmem:v22+s2+$0x0], $0xffff  }
0xcb: {  	v17 =	vld.idx.msk [tilespmem:v24+s2+$0x0], $0xffff  }
0xcc: {  	v18 =	vld.idx.msk [tilespmem:v29+s2+$0x0], $0xffff  }
0xcd: {  	[tilespmem:v36+s17+$0x0] =	vst.idx.add.f32.msk $0xffff, v12  }
0xce: {  	[tilespmem:v40+s17+$0x0] =	vst.idx.add.f32.msk $0xffff, v13  }
0xcf: {  	[tilespmem:v46+s17+$0x0] =	vst.idx.add.f32.msk $0xffff, v14  }
0xd0: {  	[tilespmem:v20+s17+$0x0] =	vst.idx.add.f32.msk $0xffff, v15  }
0xd1: {  	[tilespmem:v21+s17+$0x0] =	vst.idx.add.f32.msk $0xffff, v16  }
0xd2: {  	[tilespmem:v35+s17+$0x0] =	vst.idx.add.f32.msk $0xffff, v17  }
0xd3: {  	[tilespmem:v27+s17+$0x0] =	vst.idx.add.f32.msk $0xffff, v18  }
0xd4: {  	v12 =	vld.idx.msk [tilespmem:v32+s2+$0x0], $0xffff  }
0xd5: {  	v7 =	vld.idx.msk [tilespmem:v7+s2+$0x0], $0xffff  }
0xd6: {  	v8 =	vld.idx.msk [tilespmem:v8+s2+$0x0], $0xffff  }
0xd7: {  	v9 =	vld.idx.msk [tilespmem:v9+s2+$0x0], $0xffff  }
0xd8: {  	v11 =	vld.idx.msk [tilespmem:v11+s2+$0x0], $0xffff  }
0xd9: {  	v13 =	vld.idx.msk [tilespmem:v25+s2+$0x0], $0xffff  }
0xda: {  	v14 =	vld.idx.msk [tilespmem:v30+s2+$0x0], $0xffff  }
0xdb: {  	[tilespmem:v37+s17+$0x0] =	vst.idx.add.f32.msk $0xffff, v12  }
0xdc: {  	[tilespmem:v41+s17+$0x0] =	vst.idx.add.f32.msk $0xffff, v7  }
0xdd: {  	[tilespmem:v47+s17+$0x0] =	vst.idx.add.f32.msk $0xffff, v8  }
0xde: {  	[tilespmem:v33+s17+$0x0] =	vst.idx.add.f32.msk $0xffff, v9  }
0xdf: {  	[tilespmem:v34+s17+$0x0] =	vst.idx.add.f32.msk $0xffff, v11  }
0xe0: {  	[tilespmem:v50+s17+$0x0] =	vst.idx.add.f32.msk $0xffff, v13  }
0xe1: {  	[tilespmem:v51+s17+$0x0] =	vst.idx.add.f32.msk $0xffff, v14  }
0xe2: {  	v7 =	vld.idx.msk [tilespmem:v10+s2+$0x0], $0xffff  }
0xe3: {  	v1 =	vld.idx.msk [tilespmem:v1+s2+$0x0], $0xffff  }
0xe4: {  	v2 =	vld.idx.msk [tilespmem:v2+s2+$0x0], $0xffff  }
0xe5: {  	v3 =	vld.idx.msk [tilespmem:v3+s2+$0x0], $0xffff  }
0xe6: {  	v4 =	vld.idx.msk [tilespmem:v4+s2+$0x0], $0xffff  }
0xe7: {  	v5 =	vld.idx.msk [tilespmem:v5+s2+$0x0], $0xffff  }
0xe8: {  	v6 =	vld.idx.msk [tilespmem:v6+s2+$0x0], $0xffff  }
0xe9: {  	[tilespmem:v39+s17+$0x0] =	vst.idx.add.f32.msk $0xffff, v7  }
0xea: {  	[tilespmem:v43+s17+$0x0] =	vst.idx.add.f32.msk $0xffff, v1  }
.Ltmp3:
0xeb: {  	[tilespmem:v48+s17+$0x0] =	vst.idx.add.f32.msk $0xffff, v2;
	(pc) =	sbr.rel @p0 .LBB2_5-.Ltmp3, $4  }
0xec: {  	[tilespmem:v49+s17+$0x0] =	vst.idx.add.f32.msk $0xffff, v3  }
0xed: {  	[tilespmem:v23+s17+$0x0] =	vst.idx.add.f32.msk $0xffff, v4  }
0xee: {  	[tilespmem:v26+s17+$0x0] =	vst.idx.add.f32.msk $0xffff, v5  }
0xef: {  	s24 =	sadd.s32 $0x80, s24;
	[tilespmem:v28+s17+$0x0] =	vst.idx.add.f32.msk $0xffff, v6  }
0xf0: {  	p0 =	seq.s32 s21, $0x18  }
0xf1: {  	s22 =	smul.u32 @!p0 $0x3200, s21;
	_ =	sdelay $0x1  }
0xf2: {  	s22 =	sshrl.u32 @!p0 s22, $0x3  }
0xf3: {  	s22 =	sadd.s32 @!p0 $0x640, s22  }
0xf4: {  	s24 =	simm.s32 @!p0 $0x0;
	s25 =	simm.s32 @!p0 $0x13900;
	s23 =	sadd.s32 @!p0 s3, s22  }
0xf5: {  	[tilespmem:s25], [sflag:$0x1] =	stream.linear.gather @!p0 [hbm4b:s23+s24], $0x1900, $0x38;
	[tilespmem:$0x19D00] =	vst v63  }
0xf6: {  	s22 =	sadd.s32 @!p0 s4, s22;
	s23 =	simm.s32 @!p0 $0x16B00  }
0xf7: {  	[tilespmem:s23], [sflag:$0x3] =	stream.linear.gather @!p0 [hbm4b:s22+s24], $0x1900, $0x38;
	[tilespmem:$0x19D00] =	vst v63  }
0xf8: {  	_ =	swait.ge [sflag:s18], $0x1900  }
0xf9: {  	[sflag:s18] =	ssyncset.done $0x0  }
0xfa: {  	[sflag:s18] =	ssyncadd.s32 $0xFFFFE700  }
0xfb: {  	_ =	swait.ge [sflag:s19], $0x1900  }
0xfc: {  	[sflag:s19] =	ssyncset.done $0x0  }
0xfd: {  	s31 =	simm.s32 $0x15240;
	[sflag:s19] =	ssyncadd.s32 $0xFFFFE700  }
0xfe: {  	v1 =	vld [tilespmem:s31+$0x30]  }
0xff: {  	v2 =	vld [tilespmem:s31+$0xFFFFFFD0]  }
0x100: {  	v3 =	vld [tilespmem:s31+$0xFFFFFFE0]  }
0x101: {  	v4 =	vld [tilespmem:s31+$0xFFFFFFF0]  }
0x102: {  	v5 =	vld [tilespmem:s31+$0x0]  }
0x103: {  	s22 =	simm.s32 $0x18440;
	v6 =	vld [tilespmem:s31+$0x10]  }
0x104: {  	v7 =	vld [tilespmem:s22+$0x30]  }
0x105: {  	v8 =	vld [tilespmem:s31+$0x20]  }
0x106: {  	v10 =	vld [tilespmem:s31+$0xFFFFFFC0]  }
0x107: {  	v20 =	vld [tilespmem:s22+$0xFFFFFFC0]  }
0x108: {  	v21 =	vld [tilespmem:s22+$0xFFFFFFD0]  }
0x109: {  	v63 =	vld [tilespmem:s22+$0xFFFFFFE0]  }
0x10a: {  	v22 =	vld [tilespmem:s22+$0xFFFFFFF0]  }
0x10b: {  	v23 =	vld [tilespmem:s22+$0x0]  }
0x10c: {  	v24 =	vld [tilespmem:s22+$0x10]  }
0x10d: {  	v25 =	vld [tilespmem:s22+$0x20]  }
0x10e: {  	v9 =	vld.idx.msk [tilespmem:v1+s2+$0x0], $0xffff  }
0x10f: {  	v11 =	vld.idx.msk [tilespmem:v2+s2+$0x0], $0xffff  }
0x110: {  	v13 =	vld.idx.msk [tilespmem:v3+s2+$0x0], $0xffff  }
0x111: {  	v14 =	vld.idx.msk [tilespmem:v4+s2+$0x0], $0xffff  }
0x112: {  	v17 =	vld.idx.msk [tilespmem:v10+s2+$0x0], $0xffff  }
0x113: {  	v15 =	vld.idx.msk [tilespmem:v5+s2+$0x0], $0xffff  }
0x114: {  	v62 =	vld.idx.msk [tilespmem:v6+s2+$0x0], $0xffff  }
0x115: {  	v19 =	vld.idx.msk [tilespmem:v8+s2+$0x0], $0xffff  }
0x116: {  	[tilespmem:v7+s17+$0x0] =	vst.idx.add.f32.msk $0xffff, v9  }
0x117: {  	v12 =	vadd.s32 $0x2710, v1;
	[tilespmem:v20+s17+$0x0] =	vst.idx.add.f32.msk $0xffff, v17  }
0x118: {  	[tilespmem:v21+s17+$0x0] =	vst.idx.add.f32.msk $0xffff, v11  }
0x119: {  	[tilespmem:v63+s17+$0x0] =	vst.idx.add.f32.msk $0xffff, v13  }
0x11a: {  	v30 =	vadd.s32 $0x2710, v2;
	[tilespmem:v22+s17+$0x0] =	vst.idx.add.f32.msk $0xffff, v14  }
0x11b: {  	v31 =	vadd.s32 $0x2710, v3;
	[tilespmem:v23+s17+$0x0] =	vst.idx.add.f32.msk $0xffff, v15  }
0x11c: {  	v16 =	vadd.s32 $0x2710, v7;
	v9 =	vld.idx.msk [tilespmem:v12+s2+$0x0], $0xffff  }
0x11d: {  	v18 =	vadd.s32 $0x4E20, v1;
	[tilespmem:v24+s17+$0x0] =	vst.idx.add.f32.msk $0xffff, v62  }
0x11e: {  	v33 =	vadd.s32 $0x2710, v6;
	[tilespmem:v25+s17+$0x0] =	vst.idx.add.f32.msk $0xffff, v19  }
0x11f: {  	v34 =	vadd.s32 $0x2710, v8;
	v11 =	vld.idx.msk [tilespmem:v30+s2+$0x0], $0xffff  }
0x120: {  	v36 =	vadd.s32 $0x2710, v21;
	v13 =	vld.idx.msk [tilespmem:v31+s2+$0x0], $0xffff  }
0x121: {  	v37 =	vadd.s32 $0x2710, v63;
	[tilespmem:v16+s17+$0x0] =	vst.idx.add.f32.msk $0xffff, v9  }
0x122: {  	v28 =	vadd.s32 $0x4E20, v7;
	v9 =	vld.idx.msk [tilespmem:v18+s2+$0x0], $0xffff  }
0x123: {  	v1 =	vadd.s32 $0x7530, v1;
	v12 =	vld.idx.msk [tilespmem:v33+s2+$0x0], $0xffff  }
0x124: {  	v27 =	vadd.s32 $0x2710, v24;
	v14 =	vld.idx.msk [tilespmem:v34+s2+$0x0], $0xffff  }
0x125: {  	v41 =	vadd.s32 $0x4E20, v2;
	[tilespmem:v36+s17+$0x0] =	vst.idx.add.f32.msk $0xffff, v11  }
0x126: {  	v29 =	vadd.s32 $0x2710, v10;
	[tilespmem:v37+s17+$0x0] =	vst.idx.add.f32.msk $0xffff, v13  }
0x127: {  	v39 =	vadd.s32 $0x2710, v25;
	[tilespmem:v28+s17+$0x0] =	vst.idx.add.f32.msk $0xffff, v9  }
0x128: {  	v7 =	vadd.s32 $0x7530, v7;
	v1 =	vld.idx.msk [tilespmem:v1+s2+$0x0], $0xffff  }
0x129: {  	v45 =	vadd.s32 $0x4E20, v8;
	[tilespmem:v27+s17+$0x0] =	vst.idx.add.f32.msk $0xffff, v12  }
0x12a: {  	v47 =	vadd.s32 $0x4E20, v21;
	v13 =	vld.idx.msk [tilespmem:v41+s2+$0x0], $0xffff  }
0x12b: {  	v35 =	vadd.s32 $0x2710, v20;
	v9 =	vld.idx.msk [tilespmem:v29+s2+$0x0], $0xffff  }
0x12c: {  	v44 =	vadd.s32 $0x4E20, v6;
	[tilespmem:v39+s17+$0x0] =	vst.idx.add.f32.msk $0xffff, v14  }
0x12d: {  	[tilespmem:v7+s17+$0x0] =	vst.idx.add.f32.msk $0xffff, v1;
	v1 =	vadd.s32 $0x2710, v4  }
0x12e: {  	v32 =	vadd.s32 $0x2710, v5;
	v14 =	vld.idx.msk [tilespmem:v45+s2+$0x0], $0xffff  }
0x12f: {  	v40 =	vadd.s32 $0x4E20, v10;
	[tilespmem:v47+s17+$0x0] =	vst.idx.add.f32.msk $0xffff, v13  }
0x130: {  	v52 =	vadd.s32 $0x4E20, v25;
	[tilespmem:v35+s17+$0x0] =	vst.idx.add.f32.msk $0xffff, v9  }
0x131: {  	v51 =	vadd.s32 $0x4E20, v24;
	v9 =	vld.idx.msk [tilespmem:v44+s2+$0x0], $0xffff  }
0x132: {  	v38 =	vadd.s32 $0x2710, v22;
	v1 =	vld.idx.msk [tilespmem:v1+s2+$0x0], $0xffff  }
0x133: {  	v26 =	vadd.s32 $0x2710, v23;
	v7 =	vld.idx.msk [tilespmem:v32+s2+$0x0], $0xffff  }
0x134: {  	v46 =	vadd.s32 $0x4E20, v20;
	v11 =	vld.idx.msk [tilespmem:v40+s2+$0x0], $0xffff  }
0x135: {  	v54 =	vadd.s32 $0x7530, v6;
	[tilespmem:v52+s17+$0x0] =	vst.idx.add.f32.msk $0xffff, v14  }
0x136: {  	v43 =	vadd.s32 $0x4E20, v5;
	[tilespmem:v51+s17+$0x0] =	vst.idx.add.f32.msk $0xffff, v9  }
0x137: {  	[tilespmem:v38+s17+$0x0] =	vst.idx.add.f32.msk $0xffff, v1;
	v1 =	vadd.s32 $0x4E20, v3  }
0x138: {  	v10 =	vadd.s32 $0x7530, v10;
	[tilespmem:v26+s17+$0x0] =	vst.idx.add.f32.msk $0xffff, v7  }
0x139: {  	v42 =	vadd.s32 $0x4E20, v4;
	[tilespmem:v46+s17+$0x0] =	vst.idx.add.f32.msk $0xffff, v11  }
0x13a: {  	v53 =	vadd.s32 $0x7530, v5;
	v62 =	vadd.s32 $0x7530, v24;
	v5 =	vld.idx.msk [tilespmem:v54+s2+$0x0], $0xffff  }
0x13b: {  	v50 =	vadd.s32 $0x4E20, v23;
	v12 =	vld.idx.msk [tilespmem:v43+s2+$0x0], $0xffff  }
0x13c: {  	v48 =	vadd.s32 $0x4E20, v63;
	v1 =	vld.idx.msk [tilespmem:v1+s2+$0x0], $0xffff  }
0x13d: {  	v57 =	vadd.s32 $0x7530, v20;
	v55 =	vld.idx.msk [tilespmem:v10+s2+$0x0], $0xffff  }
0x13e: {  	v49 =	vadd.s32 $0x4E20, v22;
	v7 =	vld.idx.msk [tilespmem:v42+s2+$0x0], $0xffff  }
0x13f: {  	v56 =	vadd.s32 $0x7530, v8;
	[tilespmem:v62+s17+$0x0] =	vst.idx.add.f32.msk $0xffff, v5  }
0x140: {  	[tilespmem:v50+s17+$0x0] =	vst.idx.add.f32.msk $0xffff, v12  }
0x141: {  	[tilespmem:v48+s17+$0x0] =	vst.idx.add.f32.msk $0xffff, v1;
	v1 =	vadd.s32 $0x7530, v2  }
0x142: {  	[tilespmem:v57+s17+$0x0] =	vst.idx.add.f32.msk $0xffff, v55;
	v2 =	vadd.s32 $0x7530, v3  }
0x143: {  	[tilespmem:v49+s17+$0x0] =	vst.idx.add.f32.msk $0xffff, v7;
	v3 =	vadd.s32 $0x7530, v4  }
0x144: {  	v59 =	vadd.s32 $0x7530, v63;
	v63 =	vadd.s32 $0x7530, v25;
	v7 =	vld.idx.msk [tilespmem:v56+s2+$0x0], $0xffff  }
0x145: {  	v61 =	vadd.s32 $0x7530, v23;
	v4 =	vld.idx.msk [tilespmem:v53+s2+$0x0], $0xffff  }
0x146: {  	v58 =	vadd.s32 $0x7530, v21;
	v1 =	vld.idx.msk [tilespmem:v1+s2+$0x0], $0xffff  }
0x147: {  	v2 =	vld.idx.msk [tilespmem:v2+s2+$0x0], $0xffff  }
0x148: {  	v60 =	vadd.s32 $0x7530, v22;
	v3 =	vld.idx.msk [tilespmem:v3+s2+$0x0], $0xffff  }
0x149: {  	[tilespmem:v63+s17+$0x0] =	vst.idx.add.f32.msk $0xffff, v7  }
0x14a: {  	[tilespmem:v61+s17+$0x0] =	vst.idx.add.f32.msk $0xffff, v4  }
0x14b: {  	[tilespmem:v58+s17+$0x0] =	vst.idx.add.f32.msk $0xffff, v1  }
0x14c: {  	[tilespmem:v59+s17+$0x0] =	vst.idx.add.f32.msk $0xffff, v2  }
0x14d: {  	s23 =	simm.s32 $0x0;
	s24 =	simm.s32 $0x152C0;
	[tilespmem:v60+s17+$0x0] =	vst.idx.add.f32.msk $0xffff, v3  }
.LBB2_7:
0x14e: {  	v12 =	vld [tilespmem:s24+$0x30];
	s23 =	sadd.s32 $0x8, s23  }
0x14f: {  	v5 =	vld [tilespmem:s24+$0xFFFFFFD0];
	p1 =	slt.u32 s23, $0x188  }
0x150: {  	v6 =	vld [tilespmem:s24+$0xFFFFFFE0]  }
0x151: {  	v10 =	vld [tilespmem:s24+$0xFFFFFFF0]  }
0x152: {  	v13 =	vld [tilespmem:s24+$0x0]  }
0x153: {  	s22 =	sadd.s32 $0x80, s22;
	v14 =	vld [tilespmem:s24+$0x10]  }
0x154: {  	v15 =	vadd.s32 $0x2710, v5;
	v7 =	vadd.s32 $0x4E20, v5;
	v1 =	vadd.s32 $0x7530, v5;
	v16 =	vld [tilespmem:s22+$0x30]  }
0x155: {  	v17 =	vadd.s32 $0x2710, v6;
	v8 =	vadd.s32 $0x4E20, v6;
	v2 =	vadd.s32 $0x7530, v6;
	v18 =	vld [tilespmem:s24+$0x20]  }
0x156: {  	v19 =	vadd.s32 $0x2710, v10;
	v9 =	vadd.s32 $0x4E20, v10;
	v3 =	vadd.s32 $0x7530, v10;
	v20 =	vld.idx.msk [tilespmem:v12+s2+$0x0], $0xffff  }
0x157: {  	v21 =	vld [tilespmem:s24+$0xFFFFFFC0];
	v22 =	vadd.s32 $0x2710, v13;
	v11 =	vadd.s32 $0x4E20, v13;
	v4 =	vadd.s32 $0x7530, v13  }
0x158: {  	v26 =	vadd.s32 $0x2710, v12;
	v23 =	vld.idx.msk [tilespmem:v5+s2+$0x0], $0xffff;
	v24 =	vadd.s32 $0x2710, v14;
	v25 =	vadd.s32 $0x4E20, v14  }
0x159: {  	v5 =	vadd.s32 $0x7530, v14;
	v27 =	vld.idx.msk [tilespmem:v6+s2+$0x0], $0xffff  }
0x15a: {  	v28 =	vld.idx.msk [tilespmem:v10+s2+$0x0], $0xffff;
	v29 =	vadd.s32 $0x2710, v18;
	v30 =	vadd.s32 $0x4E20, v18;
	v6 =	vadd.s32 $0x7530, v18  }
0x15b: {  	v13 =	vld.idx.msk [tilespmem:v13+s2+$0x0], $0xffff  }
0x15c: {  	v31 =	vadd.s32 $0x2710, v21;
	v32 =	vadd.s32 $0x4E20, v21;
	v10 =	vadd.s32 $0x7530, v21;
	[tilespmem:v16+s17+$0x0] =	vst.idx.add.f32.msk $0xffff, v20  }
0x15d: {  	v20 =	vld.idx.msk [tilespmem:v26+s2+$0x0], $0xffff  }
0x15e: {  	v26 =	vadd.s32 $0x2710, v16;
	v14 =	vld.idx.msk [tilespmem:v14+s2+$0x0], $0xffff  }
0x15f: {  	v33 =	vadd.s32 $0x4E20, v12;
	v21 =	vld.idx.msk [tilespmem:v21+s2+$0x0], $0xffff  }
0x160: {  	v18 =	vld.idx.msk [tilespmem:v18+s2+$0x0], $0xffff  }
0x161: {  	v34 =	vld [tilespmem:s22+$0xFFFFFFC0]  }
0x162: {  	v35 =	vld [tilespmem:s22+$0xFFFFFFD0]  }
0x163: {  	[tilespmem:v26+s17+$0x0] =	vst.idx.add.f32.msk $0xffff, v20  }
0x164: {  	v20 =	vld.idx.msk [tilespmem:v33+s2+$0x0], $0xffff  }
0x165: {  	v33 =	vadd.s32 $0x4E20, v16;
	v26 =	vld [tilespmem:s22+$0xFFFFFFE0]  }
0x166: {  	v12 =	vadd.s32 $0x7530, v12;
	v36 =	vadd.s32 $0x2710, v34;
	v37 =	vadd.s32 $0x4E20, v34;
	v38 =	vld [tilespmem:s22+$0xFFFFFFF0]  }
0x167: {  	v39 =	vadd.s32 $0x7530, v34;
	v40 =	vadd.s32 $0x2710, v35;
	v41 =	vadd.s32 $0x4E20, v35;
	v42 =	vld [tilespmem:s22+$0x0]  }
0x168: {  	v43 =	vadd.s32 $0x7530, v35;
	v44 =	vld [tilespmem:s22+$0x10]  }
0x169: {  	v45 =	vld [tilespmem:s22+$0x20]  }
0x16a: {  	v46 =	vadd.s32 $0x2710, v26;
	v47 =	vadd.s32 $0x4E20, v26;
	v48 =	vadd.s32 $0x7530, v26;
	[tilespmem:v33+s17+$0x0] =	vst.idx.add.f32.msk $0xffff, v20  }
0x16b: {  	v20 =	vadd.s32 $0x2710, v38;
	v33 =	vadd.s32 $0x4E20, v38;
	v49 =	vadd.s32 $0x7530, v38;
	v12 =	vld.idx.msk [tilespmem:v12+s2+$0x0], $0xffff  }
0x16c: {  	v16 =	vadd.s32 $0x7530, v16;
	[tilespmem:v34+s17+$0x0] =	vst.idx.add.f32.msk $0xffff, v21;
	v21 =	vadd.s32 $0x2710, v42;
	v34 =	vadd.s32 $0x4E20, v42  }
0x16d: {  	[tilespmem:v35+s17+$0x0] =	vst.idx.add.f32.msk $0xffff, v23;
	v23 =	vadd.s32 $0x7530, v42;
	v35 =	vadd.s32 $0x2710, v44;
	v50 =	vadd.s32 $0x4E20, v44  }
0x16e: {  	[tilespmem:v26+s17+$0x0] =	vst.idx.add.f32.msk $0xffff, v27;
	v26 =	vadd.s32 $0x7530, v44;
	v27 =	vadd.s32 $0x2710, v45;
	v51 =	vadd.s32 $0x4E20, v45  }
0x16f: {  	[tilespmem:v38+s17+$0x0] =	vst.idx.add.f32.msk $0xffff, v28;
	v28 =	vadd.s32 $0x7530, v45  }
0x170: {  	[tilespmem:v42+s17+$0x0] =	vst.idx.add.f32.msk $0xffff, v13  }
0x171: {  	[tilespmem:v16+s17+$0x0] =	vst.idx.add.f32.msk $0xffff, v12  }
0x172: {  	[tilespmem:v44+s17+$0x0] =	vst.idx.add.f32.msk $0xffff, v14  }
0x173: {  	[tilespmem:v45+s17+$0x0] =	vst.idx.add.f32.msk $0xffff, v18  }
0x174: {  	v12 =	vld.idx.msk [tilespmem:v31+s2+$0x0], $0xffff  }
0x175: {  	v13 =	vld.idx.msk [tilespmem:v15+s2+$0x0], $0xffff  }
0x176: {  	v14 =	vld.idx.msk [tilespmem:v17+s2+$0x0], $0xffff  }
0x177: {  	v15 =	vld.idx.msk [tilespmem:v19+s2+$0x0], $0xffff  }
0x178: {  	v16 =	vld.idx.msk [tilespmem:v22+s2+$0x0], $0xffff  }
0x179: {  	v17 =	vld.idx.msk [tilespmem:v24+s2+$0x0], $0xffff  }
0x17a: {  	v18 =	vld.idx.msk [tilespmem:v29+s2+$0x0], $0xffff  }
0x17b: {  	[tilespmem:v36+s17+$0x0] =	vst.idx.add.f32.msk $0xffff, v12  }
0x17c: {  	[tilespmem:v40+s17+$0x0] =	vst.idx.add.f32.msk $0xffff, v13  }
0x17d: {  	[tilespmem:v46+s17+$0x0] =	vst.idx.add.f32.msk $0xffff, v14  }
0x17e: {  	[tilespmem:v20+s17+$0x0] =	vst.idx.add.f32.msk $0xffff, v15  }
0x17f: {  	[tilespmem:v21+s17+$0x0] =	vst.idx.add.f32.msk $0xffff, v16  }
0x180: {  	[tilespmem:v35+s17+$0x0] =	vst.idx.add.f32.msk $0xffff, v17  }
0x181: {  	[tilespmem:v27+s17+$0x0] =	vst.idx.add.f32.msk $0xffff, v18  }
0x182: {  	v12 =	vld.idx.msk [tilespmem:v32+s2+$0x0], $0xffff  }
0x183: {  	v7 =	vld.idx.msk [tilespmem:v7+s2+$0x0], $0xffff  }
0x184: {  	v8 =	vld.idx.msk [tilespmem:v8+s2+$0x0], $0xffff  }
0x185: {  	v9 =	vld.idx.msk [tilespmem:v9+s2+$0x0], $0xffff  }
0x186: {  	v11 =	vld.idx.msk [tilespmem:v11+s2+$0x0], $0xffff  }
0x187: {  	v13 =	vld.idx.msk [tilespmem:v25+s2+$0x0], $0xffff  }
0x188: {  	v14 =	vld.idx.msk [tilespmem:v30+s2+$0x0], $0xffff  }
0x189: {  	[tilespmem:v37+s17+$0x0] =	vst.idx.add.f32.msk $0xffff, v12  }
0x18a: {  	[tilespmem:v41+s17+$0x0] =	vst.idx.add.f32.msk $0xffff, v7  }
0x18b: {  	[tilespmem:v47+s17+$0x0] =	vst.idx.add.f32.msk $0xffff, v8  }
0x18c: {  	[tilespmem:v33+s17+$0x0] =	vst.idx.add.f32.msk $0xffff, v9  }
0x18d: {  	[tilespmem:v34+s17+$0x0] =	vst.idx.add.f32.msk $0xffff, v11  }
0x18e: {  	[tilespmem:v50+s17+$0x0] =	vst.idx.add.f32.msk $0xffff, v13  }
0x18f: {  	[tilespmem:v51+s17+$0x0] =	vst.idx.add.f32.msk $0xffff, v14  }
0x190: {  	v7 =	vld.idx.msk [tilespmem:v10+s2+$0x0], $0xffff  }
0x191: {  	v1 =	vld.idx.msk [tilespmem:v1+s2+$0x0], $0xffff  }
0x192: {  	v2 =	vld.idx.msk [tilespmem:v2+s2+$0x0], $0xffff  }
0x193: {  	v3 =	vld.idx.msk [tilespmem:v3+s2+$0x0], $0xffff  }
0x194: {  	v4 =	vld.idx.msk [tilespmem:v4+s2+$0x0], $0xffff  }
0x195: {  	v5 =	vld.idx.msk [tilespmem:v5+s2+$0x0], $0xffff  }
0x196: {  	v6 =	vld.idx.msk [tilespmem:v6+s2+$0x0], $0xffff  }
0x197: {  	[tilespmem:v39+s17+$0x0] =	vst.idx.add.f32.msk $0xffff, v7  }
0x198: {  	[tilespmem:v43+s17+$0x0] =	vst.idx.add.f32.msk $0xffff, v1  }
.Ltmp4:
0x199: {  	[tilespmem:v48+s17+$0x0] =	vst.idx.add.f32.msk $0xffff, v2;
	(pc) =	sbr.rel @p1 .LBB2_7-.Ltmp4, $4  }
0x19a: {  	[tilespmem:v49+s17+$0x0] =	vst.idx.add.f32.msk $0xffff, v3  }
0x19b: {  	[tilespmem:v23+s17+$0x0] =	vst.idx.add.f32.msk $0xffff, v4  }
0x19c: {  	[tilespmem:v26+s17+$0x0] =	vst.idx.add.f32.msk $0xffff, v5  }
0x19d: {  	s24 =	sadd.s32 $0x80, s24;
	[tilespmem:v28+s17+$0x0] =	vst.idx.add.f32.msk $0xffff, v6  }
.Ltmp5:
0x19e: {  	(pc) =	sbr.rel @p0 .LBB2_10-.Ltmp5, $1  }
0x19f: {  	_ =	sdelay $0x3  }
0x1a0: {  	s22 =	smul.u32 $0x3200, s21;
	_ =	sdelay $0x1  }
0x1a1: {  	s22 =	sshrl.u32 s22, $0x3  }
.Ltmp6:
0x1a2: {  	s22 =	sadd.s32 $0x960, s22;
	(pc) =	sbr.rel .LBB2_4-.Ltmp6, $4  }
0x1a3: {  	s23 =	sadd.s32 s3, s22  }
0x1a4: {  	[tilespmem:s12], [sflag:$0x2] =	stream.linear.gather [hbm4b:s23+s2], $0x1900, $0x38;
	[tilespmem:$0x19D00] =	vst v63  }
0x1a5: {  	s21 =	sadd.s32 $0x1, s21;
	s22 =	sadd.s32 s4, s22  }
0x1a6: {  	[tilespmem:s13], [sflag:$0x4] =	stream.linear.gather [hbm4b:s22+s2], $0x1900, $0x38;
	[tilespmem:$0x19D00] =	vst v63  }
.LBB2_11:
0x1a7: {  	_ =	sfence.sel $0x180000  }
0x1a8: {  	[bflag:$0x0] =	sbarrier.arrive $0xFFFF  }
0x1a9: {  	p0 =	sne.s32 s1, $0x0;
	_ =	strace $0x9000004D  }
0x1aa: {  	s0 =	sadd.s32 @!p0 $0x100000, s0;
	[bflag:$0x2] =	sbarrier.arrive $0xFFFF  }
0x1ab: {  	[sflag:s0] =	ssyncadd.tile.s32 @!p0 $0x1;
	_ =	shalt  }
.Lfunc_end2:
_tile_overlayer_lowered:
.L_overlay_start_2:
0x1ac: {  	(tag) =	ssettag $0x2  }
0x1ad: {  	s0 =	rddreg [dreg:$0x0];
	s2 =	stileid.u32  }
0x1ae: {  	s1 =	rddreg [dreg:$0x1];
	p0 =	sne.s32 s2, $0x0  }
0x1af: {  	s3 =	rddreg [dreg:$0x2];
	[bflag:$0x3] =	sbarrier.arrive $0xFFFF;
	s2 =	simm.s32 @!p0 $0x1C05  }
0x1b0: {  	[timem:s3], [sflag:s2] =	dma.local @!p0 [hbm:s0], s1  }
0x1b1: {  	s0 =	simm.s32 @!p0 $0x5  }
0x1b2: {  	_ =	swait.ge @!p0 [sflag:s0], s1  }
0x1b3: {  	s1 =	ssub.s32 @!p0 $0x0, s1;
	[sflag:s0] =	ssyncset.done @!p0 $0x0  }
0x1b4: {  	[sflag:s0] =	ssyncadd.s32 @!p0 s1  }
0x1b5: {  	[bflag:$0x3] =	sbarrier.arrive $0xFFFF  }
0x1b6: {  	_ =	shalt  }

// kernel: kernel.9.cloned.1.call-start
scs
__scs_entry_jumppad:
0x0: {  	(pc) =	sbr.rel $0x88, $3  }
0x1: {  	(tag) =	ssettag $0x0;
	lr =	simm.s32 $0x1  }
0x2: {  	[smem:$0x3F8D] =	sst lr;
	_ =	strace $0xD0000000  }
0x3: {  	_ = 	snop  }
0x4: {  	_ = 	snop  }
0x5: {  	_ = 	snop  }
0x6: {  	_ = 	snop  }
0x7: {  	_ = 	snop  }
__scs_overlays_trampoline_lowered:
0x8: {  	[smem:$0x3F9C] =	sst s0  }
0x9: {  	[smem:$0x3F9D] =	sst s1  }
0xa: {  	[smem:$0x3F9E] =	sst s2  }
0xb: {  	[smem:$0x3F9F] =	sst s3  }
0xc: {  	[smem:$0x3FA0] =	sst s4  }
0xd: {  	[smem:$0x3FA1] =	sst s5  }
0xe: {  	[smem:$0x3FA2] =	sst s6  }
0xf: {  	[smem:$0x3FA3] =	sst s7  }
0x10: {  	[smem:$0x3FA4] =	sst s8  }
0x11: {  	[smem:$0x3FA5] =	sst s9;
	s0 =	simm.s32 @!p0 $0x0  }
0x12: {  	s1 =	sld [smem:$0x3F8B];
	s0 =	simm.s32 @p0 $0x1  }
0x13: {  	[smem:$0x3FA6] =	sst s0;
	s0 =	simm.s32 @!p1 $0x0  }
0x14: {  	s2 =	sld [smem:$0x3F8A];
	s0 =	simm.s32 @p1 $0x1  }
0x15: {  	[smem:$0x3FA7] =	sst s0;
	s0 =	simm.s32 @!p2 $0x0  }
0x16: {  	s3 =	sld [smem:$0x3FDB];
	s0 =	simm.s32 @p2 $0x1  }
0x17: {  	s4 =	simm.s32 $0x1BF5;
	[smem:$0x3FA9] =	sst s0  }
0x18: {  	s0 =	sld [smem:$0x3F8C];
	_ =	swait.ge [sflag:s4], $0x0  }
0x19: {  	s7 =	sld [smem:$0x3F8D]  }
0x1a: {  	s8 =	sadd.s32 $0xFFFFE003, lr  }
0x1b: {  	s9 =	sadd.s32 $0xFFFFFEF7, lr;
	s5 =	simm.s32 $0xFFFFFFFF;
	p2 =	slt.u32 s8, $0xFFFFF086  }
0x1c: {  	p1 =	slt.u32 s9, $0xF7A;
	s5 =	simm.s32 @!p2 $0x0  }
0x1d: {  	s5 =	simm.s32 @p1 $0x1;
	p0 =	seq.s32 s7, s2  }
0x1e: {  	s7 =	smul.u32 @!p0 $0xF7A, s2;
	p2 =	seq.s32 @!p0 s5, $0x0  }
0x1f: {  	s9 =	smul.u32 $0xF7A, s1;
	s8 =	simm.s32 @!p0 $0x1BF5;
	p2 =	por !p2, p0  }
0x20: {  	[sflag:s8] =	ssyncset.s32 @!p0 $0xFFFFF086;
	s6 =	sadd.s32 @!p0 s3, s7;
	s7 =	simm.s32 @!p0 $0x108  }
0x21: {  	s3 =	sadd.s32 s3, s9;
	s6 =	sadd.s32 @!p0 $0x88, s6;
	s7 =	simm.s32 @p2 $0x1082  }
0x22: {  	[simem:s7], [sflag:s8] =	dma.local @!p0 [hbm:s6], $0xF7A  }
0x23: {  	s9 =	sor.u32 $0xD0000000, s2;
	s6 =	simm.s32 $0x108;
	_ =	swait.ge @!p0 [sflag:s8], $0x0  }
0x24: {  	s3 =	sadd.s32 $0x88, s3;
	s6 =	simm.s32 @!p1 $0x1082;
	[sflag:s4] =	ssyncset.s32 $0xFFFFF086  }
0x25: {  	[simem:s6], [sflag:s4] =	dma.local [hbm:s3], $0xF7A  }
0x26: {  	[smem:$0x3F8D] =	sst s1;
	(tag) =	ssettag s2;
	_ =	strace s9  }
0x27: {  	s1 =	sld [smem:$0x3F9D]  }
0x28: {  	s2 =	sld [smem:$0x3F9E]  }
0x29: {  	s4 =	sld [smem:$0x3FA0]  }
0x2a: {  	p0 =	seq.s32 s5, $0x0;
	s5 =	sld [smem:$0x3FA1]  }
0x2b: {  	s6 =	sld [smem:$0x3FA2]  }
0x2c: {  	s7 =	sld [smem:$0x3FA3]  }
0x2d: {  	s3 =	simm.s32 $0x108;
	s8 =	sld [smem:$0x3FA4]  }
0x2e: {  	s3 =	simm.s32 @!p0 $0x1082;
	s9 =	sld [smem:$0x3FA5]  }
0x2f: {  	lr =	sadd.s32 s0, s3;
	s0 =	sld [smem:$0x3F9C]  }
0x30: {  	s3 =	sld [smem:$0x3F9F]  }
0x31: {  	[smem:$0x3FA8] =	sst s10  }
0x32: {  	s10 =	sld [smem:$0x3FA6];
	_ =	sdelay $0x3  }
0x33: {  	p0 =	seq.s32 s10, $0x1;
	s10 =	sld [smem:$0x3FA8];
	_ =	sdelay $0x3  }
0x34: {  	[smem:$0x3FA8] =	sst s10  }
0x35: {  	s10 =	sld [smem:$0x3FA7];
	_ =	sdelay $0x3  }
0x36: {  	p1 =	seq.s32 s10, $0x1;
	s10 =	sld [smem:$0x3FA8];
	_ =	sdelay $0x3  }
0x37: {  	[smem:$0x3FA8] =	sst s10  }
0x38: {  	s10 =	sld [smem:$0x3FA9]  }
0x39: {  	_ = 	snop;
	(pc) =	sbr.ind lr, $3  }
0x3a: {  	_ = 	snop  }
0x3b: {  	_ = 	snop  }
0x3c: {  	p2 =	seq.s32 s10, $0x1;
	s10 =	sld [smem:$0x3FA8]  }
0x3d: {  	_ =	shalt  }
0x3e: {  	_ =	shalt  }
0x3f: {  	_ =	shalt  }
0x40: {  	_ =	shalt  }
0x41: {  	_ =	shalt  }
0x42: {  	_ =	shalt  }
0x43: {  	_ =	shalt  }
0x44: {  	_ =	shalt  }
0x45: {  	_ =	shalt  }
0x46: {  	_ =	shalt  }
0x47: {  	_ =	shalt  }
0x48: {  	_ =	shalt  }
0x49: {  	_ =	shalt  }
0x4a: {  	_ =	shalt  }
0x4b: {  	_ =	shalt  }
0x4c: {  	_ =	shalt  }
0x4d: {  	_ =	shalt  }
0x4e: {  	_ =	shalt  }
0x4f: {  	_ =	shalt  }
0x50: {  	_ =	shalt  }
0x51: {  	_ =	shalt  }
0x52: {  	_ =	shalt  }
0x53: {  	_ =	shalt  }
0x54: {  	_ =	shalt  }
0x55: {  	_ =	shalt  }
0x56: {  	_ =	shalt  }
0x57: {  	_ =	shalt  }
0x58: {  	_ =	shalt  }
0x59: {  	_ =	shalt  }
0x5a: {  	_ =	shalt  }
0x5b: {  	_ =	shalt  }
0x5c: {  	_ =	shalt  }
0x5d: {  	_ =	shalt  }
0x5e: {  	_ =	shalt  }
0x5f: {  	_ =	shalt  }
0x60: {  	_ =	shalt  }
0x61: {  	_ =	shalt  }
0x62: {  	_ =	shalt  }
0x63: {  	_ =	shalt  }
0x64: {  	_ =	shalt  }
0x65: {  	_ =	shalt  }
0x66: {  	_ =	shalt  }
0x67: {  	_ =	shalt  }
0x68: {  	_ =	shalt  }
0x69: {  	_ =	shalt  }
0x6a: {  	_ =	shalt  }
0x6b: {  	_ =	shalt  }
0x6c: {  	_ =	shalt  }
0x6d: {  	_ =	shalt  }
0x6e: {  	_ =	shalt  }
0x6f: {  	_ =	shalt  }
0x70: {  	_ =	shalt  }
0x71: {  	_ =	shalt  }
0x72: {  	_ =	shalt  }
0x73: {  	_ =	shalt  }
0x74: {  	_ =	shalt  }
0x75: {  	_ =	shalt  }
0x76: {  	_ =	shalt  }
0x77: {  	_ =	shalt  }
0x78: {  	_ =	shalt  }
0x79: {  	_ =	shalt  }
0x7a: {  	_ =	shalt  }
0x7b: {  	_ =	shalt  }
0x7c: {  	_ =	shalt  }
0x7d: {  	_ =	shalt  }
0x7e: {  	_ =	shalt  }
0x7f: {  	_ =	shalt  }
0x80: {  	_ =	shalt  }
0x81: {  	_ =	shalt  }
0x82: {  	_ =	shalt  }
0x83: {  	_ =	shalt  }
0x84: {  	_ =	shalt  }
0x85: {  	_ =	shalt  }
0x86: {  	_ =	shalt  }
0x87: {  	_ =	shalt  }
.Lfunc_end0:
.L_simem_size_0:
called_computation_lowered:
.L_overlay_start_0:
0x88: {  	s2 =	sld [smem:$0x3FD9]  }
0x89: {  	s3 =	sld [smem:$0x3FFE];
	_ =	sdelay $0x1  }
0x8a: {  	s1 =	srdreg.scid  }
0x8b: {  	s0 =	sand.u32 $0x1, s1  }
0x8c: {  	s17 =	sshll.u32 s0, $0xA;
	s2 =	sadd.s32 s3, s2  }
0x8d: {  	s2 =	sadd.s32 s2, s17  }
0x8e: {  	[smem:$0x3FB4] =	sst s2  }
0x8f: {  	_ = 	snop  }
0x90: {  	s2 =	sld [smem:$0x3FD0];
	(tm) =	ssettm $0x1  }
0x91: {  	s18 =	sld [smem:$0x3FFB];
	_ =	sdelay $0x3  }
0x92: {  	_ =	strace s18  }
0x93: {  	s3 =	sld [smem:$0x3FFC];
	_ =	sdelay $0x3  }
0x94: {  	_ =	strace s3  }
0x95: {  	s3 =	sld [smem:$0x3FFD];
	_ =	sdelay $0x3  }
0x96: {  	_ =	strace s3  }
0x97: {  	_ =	strace $0x8FFFFFFF  }
0x98: {  	s19 =	sld [smem:$0x3FDB];
	_ =	sdelay $0x1  }
0x99: {  	s4 =	simm.s32 $_scs_section_size  }
0x9a: {  	s5 =	simm.s32 $_size__tile_overlayer_lowered;
	s6 =	simm.s32 $_tile_overlayer_lowered  }
0x9b: {  	s22 =	simm.s32 $0x1BFF;
	s21 =	sshll.u32 s6, $0x1;
	s3 =	sadd.s32 s4, s19  }
0x9c: {  	s7 =	simm.s32 $0x0;
	s20 =	sshll.u32 s5, $0x1;
	s5 =	sadd.s32 s21, s3  }
0x9d: {  	[timem:s7], [sflag:s22] =	dma.local [hbm:s5], s20  }
0x9e: {  	_ =	swait.ge [sflag:s22], s20  }
0x9f: {  	s4 =	ssub.s32 $0x0, s20;
	[sflag:s22] =	ssyncset.done $0x0  }
0xa0: {  	[sflag:s22] =	ssyncadd.s32 s4;
	_ =	sdelay $0x1  }
0xa1: {  	s23 =	simm.s32 $0x1B8B  }
0xa2: {  	_ =	swait.ge [sflag:s23], $0x1  }
0xa3: {  	[sflag:s23] =	ssyncset.done $0x0  }
0xa4: {  	s25 =	simm.s32 $0x1B8E;
	s24 =	sld [smem:$0x3FFE];
	[sflag:s23] =	ssyncadd.s32 $0xFFFFFFFF  }
0xa5: {  	s26 =	simm.s32 $execute0_lowered;
	[smem:$0x3FD2] =	sst s25  }
0xa6: {  	s5 =	sshll.u32 s26, $0x1;
	_ =	strace $0x80000046;
	[dreg:$0x1] =	wrdreg $0xFFFFFFFF  }
0xa7: {  	s28 =	simm.s32 $_size_execute0_lowered;
	s3 =	sadd.s32 s3, s5;
	[dreg:$0x0] =	wrdreg $0x0  }
0xa8: {  	s5 =	sshll.u32 s28, $0x1;
	[dreg:$0x2] =	wrdreg s3  }
0xa9: {  	[dreg:$0x3] =	wrdreg s5  }
0xaa: {  	[dreg:$0x4] =	wrdreg $0xC0  }
0xab: {  	_ =	task [dreg:s7], $0x5FFFF  }
0xac: {  	[dreg:$0x1] =	wrdreg $0xFFFFFFFF  }
0xad: {  	[dreg:$0x0] =	wrdreg $0x60  }
0xae: {  	[dreg:$0x2] =	wrdreg s2  }
0xaf: {  	[dreg:$0x3] =	wrdreg s24  }
0xb0: {  	[dreg:$0x4] =	wrdreg $0x9  }
0xb1: {  	_ =	task.clear_ibuf [dreg:s7], $0x5FFFF;
	_ =	strace $0x90000046  }
0xb2: {  	s29 =	simm.s32 $0x9;
	_ =	strace $0x80000048  }
0xb3: {  	_ =	swait.ge [sflag:s29], $0x1  }
0xb4: {  	[sflag:s29] =	ssyncadd.s32 $0xFFFFFFFF  }
0xb5: {  	_ =	strace $0x90000048  }
0xb6: {  	_ =	sfence  }
0xb7: {  	s30 =	sld [smem:$0x0];
	_ =	sdelay $0x2  }
0xb8: {  	s31 =	sshll.u32 s1, $0xD;
	s1 =	sshrl.u32 s1, $0x2  }
0xb9: {  	s3 =	sand.u32 $0x4000, s31;
	s1 =	sadd.s32 s1, s30  }
0xba: {  	s0 =	sor.u32 s3, s0;
	s1 =	sshll.u32 s1, $0x11  }
0xbb: {  	s0 =	sor.u32 s1, s0  }
0xbc: {  	s0 =	sadd.s32 $0x8F2B, s0  }
0xbd: {  	[sflag:s0] =	ssyncadd.remote.s32 $0x1  }
0xbe: {  	_ =	sfence.sel $0xFFFF  }
0xbf: {  	[dreg:$0x0] =	wrdreg $0xFFFFFFFF;
	(pc) =	sbr.abs _section_cstart, $3  }
0xc0: {  	[dreg:$0x1] =	wrdreg $0xFFFFFFFF  }
0xc1: {  	_ =	task.clear_ibuf [dreg:s7], $0x2FFFF;
	_ =	strace $0x9FFFFFFF  }
0xc2: {  	(tm) =	ssettm $0x7FFFFFFF  }
0xc3: {  	_ =	shalt  }
tec
execute0_lowered:
.L_overlay_start_1:
0x0: {  	(tag) =	ssettag $0x1  }
0x1: {  	s8 =	rddreg [dreg:$0x0]  }
0x2: {  	s7 =	rddreg [dreg:$0x1]  }
0x3: {  	s0 =	rddreg [dreg:$0x2]  }
0x4: {  	s3 =	srdreg.scid;
	s1 =	stileid.u32  }
0x5: {  	s2 =	simm.s32 $0x0;
	s12 =	simm.s32 $0x16B00;
	s13 =	simm.s32 $0x15200  }
0x6: {  	s14 =	simm.s32 $0x18400;
	s15 =	simm.s32 $0x5;
	s16 =	simm.s32 $0x1  }
0x7: {  	s17 =	simm.s32 $0x3;
	s18 =	simm.s32 $0x9C80;
	s19 =	simm.s32 $0x19D00  }
0x8: {  	s20 =	simm.s32 $0x2;
	s21 =	simm.s32 $0x4;
	s3 =	sand.u32 $0x1, s3  }
0x9: {  	s4 =	sshll.u32 s1, $0x1;
	[smem:$0x7FF] =	sst s2;
	s5 =	sadd.s32 $0x16800, s7  }
0xa: {  	s22 =	sor.u32 s3, s4;
	_ =	strace $0x80000047;
	s6 =	ssub.s32 $0x2, s3  }
.Ltmp0:
0xb: {  	s3 =	sadd.s32 $0xCA00, s7;
	s4 =	sadd.s32 $0x2C00, s7;
	(pc) =	sbr.rel .LBB2_1-.Ltmp0, $4  }
0xc: {  	s9 =	smul.u32 $0x1388, s22;
	s10 =	sshrl.u32 s6, $0x1;
	p0 =	sne.s32 s22, $0x0  }
0xd: {  	s22 =	simm.s32 $0x0;
	s10 =	ssub.s32 s6, s10;
	s6 =	sadd.s32 $0xCD20, s7  }
0xe: {  	s11 =	sadd.s32 s9, s7;
	s7 =	sadd.s32 $0x2F20, s7;
	s8 =	sadd.s32 s8, s9  }
0xf: {  	v0 =	vimm.f32 $0.0e+00;
	v1 =	vimm.f32 $1.000000000e+00;
	s10 =	smax.u32 s10, $0x1;
	s9 =	sadd.s32 $0x16E00, s11;
	s11 =	simm.s32 $0x13900  }
.LBB2_10:
0x10: {  	[hbm4b:s9+s2] =	stream.linear.scatter [tilespmem:s18], [sflag:$0x5], $0x9C40, $0x38;
	[tilespmem:$0x1C480] =	vst v63  }
0x11: {  	_ =	swait.ge [sflag:s15], $0x9C40  }
0x12: {  	s23 =	simm.s32 @!p0 $0x0;
	s22 =	sadd.s32 $0x1, s22;
	[sflag:s15] =	ssyncset.done $0x0  }
0x13: {  	s24 =	simm.s32 @!p0 $0x19D00;
	p1 =	sne.s32 s22, s10;
	[sflag:s15] =	ssyncadd.s32 $0xFFFF63C0  }
0x14: {  	[hbm4b:s5+s23] =	stream.linear.scatter @!p0 [tilespmem:s24], [sflag:$0x5], $0x2780, $0x38;
	[tilespmem:$0x1C480] =	vst v63  }
.Ltmp1:
0x15: {  	_ = 	snop;
	(pc) =	sbr.rel @!p1 .LBB2_11-.Ltmp1, $4  }
0x16: {  	s23 =	simm.s32 @!p0 $0x5  }
0x17: {  	_ =	swait.ge @!p0 [sflag:s23], $0x2780  }
0x18: {  	[sflag:s23] =	ssyncset.done @!p0 $0x0  }
0x19: {  	[sflag:s23] =	ssyncadd.s32 @!p0 $0xFFFFD880  }
.LBB2_1:
0x1a: {  	[tilespmem:s11], [sflag:$0x1] =	stream.linear.gather [hbm4b:s3+s2], $0x1900, $0x38;
	[tilespmem:$0x1C480] =	vst v63  }
0x1b: {  	_ = 	snop  }
0x1c: {  	[tilespmem:s12], [sflag:$0x3] =	stream.linear.gather [hbm4b:s4+s2], $0x1900, $0x38;
	[tilespmem:$0x1C480] =	vst v63  }
0x1d: {  	_ = 	snop  }
0x1e: {  	[tilespmem:s13], [sflag:$0x2] =	stream.linear.gather [hbm4b:s6+s2], $0x1900, $0x38;
	[tilespmem:$0x1C480] =	vst v63  }
0x1f: {  	_ = 	snop  }
0x20: {  	[tilespmem:s14], [sflag:$0x4] =	stream.linear.gather [hbm4b:s7+s2], $0x1900, $0x38;
	[tilespmem:$0x1C480] =	vst v63  }
0x21: {  	_ = 	snop  }
0x22: {  	[tilespmem:s2], [sflag:$0x5] =	stream.linear.gather [hbm4b:s8+s2], $0x9C40, $0x38;
	[tilespmem:$0x1C480] =	vst v63  }
0x23: {  	_ =	swait.ge [sflag:s15], $0x9C40  }
0x24: {  	[sflag:s15] =	ssyncset.done $0x0  }
0x25: {  	s23 =	simm.s32 $0x0;
	s24 =	simm.s32 $0x140;
	[sflag:s15] =	ssyncadd.s32 $0xFFFF63C0  }
.LBB2_2:
0x26: {  	p1 =	sne.s32 s24, $0x9B00;
	[tilespmem:s23+$0x19D40] =	vst v0  }
0x27: {  	[tilespmem:s23+$0x9C80] =	vst v0  }
0x28: {  	[tilespmem:s23+$0xC390] =	vst v0  }
0x29: {  	[tilespmem:s23+$0xEAA0] =	vst v0  }
0x2a: {  	[tilespmem:s23+$0x111B0] =	vst v0  }
0x2b: {  	[tilespmem:s23+$0x19D00] =	vst v0  }
0x2c: {  	[tilespmem:s23+$0x9C90] =	vst v0  }
0x2d: {  	[tilespmem:s23+$0xC3A0] =	vst v0  }
0x2e: {  	[tilespmem:s23+$0xEAB0] =	vst v0  }
0x2f: {  	[tilespmem:s23+$0x111C0] =	vst v0  }
0x30: {  	[tilespmem:s23+$0x19D10] =	vst v0  }
0x31: {  	[tilespmem:s23+$0x9CA0] =	vst v0  }
0x32: {  	[tilespmem:s23+$0xC3B0] =	vst v0  }
0x33: {  	[tilespmem:s23+$0xEAC0] =	vst v0  }
0x34: {  	[tilespmem:s23+$0x111D0] =	vst v0  }
0x35: {  	[tilespmem:s23+$0x19D20] =	vst v0  }
0x36: {  	[tilespmem:s23+$0x9CB0] =	vst v0  }
0x37: {  	[tilespmem:s23+$0xC3C0] =	vst v0  }
0x38: {  	[tilespmem:s23+$0xEAD0] =	vst v0  }
0x39: {  	[tilespmem:s23+$0x111E0] =	vst v0  }
.Ltmp2:
0x3a: {  	[tilespmem:s23+$0x19D30] =	vst v0;
	(pc) =	sbr.rel @p1 .LBB2_2-.Ltmp2, $4  }
0x3b: {  	[tilespmem:s23+$0x9CC0] =	vst v0  }
0x3c: {  	[tilespmem:s23+$0xC3D0] =	vst v0  }
0x3d: {  	[tilespmem:s23+$0xEAE0] =	vst v0  }
0x3e: {  	[tilespmem:s23+$0x111F0] =	vst v0;
	s23 =	sshra.s32 s24, $0x2;
	s24 =	sadd.s32 $0x140, s24  }
0x3f: {  	[tilespmem:s23+$0x19D40] =	vst v0  }
0x40: {  	[tilespmem:s23+$0x9C80] =	vst v0  }
0x41: {  	[tilespmem:s23+$0xC390] =	vst v0  }
0x42: {  	[tilespmem:s23+$0xEAA0] =	vst v0  }
0x43: {  	[tilespmem:s23+$0x111B0] =	vst v0  }
0x44: {  	[tilespmem:s23+$0x19D00] =	vst v0  }
0x45: {  	[tilespmem:s23+$0x9C90] =	vst v0  }
0x46: {  	[tilespmem:s23+$0xC3A0] =	vst v0  }
0x47: {  	[tilespmem:s23+$0xEAB0] =	vst v0  }
0x48: {  	[tilespmem:s23+$0x111C0] =	vst v0  }
0x49: {  	[tilespmem:s23+$0x19D10] =	vst v0  }
0x4a: {  	[tilespmem:s23+$0x9CA0] =	vst v0  }
0x4b: {  	[tilespmem:s23+$0xC3B0] =	vst v0  }
0x4c: {  	[tilespmem:s23+$0xEAC0] =	vst v0  }
0x4d: {  	[tilespmem:s23+$0x111D0] =	vst v0  }
0x4e: {  	[tilespmem:s23+$0x19D20] =	vst v0  }
0x4f: {  	[tilespmem:s23+$0x9CB0] =	vst v0  }
0x50: {  	[tilespmem:s23+$0xC3C0] =	vst v0  }
0x51: {  	[tilespmem:s23+$0xEAD0] =	vst v0  }
0x52: {  	[tilespmem:s23+$0x111E0] =	vst v0  }
0x53: {  	[tilespmem:s23+$0x19D30] =	vst v0  }
0x54: {  	[tilespmem:s23+$0x9CC0] =	vst v0  }
0x55: {  	[tilespmem:s23+$0xC3D0] =	vst v0  }
0x56: {  	[tilespmem:s23+$0xEAE0] =	vst v0  }
0x57: {  	[tilespmem:s23+$0x111F0] =	vst v0;
	s23 =	simm.s32 $0x0  }
.LBB2_4:
0x58: {  	_ =	swait.ge [sflag:s16], $0x1900  }
0x59: {  	[sflag:s16] =	ssyncset.done $0x0  }
0x5a: {  	[sflag:s16] =	ssyncadd.s32 $0xFFFFE700  }
0x5b: {  	_ =	swait.ge [sflag:s17], $0x1900  }
0x5c: {  	[sflag:s17] =	ssyncset.done $0x0  }
0x5d: {  	s25 =	simm.s32 $0x13940;
	[sflag:s17] =	ssyncadd.s32 $0xFFFFE700  }
0x5e: {  	v2 =	vld [tilespmem:s25+$0x30]  }
0x5f: {  	v3 =	vld [tilespmem:s25+$0xFFFFFFD0]  }
0x60: {  	v4 =	vld [tilespmem:s25+$0xFFFFFFE0]  }
0x61: {  	v5 =	vld [tilespmem:s25+$0xFFFFFFF0]  }
0x62: {  	v6 =	vld [tilespmem:s25+$0x0]  }
0x63: {  	s24 =	simm.s32 $0x16B40;
	v7 =	vld [tilespmem:s25+$0x10]  }
0x64: {  	v8 =	vld [tilespmem:s24+$0x30]  }
0x65: {  	v9 =	vld [tilespmem:s25+$0x20]  }
0x66: {  	v11 =	vld [tilespmem:s25+$0xFFFFFFC0]  }
0x67: {  	v21 =	vld [tilespmem:s24+$0xFFFFFFC0]  }
0x68: {  	v22 =	vld [tilespmem:s24+$0xFFFFFFD0]  }
0x69: {  	v32 =	vld [tilespmem:s24+$0xFFFFFFE0]  }
0x6a: {  	v23 =	vld [tilespmem:s24+$0xFFFFFFF0]  }
0x6b: {  	v24 =	vld [tilespmem:s24+$0x0]  }
0x6c: {  	v25 =	vld [tilespmem:s24+$0x10]  }
0x6d: {  	v26 =	vld [tilespmem:s24+$0x20]  }
0x6e: {  	v10 =	vld.idx.msk [tilespmem:v2+s2+$0x0], $0xffff  }
0x6f: {  	v12 =	vld.idx.msk [tilespmem:v3+s2+$0x0], $0xffff  }
0x70: {  	v14 =	vld.idx.msk [tilespmem:v4+s2+$0x0], $0xffff  }
0x71: {  	v15 =	vld.idx.msk [tilespmem:v5+s2+$0x0], $0xffff  }
0x72: {  	v18 =	vld.idx.msk [tilespmem:v11+s2+$0x0], $0xffff  }
0x73: {  	v16 =	vld.idx.msk [tilespmem:v6+s2+$0x0], $0xffff  }
0x74: {  	v31 =	vld.idx.msk [tilespmem:v7+s2+$0x0], $0xffff  }
0x75: {  	v20 =	vld.idx.msk [tilespmem:v9+s2+$0x0], $0xffff  }
0x76: {  	v13 =	vadd.s32 $0x2710, v2;
	[tilespmem:v8+s18+$0x0] =	vst.idx.add.f32.msk $0xffff, v10  }
0x77: {  	[tilespmem:v21+s18+$0x0] =	vst.idx.add.f32.msk $0xffff, v18  }
0x78: {  	[tilespmem:v22+s18+$0x0] =	vst.idx.add.f32.msk $0xffff, v12  }
0x79: {  	[tilespmem:v32+s18+$0x0] =	vst.idx.add.f32.msk $0xffff, v14  }
0x7a: {  	v35 =	vadd.s32 $0x2710, v11;
	[tilespmem:v23+s18+$0x0] =	vst.idx.add.f32.msk $0xffff, v15  }
0x7b: {  	v17 =	vadd.s32 $0x2710, v8;
	v10 =	vld.idx.msk [tilespmem:v13+s2+$0x0], $0xffff  }
0x7c: {  	v19 =	vadd.s32 $0x4E20, v2;
	[tilespmem:v24+s18+$0x0] =	vst.idx.add.f32.msk $0xffff, v16  }
0x7d: {  	v36 =	vadd.s32 $0x2710, v3;
	[tilespmem:v25+s18+$0x0] =	vst.idx.add.f32.msk $0xffff, v31  }
0x7e: {  	v39 =	vadd.s32 $0x2710, v7;
	[tilespmem:v26+s18+$0x0] =	vst.idx.add.f32.msk $0xffff, v20  }
0x7f: {  	v40 =	vadd.s32 $0x2710, v9;
	v12 =	vld.idx.msk [tilespmem:v35+s2+$0x0], $0xffff  }
0x80: {  	v41 =	vadd.s32 $0x2710, v21;
	[tilespmem:v17+s18+$0x0] =	vst.idx.add.f32.msk $0xffff, v10  }
0x81: {  	v33 =	vadd.s32 $0x4E20, v8;
	v10 =	vld.idx.msk [tilespmem:v19+s2+$0x0], $0xffff  }
0x82: {  	v2 =	vadd.s32 $0x7530, v2;
	v14 =	vld.idx.msk [tilespmem:v36+s2+$0x0], $0xffff  }
0x83: {  	v42 =	vadd.s32 $0x2710, v22;
	v13 =	vld.idx.msk [tilespmem:v39+s2+$0x0], $0xffff  }
0x84: {  	v28 =	vadd.s32 $0x2710, v25;
	v15 =	vld.idx.msk [tilespmem:v40+s2+$0x0], $0xffff  }
0x85: {  	v45 =	vadd.s32 $0x2710, v26;
	[tilespmem:v41+s18+$0x0] =	vst.idx.add.f32.msk $0xffff, v12  }
0x86: {  	v46 =	vadd.s32 $0x4E20, v11;
	[tilespmem:v33+s18+$0x0] =	vst.idx.add.f32.msk $0xffff, v10  }
0x87: {  	v34 =	vadd.s32 $0x7530, v8;
	v2 =	vld.idx.msk [tilespmem:v2+s2+$0x0], $0xffff  }
0x88: {  	v50 =	vadd.s32 $0x4E20, v7;
	[tilespmem:v42+s18+$0x0] =	vst.idx.add.f32.msk $0xffff, v14  }
0x89: {  	v51 =	vadd.s32 $0x4E20, v9;
	[tilespmem:v28+s18+$0x0] =	vst.idx.add.f32.msk $0xffff, v13  }
0x8a: {  	v38 =	vadd.s32 $0x2710, v6;
	[tilespmem:v45+s18+$0x0] =	vst.idx.add.f32.msk $0xffff, v15  }
0x8b: {  	v52 =	vadd.s32 $0x4E20, v21;
	v14 =	vld.idx.msk [tilespmem:v46+s2+$0x0], $0xffff  }
0x8c: {  	[tilespmem:v34+s18+$0x0] =	vst.idx.add.f32.msk $0xffff, v2;
	v2 =	vadd.s32 $0x2710, v4  }
0x8d: {  	v57 =	vadd.s32 $0x4E20, v25;
	v12 =	vld.idx.msk [tilespmem:v50+s2+$0x0], $0xffff  }
0x8e: {  	v58 =	vadd.s32 $0x4E20, v26;
	v15 =	vld.idx.msk [tilespmem:v51+s2+$0x0], $0xffff  }
0x8f: {  	v7 =	vadd.s32 $0x7530, v7;
	v10 =	vld.idx.msk [tilespmem:v38+s2+$0x0], $0xffff  }
0x90: {  	v27 =	vadd.s32 $0x2710, v24;
	[tilespmem:v52+s18+$0x0] =	vst.idx.add.f32.msk $0xffff, v14  }
0x91: {  	v43 =	vadd.s32 $0x2710, v32;
	v2 =	vld.idx.msk [tilespmem:v2+s2+$0x0], $0xffff  }
0x92: {  	[tilespmem:v57+s18+$0x0] =	vst.idx.add.f32.msk $0xffff, v12  }
0x93: {  	v37 =	vadd.s32 $0x2710, v5;
	[tilespmem:v58+s18+$0x0] =	vst.idx.add.f32.msk $0xffff, v15  }
0x94: {  	v49 =	vadd.s32 $0x4E20, v6;
	v7 =	vld.idx.msk [tilespmem:v7+s2+$0x0], $0xffff  }
0x95: {  	v63 =	vadd.s32 $0x7530, v25;
	[tilespmem:v27+s18+$0x0] =	vst.idx.add.f32.msk $0xffff, v10  }
0x96: {  	[tilespmem:v43+s18+$0x0] =	vst.idx.add.f32.msk $0xffff, v2;
	v2 =	vadd.s32 $0x4E20, v3  }
0x97: {  	[tilespmem:v8+s19+$0x0] =	vst.idx.add.f32.msk $0xffff, v1  }
0x98: {  	v44 =	vadd.s32 $0x2710, v23;
	v8 =	vld.idx.msk [tilespmem:v37+s2+$0x0], $0xffff  }
0x99: {  	v48 =	vadd.s32 $0x4E20, v5;
	v13 =	vld.idx.msk [tilespmem:v49+s2+$0x0], $0xffff  }
0x9a: {  	v47 =	vadd.s32 $0x4E20, v4;
	[tilespmem:v63+s18+$0x0] =	vst.idx.add.f32.msk $0xffff, v7  }
0x9b: {  	v53 =	vadd.s32 $0x4E20, v22;
	v2 =	vld.idx.msk [tilespmem:v2+s2+$0x0], $0xffff  }
0x9c: {  	v56 =	vadd.s32 $0x4E20, v24;
	[tilespmem:v25+s19+$0x0] =	vst.idx.add.f32.msk $0xffff, v1  }
0x9d: {  	v6 =	vadd.s32 $0x7530, v6;
	[tilespmem:v44+s18+$0x0] =	vst.idx.add.f32.msk $0xffff, v8  }
0x9e: {  	v55 =	vadd.s32 $0x4E20, v23;
	v10 =	vld.idx.msk [tilespmem:v48+s2+$0x0], $0xffff  }
0x9f: {  	v54 =	vadd.s32 $0x4E20, v32;
	v8 =	vld.idx.msk [tilespmem:v47+s2+$0x0], $0xffff  }
0xa0: {  	[tilespmem:v53+s18+$0x0] =	vst.idx.add.f32.msk $0xffff, v2;
	v2 =	vadd.s32 $0x7530, v11  }
0xa1: {  	v4 =	vadd.s32 $0x7530, v4;
	[tilespmem:v56+s18+$0x0] =	vst.idx.add.f32.msk $0xffff, v13  }
0xa2: {  	v6 =	vld.idx.msk [tilespmem:v6+s2+$0x0], $0xffff;
	v3 =	vadd.s32 $0x7530, v3  }
0xa3: {  	v5 =	vadd.s32 $0x7530, v5;
	[tilespmem:v55+s18+$0x0] =	vst.idx.add.f32.msk $0xffff, v10  }
0xa4: {  	v59 =	vadd.s32 $0x7530, v9;
	[tilespmem:v54+s18+$0x0] =	vst.idx.add.f32.msk $0xffff, v8  }
0xa5: {  	v60 =	vadd.s32 $0x7530, v21;
	v2 =	vld.idx.msk [tilespmem:v2+s2+$0x0], $0xffff  }
0xa6: {  	v62 =	vadd.s32 $0x7530, v32;
	v4 =	vld.idx.msk [tilespmem:v4+s2+$0x0], $0xffff  }
0xa7: {  	v61 =	vadd.s32 $0x7530, v22;
	v3 =	vld.idx.msk [tilespmem:v3+s2+$0x0], $0xffff  }
0xa8: {  	v5 =	vld.idx.msk [tilespmem:v5+s2+$0x0], $0xffff  }
0xa9: {  	v8 =	vld.idx.msk [tilespmem:v59+s2+$0x0], $0xffff  }
0xaa: {  	[tilespmem:v60+s18+$0x0] =	vst.idx.add.f32.msk $0xffff, v2;
	v2 =	vadd.s32 $0x7530, v23  }
0xab: {  	[tilespmem:v62+s18+$0x0] =	vst.idx.add.f32.msk $0xffff, v4  }
0xac: {  	[tilespmem:v61+s18+$0x0] =	vst.idx.add.f32.msk $0xffff, v3;
	v3 =	vadd.s32 $0x7530, v24  }
0xad: {  	[tilespmem:v32+s19+$0x0] =	vst.idx.add.f32.msk $0xffff, v1  }
0xae: {  	[tilespmem:v22+s19+$0x0] =	vst.idx.add.f32.msk $0xffff, v1  }
0xaf: {  	[tilespmem:v2+s18+$0x0] =	vst.idx.add.f32.msk $0xffff, v5;
	v2 =	vadd.s32 $0x7530, v26  }
0xb0: {  	[tilespmem:v21+s19+$0x0] =	vst.idx.add.f32.msk $0xffff, v1  }
0xb1: {  	[tilespmem:v3+s18+$0x0] =	vst.idx.add.f32.msk $0xffff, v6  }
0xb2: {  	[tilespmem:v24+s19+$0x0] =	vst.idx.add.f32.msk $0xffff, v1  }
0xb3: {  	[tilespmem:v23+s19+$0x0] =	vst.idx.add.f32.msk $0xffff, v1  }
0xb4: {  	[tilespmem:v2+s18+$0x0] =	vst.idx.add.f32.msk $0xffff, v8  }
0xb5: {  	s26 =	simm.s32 $0x139C0;
	s25 =	simm.s32 $0x0;
	[tilespmem:v26+s19+$0x0] =	vst.idx.add.f32.msk $0xffff, v1  }
.LBB2_5:
0xb6: {  	v14 =	vld [tilespmem:s26+$0x30]  }
0xb7: {  	s25 =	sadd.s32 $0x8, s25;
	v6 =	vld [tilespmem:s26+$0xFFFFFFD0]  }
0xb8: {  	p1 =	slt.u32 s25, $0x188;
	v7 =	vld [tilespmem:s26+$0xFFFFFFE0]  }
0xb9: {  	v10 =	vld [tilespmem:s26+$0xFFFFFFF0]  }
0xba: {  	v12 =	vld [tilespmem:s26+$0x0]  }
0xbb: {  	s24 =	sadd.s32 $0x80, s24;
	v13 =	vld [tilespmem:s26+$0x10]  }
0xbc: {  	v21 =	vadd.s32 $0x2710, v6;
	v8 =	vadd.s32 $0x4E20, v6;
	v2 =	vadd.s32 $0x7530, v6;
	v22 =	vld [tilespmem:s24+$0x30]  }
0xbd: {  	v23 =	vadd.s32 $0x2710, v7;
	v9 =	vadd.s32 $0x4E20, v7;
	v3 =	vadd.s32 $0x7530, v7;
	v15 =	vld [tilespmem:s26+$0x20]  }
0xbe: {  	v24 =	vadd.s32 $0x2710, v10;
	v11 =	vadd.s32 $0x4E20, v10;
	v4 =	vadd.s32 $0x7530, v10;
	v16 =	vld.idx.msk [tilespmem:v14+s2+$0x0], $0xffff  }
0xbf: {  	v18 =	vld [tilespmem:s26+$0xFFFFFFC0];
	v25 =	vadd.s32 $0x2710, v12;
	v19 =	vadd.s32 $0x4E20, v12;
	v5 =	vadd.s32 $0x7530, v12  }
0xc0: {  	v28 =	vadd.s32 $0x2710, v14;
	v26 =	vld.idx.msk [tilespmem:v6+s2+$0x0], $0xffff;
	v27 =	vadd.s32 $0x2710, v13;
	v20 =	vadd.s32 $0x4E20, v13  }
0xc1: {  	v6 =	vadd.s32 $0x7530, v13;
	v29 =	vld.idx.msk [tilespmem:v7+s2+$0x0], $0xffff  }
0xc2: {  	v30 =	vld.idx.msk [tilespmem:v10+s2+$0x0], $0xffff;
	v31 =	vadd.s32 $0x2710, v15;
	v32 =	vadd.s32 $0x4E20, v15;
	v7 =	vadd.s32 $0x7530, v15  }
0xc3: {  	v33 =	vld.idx.msk [tilespmem:v12+s2+$0x0], $0xffff  }
0xc4: {  	v34 =	vadd.s32 $0x2710, v18;
	v35 =	vadd.s32 $0x4E20, v18;
	v17 =	vadd.s32 $0x7530, v18;
	[tilespmem:v22+s18+$0x0] =	vst.idx.add.f32.msk $0xffff, v16  }
0xc5: {  	v16 =	vld.idx.msk [tilespmem:v28+s2+$0x0], $0xffff  }
0xc6: {  	v28 =	vld.idx.msk [tilespmem:v13+s2+$0x0], $0xffff;
	v13 =	vadd.s32 $0x2710, v22  }
0xc7: {  	v36 =	vld.idx.msk [tilespmem:v18+s2+$0x0], $0xffff;
	v18 =	vadd.s32 $0x4E20, v14  }
0xc8: {  	v37 =	vld.idx.msk [tilespmem:v15+s2+$0x0], $0xffff  }
0xc9: {  	v12 =	vld [tilespmem:s24+$0xFFFFFFC0]  }
0xca: {  	v10 =	vld [tilespmem:s24+$0xFFFFFFD0]  }
0xcb: {  	[tilespmem:v13+s18+$0x0] =	vst.idx.add.f32.msk $0xffff, v16  }
0xcc: {  	v38 =	vld.idx.msk [tilespmem:v18+s2+$0x0], $0xffff  }
0xcd: {  	v39 =	vadd.s32 $0x4E20, v22;
	v13 =	vld [tilespmem:s24+$0xFFFFFFE0]  }
0xce: {  	v42 =	vadd.s32 $0x7530, v14;
	v40 =	vadd.s32 $0x2710, v12;
	v41 =	vadd.s32 $0x4E20, v12;
	v15 =	vld [tilespmem:s24+$0xFFFFFFF0]  }
0xcf: {  	v43 =	vadd.s32 $0x7530, v12;
	v44 =	vadd.s32 $0x2710, v10;
	v45 =	vadd.s32 $0x4E20, v10;
	v18 =	vld [tilespmem:s24+$0x0]  }
0xd0: {  	v46 =	vadd.s32 $0x7530, v10;
	v16 =	vld [tilespmem:s24+$0x10]  }
0xd1: {  	v14 =	vld [tilespmem:s24+$0x20]  }
0xd2: {  	v47 =	vadd.s32 $0x2710, v13;
	v48 =	vadd.s32 $0x4E20, v13;
	v49 =	vadd.s32 $0x7530, v13;
	[tilespmem:v39+s18+$0x0] =	vst.idx.add.f32.msk $0xffff, v38  }
0xd3: {  	v38 =	vadd.s32 $0x2710, v15;
	v39 =	vadd.s32 $0x4E20, v15;
	v50 =	vadd.s32 $0x7530, v15;
	v42 =	vld.idx.msk [tilespmem:v42+s2+$0x0], $0xffff  }
0xd4: {  	v52 =	vadd.s32 $0x7530, v22;
	[tilespmem:v12+s18+$0x0] =	vst.idx.add.f32.msk $0xffff, v36;
	v36 =	vadd.s32 $0x2710, v18;
	v51 =	vadd.s32 $0x4E20, v18  }
0xd5: {  	[tilespmem:v10+s18+$0x0] =	vst.idx.add.f32.msk $0xffff, v26;
	v26 =	vadd.s32 $0x7530, v18;
	v53 =	vadd.s32 $0x2710, v16;
	v54 =	vadd.s32 $0x4E20, v16  }
0xd6: {  	[tilespmem:v13+s18+$0x0] =	vst.idx.add.f32.msk $0xffff, v29;
	v29 =	vadd.s32 $0x7530, v16;
	v55 =	vadd.s32 $0x2710, v14;
	v56 =	vadd.s32 $0x4E20, v14  }
0xd7: {  	[tilespmem:v15+s18+$0x0] =	vst.idx.add.f32.msk $0xffff, v30;
	v30 =	vadd.s32 $0x7530, v14  }
0xd8: {  	[tilespmem:v18+s18+$0x0] =	vst.idx.add.f32.msk $0xffff, v33  }
0xd9: {  	[tilespmem:v52+s18+$0x0] =	vst.idx.add.f32.msk $0xffff, v42  }
0xda: {  	[tilespmem:v22+s19+$0x0] =	vst.idx.add.f32.msk $0xffff, v1  }
0xdb: {  	[tilespmem:v16+s18+$0x0] =	vst.idx.add.f32.msk $0xffff, v28  }
0xdc: {  	[tilespmem:v14+s18+$0x0] =	vst.idx.add.f32.msk $0xffff, v37  }
0xdd: {  	v22 =	vld.idx.msk [tilespmem:v34+s2+$0x0], $0xffff  }
0xde: {  	v21 =	vld.idx.msk [tilespmem:v21+s2+$0x0], $0xffff  }
0xdf: {  	v23 =	vld.idx.msk [tilespmem:v23+s2+$0x0], $0xffff  }
0xe0: {  	v24 =	vld.idx.msk [tilespmem:v24+s2+$0x0], $0xffff  }
0xe1: {  	v25 =	vld.idx.msk [tilespmem:v25+s2+$0x0], $0xffff  }
0xe2: {  	v27 =	vld.idx.msk [tilespmem:v27+s2+$0x0], $0xffff  }
0xe3: {  	v28 =	vld.idx.msk [tilespmem:v31+s2+$0x0], $0xffff  }
0xe4: {  	[tilespmem:v40+s18+$0x0] =	vst.idx.add.f32.msk $0xffff, v22  }
0xe5: {  	[tilespmem:v44+s18+$0x0] =	vst.idx.add.f32.msk $0xffff, v21  }
0xe6: {  	[tilespmem:v47+s18+$0x0] =	vst.idx.add.f32.msk $0xffff, v23  }
0xe7: {  	[tilespmem:v38+s18+$0x0] =	vst.idx.add.f32.msk $0xffff, v24  }
0xe8: {  	[tilespmem:v36+s18+$0x0] =	vst.idx.add.f32.msk $0xffff, v25  }
0xe9: {  	[tilespmem:v53+s18+$0x0] =	vst.idx.add.f32.msk $0xffff, v27  }
0xea: {  	[tilespmem:v55+s18+$0x0] =	vst.idx.add.f32.msk $0xffff, v28  }
0xeb: {  	v21 =	vld.idx.msk [tilespmem:v35+s2+$0x0], $0xffff  }
0xec: {  	v8 =	vld.idx.msk [tilespmem:v8+s2+$0x0], $0xffff  }
0xed: {  	v9 =	vld.idx.msk [tilespmem:v9+s2+$0x0], $0xffff  }
0xee: {  	v11 =	vld.idx.msk [tilespmem:v11+s2+$0x0], $0xffff  }
0xef: {  	v19 =	vld.idx.msk [tilespmem:v19+s2+$0x0], $0xffff  }
0xf0: {  	v20 =	vld.idx.msk [tilespmem:v20+s2+$0x0], $0xffff  }
0xf1: {  	v22 =	vld.idx.msk [tilespmem:v32+s2+$0x0], $0xffff  }
0xf2: {  	[tilespmem:v41+s18+$0x0] =	vst.idx.add.f32.msk $0xffff, v21  }
0xf3: {  	[tilespmem:v45+s18+$0x0] =	vst.idx.add.f32.msk $0xffff, v8  }
0xf4: {  	[tilespmem:v48+s18+$0x0] =	vst.idx.add.f32.msk $0xffff, v9  }
0xf5: {  	[tilespmem:v39+s18+$0x0] =	vst.idx.add.f32.msk $0xffff, v11  }
0xf6: {  	[tilespmem:v51+s18+$0x0] =	vst.idx.add.f32.msk $0xffff, v19  }
0xf7: {  	[tilespmem:v54+s18+$0x0] =	vst.idx.add.f32.msk $0xffff, v20  }
0xf8: {  	[tilespmem:v56+s18+$0x0] =	vst.idx.add.f32.msk $0xffff, v22  }
0xf9: {  	v8 =	vld.idx.msk [tilespmem:v17+s2+$0x0], $0xffff  }
0xfa: {  	v2 =	vld.idx.msk [tilespmem:v2+s2+$0x0], $0xffff  }
0xfb: {  	v3 =	vld.idx.msk [tilespmem:v3+s2+$0x0], $0xffff  }
0xfc: {  	v4 =	vld.idx.msk [tilespmem:v4+s2+$0x0], $0xffff  }
0xfd: {  	v5 =	vld.idx.msk [tilespmem:v5+s2+$0x0], $0xffff  }
0xfe: {  	v6 =	vld.idx.msk [tilespmem:v6+s2+$0x0], $0xffff  }
0xff: {  	v7 =	vld.idx.msk [tilespmem:v7+s2+$0x0], $0xffff  }
0x100: {  	[tilespmem:v43+s18+$0x0] =	vst.idx.add.f32.msk $0xffff, v8  }
0x101: {  	[tilespmem:v12+s19+$0x0] =	vst.idx.add.f32.msk $0xffff, v1  }
0x102: {  	[tilespmem:v46+s18+$0x0] =	vst.idx.add.f32.msk $0xffff, v2  }
0x103: {  	[tilespmem:v10+s19+$0x0] =	vst.idx.add.f32.msk $0xffff, v1  }
0x104: {  	[tilespmem:v49+s18+$0x0] =	vst.idx.add.f32.msk $0xffff, v3  }
0x105: {  	[tilespmem:v13+s19+$0x0] =	vst.idx.add.f32.msk $0xffff, v1  }
0x106: {  	[tilespmem:v50+s18+$0x0] =	vst.idx.add.f32.msk $0xffff, v4  }
0x107: {  	[tilespmem:v15+s19+$0x0] =	vst.idx.add.f32.msk $0xffff, v1  }
0x108: {  	[tilespmem:v26+s18+$0x0] =	vst.idx.add.f32.msk $0xffff, v5  }
.Ltmp3:
0x109: {  	[tilespmem:v18+s19+$0x0] =	vst.idx.add.f32.msk $0xffff, v1;
	(pc) =	sbr.rel @p1 .LBB2_5-.Ltmp3, $4  }
0x10a: {  	[tilespmem:v29+s18+$0x0] =	vst.idx.add.f32.msk $0xffff, v6  }
0x10b: {  	[tilespmem:v16+s19+$0x0] =	vst.idx.add.f32.msk $0xffff, v1  }
0x10c: {  	[tilespmem:v30+s18+$0x0] =	vst.idx.add.f32.msk $0xffff, v7  }
0x10d: {  	s26 =	sadd.s32 $0x80, s26;
	[tilespmem:v14+s19+$0x0] =	vst.idx.add.f32.msk $0xffff, v1  }
0x10e: {  	p1 =	seq.s32 s23, $0x18  }
0x10f: {  	s24 =	smul.u32 @!p1 $0x3200, s23;
	_ =	sdelay $0x1  }
0x110: {  	s24 =	sshrl.u32 @!p1 s24, $0x3  }
0x111: {  	s24 =	sadd.s32 @!p1 $0x640, s24  }
0x112: {  	s26 =	simm.s32 @!p1 $0x0;
	s28 =	simm.s32 @!p1 $0x13900;
	s25 =	sadd.s32 @!p1 s3, s24  }
0x113: {  	[tilespmem:s28], [sflag:$0x1] =	stream.linear.gather @!p1 [hbm4b:s25+s26], $0x1900, $0x38;
	[tilespmem:$0x1C480] =	vst v63  }
0x114: {  	s24 =	sadd.s32 @!p1 s4, s24;
	s25 =	simm.s32 @!p1 $0x16B00  }
0x115: {  	[tilespmem:s25], [sflag:$0x3] =	stream.linear.gather @!p1 [hbm4b:s24+s26], $0x1900, $0x38;
	[tilespmem:$0x1C480] =	vst v63  }
0x116: {  	_ =	swait.ge [sflag:s20], $0x1900  }
0x117: {  	[sflag:s20] =	ssyncset.done $0x0  }
0x118: {  	[sflag:s20] =	ssyncadd.s32 $0xFFFFE700  }
0x119: {  	_ =	swait.ge [sflag:s21], $0x1900  }
0x11a: {  	[sflag:s21] =	ssyncset.done $0x0  }
0x11b: {  	s31 =	simm.s32 $0x15240;
	[sflag:s21] =	ssyncadd.s32 $0xFFFFE700  }
0x11c: {  	v2 =	vld [tilespmem:s31+$0x30]  }
0x11d: {  	v3 =	vld [tilespmem:s31+$0xFFFFFFD0]  }
0x11e: {  	v4 =	vld [tilespmem:s31+$0xFFFFFFE0]  }
0x11f: {  	v5 =	vld [tilespmem:s31+$0xFFFFFFF0]  }
0x120: {  	v6 =	vld [tilespmem:s31+$0x0]  }
0x121: {  	s24 =	simm.s32 $0x18440;
	v7 =	vld [tilespmem:s31+$0x10]  }
0x122: {  	v8 =	vld [tilespmem:s24+$0x30]  }
0x123: {  	v9 =	vld [tilespmem:s31+$0x20]  }
0x124: {  	v11 =	vld [tilespmem:s31+$0xFFFFFFC0]  }
0x125: {  	v21 =	vld [tilespmem:s24+$0xFFFFFFC0]  }
0x126: {  	v22 =	vld [tilespmem:s24+$0xFFFFFFD0]  }
0x127: {  	v32 =	vld [tilespmem:s24+$0xFFFFFFE0]  }
0x128: {  	v23 =	vld [tilespmem:s24+$0xFFFFFFF0]  }
0x129: {  	v24 =	vld [tilespmem:s24+$0x0]  }
0x12a: {  	v25 =	vld [tilespmem:s24+$0x10]  }
0x12b: {  	v26 =	vld [tilespmem:s24+$0x20]  }
0x12c: {  	v10 =	vld.idx.msk [tilespmem:v2+s2+$0x0], $0xffff  }
0x12d: {  	v12 =	vld.idx.msk [tilespmem:v3+s2+$0x0], $0xffff  }
0x12e: {  	v14 =	vld.idx.msk [tilespmem:v4+s2+$0x0], $0xffff  }
0x12f: {  	v15 =	vld.idx.msk [tilespmem:v5+s2+$0x0], $0xffff  }
0x130: {  	v18 =	vld.idx.msk [tilespmem:v11+s2+$0x0], $0xffff  }
0x131: {  	v16 =	vld.idx.msk [tilespmem:v6+s2+$0x0], $0xffff  }
0x132: {  	v31 =	vld.idx.msk [tilespmem:v7+s2+$0x0], $0xffff  }
0x133: {  	v20 =	vld.idx.msk [tilespmem:v9+s2+$0x0], $0xffff  }
0x134: {  	v13 =	vadd.s32 $0x2710, v2;
	[tilespmem:v8+s18+$0x0] =	vst.idx.add.f32.msk $0xffff, v10  }
0x135: {  	[tilespmem:v21+s18+$0x0] =	vst.idx.add.f32.msk $0xffff, v18  }
0x136: {  	[tilespmem:v22+s18+$0x0] =	vst.idx.add.f32.msk $0xffff, v12  }
0x137: {  	[tilespmem:v32+s18+$0x0] =	vst.idx.add.f32.msk $0xffff, v14  }
0x138: {  	v35 =	vadd.s32 $0x2710, v11;
	[tilespmem:v23+s18+$0x0] =	vst.idx.add.f32.msk $0xffff, v15  }
0x139: {  	v17 =	vadd.s32 $0x2710, v8;
	v10 =	vld.idx.msk [tilespmem:v13+s2+$0x0], $0xffff  }
0x13a: {  	v19 =	vadd.s32 $0x4E20, v2;
	[tilespmem:v24+s18+$0x0] =	vst.idx.add.f32.msk $0xffff, v16  }
0x13b: {  	v36 =	vadd.s32 $0x2710, v3;
	[tilespmem:v25+s18+$0x0] =	vst.idx.add.f32.msk $0xffff, v31  }
0x13c: {  	v39 =	vadd.s32 $0x2710, v7;
	[tilespmem:v26+s18+$0x0] =	vst.idx.add.f32.msk $0xffff, v20  }
0x13d: {  	v40 =	vadd.s32 $0x2710, v9;
	v12 =	vld.idx.msk [tilespmem:v35+s2+$0x0], $0xffff  }
0x13e: {  	v41 =	vadd.s32 $0x2710, v21;
	[tilespmem:v17+s18+$0x0] =	vst.idx.add.f32.msk $0xffff, v10  }
0x13f: {  	v33 =	vadd.s32 $0x4E20, v8;
	v10 =	vld.idx.msk [tilespmem:v19+s2+$0x0], $0xffff  }
0x140: {  	v2 =	vadd.s32 $0x7530, v2;
	v14 =	vld.idx.msk [tilespmem:v36+s2+$0x0], $0xffff  }
0x141: {  	v42 =	vadd.s32 $0x2710, v22;
	v13 =	vld.idx.msk [tilespmem:v39+s2+$0x0], $0xffff  }
0x142: {  	v28 =	vadd.s32 $0x2710, v25;
	v15 =	vld.idx.msk [tilespmem:v40+s2+$0x0], $0xffff  }
0x143: {  	v45 =	vadd.s32 $0x2710, v26;
	[tilespmem:v41+s18+$0x0] =	vst.idx.add.f32.msk $0xffff, v12  }
0x144: {  	v46 =	vadd.s32 $0x4E20, v11;
	[tilespmem:v33+s18+$0x0] =	vst.idx.add.f32.msk $0xffff, v10  }
0x145: {  	v34 =	vadd.s32 $0x7530, v8;
	v2 =	vld.idx.msk [tilespmem:v2+s2+$0x0], $0xffff  }
0x146: {  	v50 =	vadd.s32 $0x4E20, v7;
	[tilespmem:v42+s18+$0x0] =	vst.idx.add.f32.msk $0xffff, v14  }
0x147: {  	v51 =	vadd.s32 $0x4E20, v9;
	[tilespmem:v28+s18+$0x0] =	vst.idx.add.f32.msk $0xffff, v13  }
0x148: {  	v38 =	vadd.s32 $0x2710, v6;
	[tilespmem:v45+s18+$0x0] =	vst.idx.add.f32.msk $0xffff, v15  }
0x149: {  	v52 =	vadd.s32 $0x4E20, v21;
	v14 =	vld.idx.msk [tilespmem:v46+s2+$0x0], $0xffff  }
0x14a: {  	[tilespmem:v34+s18+$0x0] =	vst.idx.add.f32.msk $0xffff, v2;
	v2 =	vadd.s32 $0x2710, v4  }
0x14b: {  	v57 =	vadd.s32 $0x4E20, v25;
	v12 =	vld.idx.msk [tilespmem:v50+s2+$0x0], $0xffff  }
0x14c: {  	v58 =	vadd.s32 $0x4E20, v26;
	v15 =	vld.idx.msk [tilespmem:v51+s2+$0x0], $0xffff  }
0x14d: {  	v7 =	vadd.s32 $0x7530, v7;
	v10 =	vld.idx.msk [tilespmem:v38+s2+$0x0], $0xffff  }
0x14e: {  	v27 =	vadd.s32 $0x2710, v24;
	[tilespmem:v52+s18+$0x0] =	vst.idx.add.f32.msk $0xffff, v14  }
0x14f: {  	v43 =	vadd.s32 $0x2710, v32;
	v2 =	vld.idx.msk [tilespmem:v2+s2+$0x0], $0xffff  }
0x150: {  	[tilespmem:v57+s18+$0x0] =	vst.idx.add.f32.msk $0xffff, v12  }
0x151: {  	v37 =	vadd.s32 $0x2710, v5;
	[tilespmem:v58+s18+$0x0] =	vst.idx.add.f32.msk $0xffff, v15  }
0x152: {  	v49 =	vadd.s32 $0x4E20, v6;
	v7 =	vld.idx.msk [tilespmem:v7+s2+$0x0], $0xffff  }
0x153: {  	v63 =	vadd.s32 $0x7530, v25;
	[tilespmem:v27+s18+$0x0] =	vst.idx.add.f32.msk $0xffff, v10  }
0x154: {  	[tilespmem:v43+s18+$0x0] =	vst.idx.add.f32.msk $0xffff, v2;
	v2 =	vadd.s32 $0x4E20, v3  }
0x155: {  	[tilespmem:v8+s19+$0x0] =	vst.idx.add.f32.msk $0xffff, v1  }
0x156: {  	v44 =	vadd.s32 $0x2710, v23;
	v8 =	vld.idx.msk [tilespmem:v37+s2+$0x0], $0xffff  }
0x157: {  	v48 =	vadd.s32 $0x4E20, v5;
	v13 =	vld.idx.msk [tilespmem:v49+s2+$0x0], $0xffff  }
0x158: {  	v47 =	vadd.s32 $0x4E20, v4;
	[tilespmem:v63+s18+$0x0] =	vst.idx.add.f32.msk $0xffff, v7  }
0x159: {  	v53 =	vadd.s32 $0x4E20, v22;
	v2 =	vld.idx.msk [tilespmem:v2+s2+$0x0], $0xffff  }
0x15a: {  	v56 =	vadd.s32 $0x4E20, v24;
	[tilespmem:v25+s19+$0x0] =	vst.idx.add.f32.msk $0xffff, v1  }
0x15b: {  	v6 =	vadd.s32 $0x7530, v6;
	[tilespmem:v44+s18+$0x0] =	vst.idx.add.f32.msk $0xffff, v8  }
0x15c: {  	v55 =	vadd.s32 $0x4E20, v23;
	v10 =	vld.idx.msk [tilespmem:v48+s2+$0x0], $0xffff  }
0x15d: {  	v54 =	vadd.s32 $0x4E20, v32;
	v8 =	vld.idx.msk [tilespmem:v47+s2+$0x0], $0xffff  }
0x15e: {  	[tilespmem:v53+s18+$0x0] =	vst.idx.add.f32.msk $0xffff, v2;
	v2 =	vadd.s32 $0x7530, v11  }
0x15f: {  	v4 =	vadd.s32 $0x7530, v4;
	[tilespmem:v56+s18+$0x0] =	vst.idx.add.f32.msk $0xffff, v13  }
0x160: {  	v6 =	vld.idx.msk [tilespmem:v6+s2+$0x0], $0xffff;
	v3 =	vadd.s32 $0x7530, v3  }
0x161: {  	v5 =	vadd.s32 $0x7530, v5;
	[tilespmem:v55+s18+$0x0] =	vst.idx.add.f32.msk $0xffff, v10  }
0x162: {  	v59 =	vadd.s32 $0x7530, v9;
	[tilespmem:v54+s18+$0x0] =	vst.idx.add.f32.msk $0xffff, v8  }
0x163: {  	v60 =	vadd.s32 $0x7530, v21;
	v2 =	vld.idx.msk [tilespmem:v2+s2+$0x0], $0xffff  }
0x164: {  	v62 =	vadd.s32 $0x7530, v32;
	v4 =	vld.idx.msk [tilespmem:v4+s2+$0x0], $0xffff  }
0x165: {  	v61 =	vadd.s32 $0x7530, v22;
	v3 =	vld.idx.msk [tilespmem:v3+s2+$0x0], $0xffff  }
0x166: {  	v5 =	vld.idx.msk [tilespmem:v5+s2+$0x0], $0xffff  }
0x167: {  	v8 =	vld.idx.msk [tilespmem:v59+s2+$0x0], $0xffff  }
0x168: {  	[tilespmem:v60+s18+$0x0] =	vst.idx.add.f32.msk $0xffff, v2;
	v2 =	vadd.s32 $0x7530, v23  }
0x169: {  	[tilespmem:v62+s18+$0x0] =	vst.idx.add.f32.msk $0xffff, v4  }
0x16a: {  	[tilespmem:v61+s18+$0x0] =	vst.idx.add.f32.msk $0xffff, v3;
	v3 =	vadd.s32 $0x7530, v24  }
0x16b: {  	[tilespmem:v32+s19+$0x0] =	vst.idx.add.f32.msk $0xffff, v1  }
0x16c: {  	[tilespmem:v22+s19+$0x0] =	vst.idx.add.f32.msk $0xffff, v1  }
0x16d: {  	[tilespmem:v2+s18+$0x0] =	vst.idx.add.f32.msk $0xffff, v5;
	v2 =	vadd.s32 $0x7530, v26  }
0x16e: {  	[tilespmem:v21+s19+$0x0] =	vst.idx.add.f32.msk $0xffff, v1  }
0x16f: {  	[tilespmem:v3+s18+$0x0] =	vst.idx.add.f32.msk $0xffff, v6  }
0x170: {  	[tilespmem:v24+s19+$0x0] =	vst.idx.add.f32.msk $0xffff, v1  }
0x171: {  	[tilespmem:v23+s19+$0x0] =	vst.idx.add.f32.msk $0xffff, v1  }
0x172: {  	[tilespmem:v2+s18+$0x0] =	vst.idx.add.f32.msk $0xffff, v8  }
0x173: {  	s25 =	simm.s32 $0x0;
	s26 =	simm.s32 $0x152C0;
	[tilespmem:v26+s19+$0x0] =	vst.idx.add.f32.msk $0xffff, v1  }
.LBB2_7:
0x174: {  	v14 =	vld [tilespmem:s26+$0x30]  }
0x175: {  	s25 =	sadd.s32 $0x8, s25;
	v6 =	vld [tilespmem:s26+$0xFFFFFFD0]  }
0x176: {  	p2 =	slt.u32 s25, $0x188;
	v7 =	vld [tilespmem:s26+$0xFFFFFFE0]  }
0x177: {  	v10 =	vld [tilespmem:s26+$0xFFFFFFF0]  }
0x178: {  	v12 =	vld [tilespmem:s26+$0x0]  }
0x179: {  	s24 =	sadd.s32 $0x80, s24;
	v13 =	vld [tilespmem:s26+$0x10]  }
0x17a: {  	v21 =	vadd.s32 $0x2710, v6;
	v8 =	vadd.s32 $0x4E20, v6;
	v2 =	vadd.s32 $0x7530, v6;
	v22 =	vld [tilespmem:s24+$0x30]  }
0x17b: {  	v23 =	vadd.s32 $0x2710, v7;
	v9 =	vadd.s32 $0x4E20, v7;
	v3 =	vadd.s32 $0x7530, v7;
	v15 =	vld [tilespmem:s26+$0x20]  }
0x17c: {  	v24 =	vadd.s32 $0x2710, v10;
	v11 =	vadd.s32 $0x4E20, v10;
	v4 =	vadd.s32 $0x7530, v10;
	v16 =	vld.idx.msk [tilespmem:v14+s2+$0x0], $0xffff  }
0x17d: {  	v18 =	vld [tilespmem:s26+$0xFFFFFFC0];
	v25 =	vadd.s32 $0x2710, v12;
	v19 =	vadd.s32 $0x4E20, v12;
	v5 =	vadd.s32 $0x7530, v12  }
0x17e: {  	v28 =	vadd.s32 $0x2710, v14;
	v26 =	vld.idx.msk [tilespmem:v6+s2+$0x0], $0xffff;
	v27 =	vadd.s32 $0x2710, v13;
	v20 =	vadd.s32 $0x4E20, v13  }
0x17f: {  	v6 =	vadd.s32 $0x7530, v13;
	v29 =	vld.idx.msk [tilespmem:v7+s2+$0x0], $0xffff  }
0x180: {  	v30 =	vld.idx.msk [tilespmem:v10+s2+$0x0], $0xffff;
	v31 =	vadd.s32 $0x2710, v15;
	v32 =	vadd.s32 $0x4E20, v15;
	v7 =	vadd.s32 $0x7530, v15  }
0x181: {  	v33 =	vld.idx.msk [tilespmem:v12+s2+$0x0], $0xffff  }
0x182: {  	v34 =	vadd.s32 $0x2710, v18;
	v35 =	vadd.s32 $0x4E20, v18;
	v17 =	vadd.s32 $0x7530, v18;
	[tilespmem:v22+s18+$0x0] =	vst.idx.add.f32.msk $0xffff, v16  }
0x183: {  	v16 =	vld.idx.msk [tilespmem:v28+s2+$0x0], $0xffff  }
0x184: {  	v28 =	vld.idx.msk [tilespmem:v13+s2+$0x0], $0xffff;
	v13 =	vadd.s32 $0x2710, v22  }
0x185: {  	v36 =	vld.idx.msk [tilespmem:v18+s2+$0x0], $0xffff;
	v18 =	vadd.s32 $0x4E20, v14  }
0x186: {  	v37 =	vld.idx.msk [tilespmem:v15+s2+$0x0], $0xffff  }
0x187: {  	v12 =	vld [tilespmem:s24+$0xFFFFFFC0]  }
0x188: {  	v10 =	vld [tilespmem:s24+$0xFFFFFFD0]  }
0x189: {  	[tilespmem:v13+s18+$0x0] =	vst.idx.add.f32.msk $0xffff, v16  }
0x18a: {  	v38 =	vld.idx.msk [tilespmem:v18+s2+$0x0], $0xffff  }
0x18b: {  	v39 =	vadd.s32 $0x4E20, v22;
	v13 =	vld [tilespmem:s24+$0xFFFFFFE0]  }
0x18c: {  	v42 =	vadd.s32 $0x7530, v14;
	v40 =	vadd.s32 $0x2710, v12;
	v41 =	vadd.s32 $0x4E20, v12;
	v15 =	vld [tilespmem:s24+$0xFFFFFFF0]  }
0x18d: {  	v43 =	vadd.s32 $0x7530, v12;
	v44 =	vadd.s32 $0x2710, v10;
	v45 =	vadd.s32 $0x4E20, v10;
	v18 =	vld [tilespmem:s24+$0x0]  }
0x18e: {  	v46 =	vadd.s32 $0x7530, v10;
	v16 =	vld [tilespmem:s24+$0x10]  }
0x18f: {  	v14 =	vld [tilespmem:s24+$0x20]  }
0x190: {  	v47 =	vadd.s32 $0x2710, v13;
	v48 =	vadd.s32 $0x4E20, v13;
	v49 =	vadd.s32 $0x7530, v13;
	[tilespmem:v39+s18+$0x0] =	vst.idx.add.f32.msk $0xffff, v38  }
0x191: {  	v38 =	vadd.s32 $0x2710, v15;
	v39 =	vadd.s32 $0x4E20, v15;
	v50 =	vadd.s32 $0x7530, v15;
	v42 =	vld.idx.msk [tilespmem:v42+s2+$0x0], $0xffff  }
0x192: {  	v52 =	vadd.s32 $0x7530, v22;
	[tilespmem:v12+s18+$0x0] =	vst.idx.add.f32.msk $0xffff, v36;
	v36 =	vadd.s32 $0x2710, v18;
	v51 =	vadd.s32 $0x4E20, v18  }
0x193: {  	[tilespmem:v10+s18+$0x0] =	vst.idx.add.f32.msk $0xffff, v26;
	v26 =	vadd.s32 $0x7530, v18;
	v53 =	vadd.s32 $0x2710, v16;
	v54 =	vadd.s32 $0x4E20, v16  }
0x194: {  	[tilespmem:v13+s18+$0x0] =	vst.idx.add.f32.msk $0xffff, v29;
	v29 =	vadd.s32 $0x7530, v16;
	v55 =	vadd.s32 $0x2710, v14;
	v56 =	vadd.s32 $0x4E20, v14  }
0x195: {  	[tilespmem:v15+s18+$0x0] =	vst.idx.add.f32.msk $0xffff, v30;
	v30 =	vadd.s32 $0x7530, v14  }
0x196: {  	[tilespmem:v18+s18+$0x0] =	vst.idx.add.f32.msk $0xffff, v33  }
0x197: {  	[tilespmem:v52+s18+$0x0] =	vst.idx.add.f32.msk $0xffff, v42  }
0x198: {  	[tilespmem:v22+s19+$0x0] =	vst.idx.add.f32.msk $0xffff, v1  }
0x199: {  	[tilespmem:v16+s18+$0x0] =	vst.idx.add.f32.msk $0xffff, v28  }
0x19a: {  	[tilespmem:v14+s18+$0x0] =	vst.idx.add.f32.msk $0xffff, v37  }
0x19b: {  	v22 =	vld.idx.msk [tilespmem:v34+s2+$0x0], $0xffff  }
0x19c: {  	v21 =	vld.idx.msk [tilespmem:v21+s2+$0x0], $0xffff  }
0x19d: {  	v23 =	vld.idx.msk [tilespmem:v23+s2+$0x0], $0xffff  }
0x19e: {  	v24 =	vld.idx.msk [tilespmem:v24+s2+$0x0], $0xffff  }
0x19f: {  	v25 =	vld.idx.msk [tilespmem:v25+s2+$0x0], $0xffff  }
0x1a0: {  	v27 =	vld.idx.msk [tilespmem:v27+s2+$0x0], $0xffff  }
0x1a1: {  	v28 =	vld.idx.msk [tilespmem:v31+s2+$0x0], $0xffff  }
0x1a2: {  	[tilespmem:v40+s18+$0x0] =	vst.idx.add.f32.msk $0xffff, v22  }
0x1a3: {  	[tilespmem:v44+s18+$0x0] =	vst.idx.add.f32.msk $0xffff, v21  }
0x1a4: {  	[tilespmem:v47+s18+$0x0] =	vst.idx.add.f32.msk $0xffff, v23  }
0x1a5: {  	[tilespmem:v38+s18+$0x0] =	vst.idx.add.f32.msk $0xffff, v24  }
0x1a6: {  	[tilespmem:v36+s18+$0x0] =	vst.idx.add.f32.msk $0xffff, v25  }
0x1a7: {  	[tilespmem:v53+s18+$0x0] =	vst.idx.add.f32.msk $0xffff, v27  }
0x1a8: {  	[tilespmem:v55+s18+$0x0] =	vst.idx.add.f32.msk $0xffff, v28  }
0x1a9: {  	v21 =	vld.idx.msk [tilespmem:v35+s2+$0x0], $0xffff  }
0x1aa: {  	v8 =	vld.idx.msk [tilespmem:v8+s2+$0x0], $0xffff  }
0x1ab: {  	v9 =	vld.idx.msk [tilespmem:v9+s2+$0x0], $0xffff  }
0x1ac: {  	v11 =	vld.idx.msk [tilespmem:v11+s2+$0x0], $0xffff  }
0x1ad: {  	v19 =	vld.idx.msk [tilespmem:v19+s2+$0x0], $0xffff  }
0x1ae: {  	v20 =	vld.idx.msk [tilespmem:v20+s2+$0x0], $0xffff  }
0x1af: {  	v22 =	vld.idx.msk [tilespmem:v32+s2+$0x0], $0xffff  }
0x1b0: {  	[tilespmem:v41+s18+$0x0] =	vst.idx.add.f32.msk $0xffff, v21  }
0x1b1: {  	[tilespmem:v45+s18+$0x0] =	vst.idx.add.f32.msk $0xffff, v8  }
0x1b2: {  	[tilespmem:v48+s18+$0x0] =	vst.idx.add.f32.msk $0xffff, v9  }
0x1b3: {  	[tilespmem:v39+s18+$0x0] =	vst.idx.add.f32.msk $0xffff, v11  }
0x1b4: {  	[tilespmem:v51+s18+$0x0] =	vst.idx.add.f32.msk $0xffff, v19  }
0x1b5: {  	[tilespmem:v54+s18+$0x0] =	vst.idx.add.f32.msk $0xffff, v20  }
0x1b6: {  	[tilespmem:v56+s18+$0x0] =	vst.idx.add.f32.msk $0xffff, v22  }
0x1b7: {  	v8 =	vld.idx.msk [tilespmem:v17+s2+$0x0], $0xffff  }
0x1b8: {  	v2 =	vld.idx.msk [tilespmem:v2+s2+$0x0], $0xffff  }
0x1b9: {  	v3 =	vld.idx.msk [tilespmem:v3+s2+$0x0], $0xffff  }
0x1ba: {  	v4 =	vld.idx.msk [tilespmem:v4+s2+$0x0], $0xffff  }
0x1bb: {  	v5 =	vld.idx.msk [tilespmem:v5+s2+$0x0], $0xffff  }
0x1bc: {  	v6 =	vld.idx.msk [tilespmem:v6+s2+$0x0], $0xffff  }
0x1bd: {  	v7 =	vld.idx.msk [tilespmem:v7+s2+$0x0], $0xffff  }
0x1be: {  	[tilespmem:v43+s18+$0x0] =	vst.idx.add.f32.msk $0xffff, v8  }
0x1bf: {  	[tilespmem:v12+s19+$0x0] =	vst.idx.add.f32.msk $0xffff, v1  }
0x1c0: {  	[tilespmem:v46+s18+$0x0] =	vst.idx.add.f32.msk $0xffff, v2  }
0x1c1: {  	[tilespmem:v10+s19+$0x0] =	vst.idx.add.f32.msk $0xffff, v1  }
0x1c2: {  	[tilespmem:v49+s18+$0x0] =	vst.idx.add.f32.msk $0xffff, v3  }
0x1c3: {  	[tilespmem:v13+s19+$0x0] =	vst.idx.add.f32.msk $0xffff, v1  }
0x1c4: {  	[tilespmem:v50+s18+$0x0] =	vst.idx.add.f32.msk $0xffff, v4  }
0x1c5: {  	[tilespmem:v15+s19+$0x0] =	vst.idx.add.f32.msk $0xffff, v1  }
0x1c6: {  	[tilespmem:v26+s18+$0x0] =	vst.idx.add.f32.msk $0xffff, v5  }
.Ltmp4:
0x1c7: {  	[tilespmem:v18+s19+$0x0] =	vst.idx.add.f32.msk $0xffff, v1;
	(pc) =	sbr.rel @p2 .LBB2_7-.Ltmp4, $4  }
0x1c8: {  	[tilespmem:v29+s18+$0x0] =	vst.idx.add.f32.msk $0xffff, v6  }
0x1c9: {  	[tilespmem:v16+s19+$0x0] =	vst.idx.add.f32.msk $0xffff, v1  }
0x1ca: {  	[tilespmem:v30+s18+$0x0] =	vst.idx.add.f32.msk $0xffff, v7  }
0x1cb: {  	s26 =	sadd.s32 $0x80, s26;
	[tilespmem:v14+s19+$0x0] =	vst.idx.add.f32.msk $0xffff, v1  }
.Ltmp5:
0x1cc: {  	(pc) =	sbr.rel @p1 .LBB2_10-.Ltmp5, $1  }
0x1cd: {  	_ =	sdelay $0x3  }
0x1ce: {  	s24 =	smul.u32 $0x3200, s23;
	_ =	sdelay $0x1  }
0x1cf: {  	s24 =	sshrl.u32 s24, $0x3  }
.Ltmp6:
0x1d0: {  	s24 =	sadd.s32 $0x960, s24;
	(pc) =	sbr.rel .LBB2_4-.Ltmp6, $4  }
0x1d1: {  	s25 =	sadd.s32 s3, s24  }
0x1d2: {  	[tilespmem:s13], [sflag:$0x2] =	stream.linear.gather [hbm4b:s25+s2], $0x1900, $0x38;
	[tilespmem:$0x1C480] =	vst v63  }
0x1d3: {  	s23 =	sadd.s32 $0x1, s23;
	s24 =	sadd.s32 s4, s24  }
0x1d4: {  	[tilespmem:s14], [sflag:$0x4] =	stream.linear.gather [hbm4b:s24+s2], $0x1900, $0x38;
	[tilespmem:$0x1C480] =	vst v63  }
.LBB2_11:
0x1d5: {  	_ =	sfence.sel $0x180000  }
0x1d6: {  	[bflag:$0x0] =	sbarrier.arrive $0xFFFF  }
0x1d7: {  	p0 =	sne.s32 s1, $0x0;
	_ =	strace $0x90000047  }
0x1d8: {  	s0 =	sadd.s32 @!p0 $0x100000, s0;
	[bflag:$0x2] =	sbarrier.arrive $0xFFFF  }
0x1d9: {  	[sflag:s0] =	ssyncadd.tile.s32 @!p0 $0x1;
	_ =	shalt  }
.Lfunc_end2:
_tile_overlayer_lowered:
.L_overlay_start_2:
0x1da: {  	(tag) =	ssettag $0x2  }
0x1db: {  	s0 =	rddreg [dreg:$0x0];
	s2 =	stileid.u32  }
0x1dc: {  	s1 =	rddreg [dreg:$0x1];
	p0 =	sne.s32 s2, $0x0  }
0x1dd: {  	s3 =	rddreg [dreg:$0x2];
	[bflag:$0x3] =	sbarrier.arrive $0xFFFF;
	s2 =	simm.s32 @!p0 $0x1C05  }
0x1de: {  	[timem:s3], [sflag:s2] =	dma.local @!p0 [hbm:s0], s1  }
0x1df: {  	s0 =	simm.s32 @!p0 $0x5  }
0x1e0: {  	_ =	swait.ge @!p0 [sflag:s0], s1  }
0x1e1: {  	s1 =	ssub.s32 @!p0 $0x0, s1;
	[sflag:s0] =	ssyncset.done @!p0 $0x0  }
0x1e2: {  	[sflag:s0] =	ssyncadd.s32 @!p0 s1  }
0x1e3: {  	[bflag:$0x3] =	sbarrier.arrive $0xFFFF  }
0x1e4: {  	_ =	shalt  }

</sc_bundles>
